<compile_context>
chip_gen: v7x
topology: tpu7x:2x2x1
jax: 0.10.2.dev20260603
libtpu: 0.0.44.dev20260713+nightly
codegen_flags: <defaults>
</compile_context>

<pallas_src>
import functools
import math

import jax
import jax.numpy as jnp
from jax import lax
from jax.experimental import pallas as pl
from jax.experimental.pallas import tpu as pltpu
from jax.experimental.pallas import tpu_sc as plsc

_CHUNK = 64


def _sc_gather(ids, table):
    T = ids.shape[0]
    V, D = table.shape
    info = plsc.get_sparse_core_info()
    NC, NS = info.num_cores, info.num_subcores
    NW = NC * NS
    n_chunks = T // _CHUNK
    per_w = n_chunks // NW
    ids3 = ids.reshape(NW, per_w, _CHUNK)

    @functools.partial(
        pl.kernel,
        mesh=plsc.VectorSubcoreMesh(core_axis_name="c", subcore_axis_name="s"),
        out_type=jax.ShapeDtypeStruct((n_chunks, _CHUNK, D), jnp.float32),
        scratch_types=[
            pltpu.VMEM((per_w, _CHUNK), jnp.int32),
            pltpu.VMEM((_CHUNK, D), jnp.float32),
            pltpu.VMEM((_CHUNK, D), jnp.float32),
            pltpu.SemaphoreType.DMA,
            pltpu.SemaphoreType.DMA,
            pltpu.SemaphoreType.DMA,
            pltpu.SemaphoreType.DMA,
        ],
    )
    def gk(ids_hbm, table_hbm, out_hbm, idx_all, rows0, rows1, g0, g1, s0, s1):
        wid = lax.axis_index("s") * NC + lax.axis_index("c")
        pltpu.sync_copy(ids_hbm.at[wid], idx_all)
        rows = (rows0, rows1)
        gsem = (g0, g1)
        ssem = (s0, s1)
        base = wid * per_w
        gathers = {}
        stores = {}
        gathers[0] = pltpu.async_copy(table_hbm.at[idx_all.at[0]], rows[0], gsem[0])
        for i in range(per_w):
            cur = i & 1
            if i + 1 < per_w:
                if i >= 1:
                    stores[i - 1].wait()
                gathers[i + 1] = pltpu.async_copy(
                    table_hbm.at[idx_all.at[i + 1]], rows[1 - cur], gsem[1 - cur])
            gathers[i].wait()
            stores[i] = pltpu.async_copy(rows[cur], out_hbm.at[base + i], ssem[cur])
        stores[per_w - 2].wait()
        stores[per_w - 1].wait()

    return gk(ids3, table).reshape(T, D)


def _tc_body(attr_ref, sg_ref, wth_ref, idxg_ref, idxr_ref, idxs_ref,
             mask_ref, w1_ref, wb_ref, g_ref, b_ref,
             sgout_ref, attrout_ref, msg_ref, oo_ref):
    f32, bf16 = jnp.float32, jnp.bfloat16
    N, D = sg_ref.shape[1], sg_ref.shape[2]
    R = idxr_ref.shape[1]

    sg_b = sg_ref[0]
    attr_cat = attr_ref[0].astype(bf16)
    idx_g = idxg_ref[0]
    idx_r = idxr_ref[0]
    idx_s = idxs_ref[0]

    attr_feat = jnp.maximum(
        jnp.dot(attr_cat, w1_ref[...], preferred_element_type=f32), 0.0)
    attrout_ref[0] = attr_feat

    sg_hi = sg_b.astype(bf16)
    sg_lo = (sg_b - sg_hi.astype(f32)).astype(bf16)
    iota_g = lax.broadcasted_iota(jnp.int32, (2 * R, N), 1)
    oh_g = (iota_g == idx_g).astype(bf16)
    feats = (jnp.dot(oh_g, sg_hi, preferred_element_type=f32)
             + jnp.dot(oh_g, sg_lo, preferred_element_type=f32))
    sub_feat = feats[:R]
    obj_feat = feats[R:]

    iota_r = lax.broadcasted_iota(jnp.int32, (R, N), 1)
    oh_r = (iota_r == idx_r).astype(bf16)
    rel_bf = jnp.dot(oh_r, wth_ref[...], preferred_element_type=f32).astype(bf16)

    sub_bf = sub_feat.astype(bf16)
    obj_bf = obj_feat.astype(bf16)
    wb = wb_ref[...]
    msg_both = jnp.maximum(
        jnp.dot(sub_bf, wb[:D], preferred_element_type=f32)
        + jnp.dot(obj_bf, wb[D:2 * D], preferred_element_type=f32)
        + jnp.dot(rel_bf, wb[2 * D:], preferred_element_type=f32), 0.0)
    msg_ref[0] = msg_both[:, :D]

    msg_cat = jnp.concatenate(
        [msg_both[:, :D], msg_both[:, D:]], axis=0).astype(bf16)
    iota_s = lax.broadcasted_iota(jnp.int32, (N, 2 * R), 0)
    oh_s = (iota_s == idx_s).astype(bf16)
    agg = jnp.dot(oh_s, msg_cat, preferred_element_type=f32)

    oo_ref[0] = jnp.sum(sub_feat * obj_feat, axis=1, keepdims=True) * (
        1.0 / math.sqrt(D))

    sg_new = jnp.maximum(sg_b + agg + attr_feat, 0.0) * mask_ref[0]
    mu = jnp.mean(sg_new, axis=1, keepdims=True)
    xc = sg_new - mu
    var = jnp.mean(xc * xc, axis=1, keepdims=True)
    sgout_ref[0] = (xc * lax.rsqrt(var + 1e-5)) * g_ref[...] + b_ref[...]


def _tc_forward(attr_cat3, sg, wt_head, idx_gcat, idx_rel, idx_scat, mask3,
                w1_bf, wb_bf, g2, b2, interpret=False):
    B, N, D = sg.shape
    R = idx_rel.shape[1]
    f32 = jnp.float32
    bspec = lambda shp: pl.BlockSpec(shp, lambda b: (b, 0, 0))
    cspec = lambda shp: pl.BlockSpec(shp, lambda b: (0,) * len(shp))
    return pl.pallas_call(
        _tc_body,
        grid=(B,),
        in_specs=[
            bspec((1, N, 2 * D)),
            bspec((1, N, D)),
            cspec((N, D)),
            bspec((1, 2 * R, 1)),
            bspec((1, R, 1)),
            bspec((1, 1, 2 * R)),
            bspec((1, N, 1)),
            cspec((2 * D, D)),
            cspec((3 * D, 2 * D)),
            cspec((1, D)),
            cspec((1, D)),
        ],
        out_specs=[
            bspec((1, N, D)),
            bspec((1, N, D)),
            bspec((1, R, D)),
            bspec((1, R, 1)),
        ],
        out_shape=[
            jax.ShapeDtypeStruct((B, N, D), f32),
            jax.ShapeDtypeStruct((B, N, D), f32),
            jax.ShapeDtypeStruct((B, R, D), f32),
            jax.ShapeDtypeStruct((B, R, 1), f32),
        ],
        interpret=interpret,
    )(attr_cat3, sg, wt_head, idx_gcat, idx_rel, idx_scat, mask3,
      w1_bf, wb_bf, g2, b2)


def kernel(image_id, enti2attr, sub2obj2rela, sg, sg_mask, _enti2attr,
           _sub2obj2rela, boxes, word_table, W1, W_sub, W_obj, ln_gamma, ln_beta):
    B, N, D = sg.shape
    R = sub2obj2rela.shape[1]

    sub_idx = sub2obj2rela[..., 0].astype(jnp.int32)
    obj_idx = sub2obj2rela[..., 1].astype(jnp.int32)
    rel_id = sub2obj2rela[..., 2].astype(jnp.int32)
    idx_cat = jnp.concatenate([sub_idx, obj_idx], axis=1)

    gathered = _sc_gather(enti2attr.astype(jnp.int32).reshape(-1), word_table)
    attr_cat3 = gathered.reshape(B, N, 2 * D)

    wb = jnp.concatenate([W_sub, W_obj], axis=1)

    sg_out, attr_feat, msg_sub, oo3 = _tc_forward(
        attr_cat3, sg, word_table[:N].astype(jnp.bfloat16),
        idx_cat[..., None], rel_id[..., None], idx_cat[:, None, :],
        sg_mask[..., None],
        W1.astype(jnp.bfloat16), wb.astype(jnp.bfloat16),
        ln_gamma[None, :], ln_beta[None, :])

    return (sg_out, sg_mask, attr_feat, msg_sub, oo3.reshape(B, R))

# --- scband reference (transcript-rebuilt; emitter-appended) ---
"""Pipeline reference for scband-stack-encoder-two-37563783970966 (READ-ONLY COPY).

The authoritative reference and input builder live on the scoring server;
editing this copy changes nothing except your own understanding.
"""

import jax, jax.numpy as jnp
import numpy as np

B, N, R, D, V = 32, 512, 1024, 512, 10000


def setup_inputs(seed: int = 0) -> dict:
    key = jax.random.key(seed)
    ks = jax.random.split(key, 12)
    return {
        "image_id": jax.random.randint(ks[0], (B,), 0, 100000),
        "enti2attr": jax.random.randint(ks[1], (B, N, 2), 0, V),
        "sub2obj2rela": jax.random.randint(ks[2], (B, R, 3), 0, N),
        "sg": jax.random.normal(ks[3], (B, N, D), dtype=jnp.float32),
        "sg_mask": jnp.ones((B, N), dtype=jnp.float32),
        "_enti2attr": jax.random.normal(ks[4], (B, N, D), dtype=jnp.float32),
        "_sub2obj2rela": jax.random.normal(ks[5], (B, R, D), dtype=jnp.float32),
        "boxes": jax.random.uniform(ks[6], (B, N, 4), dtype=jnp.float32),
        "word_table": jax.random.normal(ks[7], (V, D), dtype=jnp.float32) * 0.02,
        "W1": jax.random.normal(ks[8], (2 * D, D), dtype=jnp.float32) * 0.02,
        "W_sub": jax.random.normal(ks[9], (3 * D, D), dtype=jnp.float32) * 0.02,
        "W_obj": jax.random.normal(ks[10], (3 * D, D), dtype=jnp.float32) * 0.02,
        "ln_gamma": jnp.ones((D,), dtype=jnp.float32),
        "ln_beta": jnp.zeros((D,), dtype=jnp.float32),
    }


def reference(image_id, enti2attr, sub2obj2rela, sg, sg_mask, _enti2attr,
              _sub2obj2rela, boxes, word_table, W1, W_sub, W_obj, ln_gamma, ln_beta):
    Bq, Nq, Dq = sg.shape
    # entity-attribute fusion: gather word embeddings for (entity, attribute) pairs
    attr_words = word_table[enti2attr]                      # [B, N, 2, D]
    attr_cat = attr_words.reshape(Bq, Nq, 2 * Dq)           # [B, N, 2D]
    attr_feat = jax.nn.relu(attr_cat @ W1)                  # [B, N, D]
    # relation triples: (subject node idx, object node idx, relation word id)
    sub_idx = sub2obj2rela[..., 0]                          # [B, R]
    obj_idx = sub2obj2rela[..., 1]                          # [B, R]
    rel_id = sub2obj2rela[..., 2]                           # [B, R]
    rel_emb = word_table[rel_id]                            # [B, R, D]
    sub_feat = jnp.take_along_axis(sg, sub_idx[..., None], axis=1)  # [B, R, D]
    obj_feat = jnp.take_along_axis(sg, obj_idx[..., None], axis=1)  # [B, R, D]
    triple = jnp.concatenate([sub_feat, obj_feat, rel_emb], axis=-1)  # [B, R, 3D]
    msg_sub = jax.nn.relu(triple @ W_sub)                   # [B, R, D]
    msg_obj = jax.nn.relu(triple @ W_obj)                   # [B, R, D]
    bidx = jnp.broadcast_to(jnp.arange(Bq)[:, None], sub_idx.shape)
    agg = jnp.zeros_like(sg).at[bidx, sub_idx].add(msg_sub).at[bidx, obj_idx].add(msg_obj)
    sg_new = jax.nn.relu(sg + agg + attr_feat) * sg_mask[..., None]
    obj_obj = jnp.einsum('brd,brd->br', sub_feat, obj_feat) / jnp.sqrt(jnp.float32(Dq))
    # LayerNorm(d_model)
    mu = sg_new.mean(-1, keepdims=True)
    var = sg_new.var(-1, keepdims=True)
    sg_out = (sg_new - mu) / jnp.sqrt(var + 1e-5) * ln_gamma + ln_beta
    return (sg_out, sg_mask, attr_feat, msg_sub, obj_obj)

if __name__ == "__main__":
    import jax
    _d = setup_inputs()
    print(jax.jit(kernel)(*tuple(_d.values())))

</pallas_src>

<mosaic_0001>
#map = affine_map<(d0, d1) -> (0, 0, 0)>
#map1 = affine_map<(d0, d1) -> (0, 0)>
module attributes {stable_mosaic.version = 14 : i64} {
  func.func @gk(%arg0: i32, %arg1: i32, %arg2: memref<32x16x64xi32, #tpu.memory_space<hbm>>, %arg3: memref<10000x512xf32, #tpu.memory_space<hbm>>, %arg4: memref<512x64x512xf32, #tpu.memory_space<hbm>>, %arg5: memref<16x64xi32, #tpu.memory_space<vmem>>, %arg6: memref<64x512xf32, #tpu.memory_space<vmem>>, %arg7: memref<64x512xf32, #tpu.memory_space<vmem>>, %arg8: memref<!tpu.dma_semaphore, #tpu.memory_space<semaphore_mem>>, %arg9: memref<!tpu.dma_semaphore, #tpu.memory_space<semaphore_mem>>, %arg10: memref<!tpu.dma_semaphore, #tpu.memory_space<semaphore_mem>>, %arg11: memref<!tpu.dma_semaphore, #tpu.memory_space<semaphore_mem>>) attributes {dimension_semantics = [#tpu.dimension_semantics<core_parallel>, #tpu.dimension_semantics<subcore_parallel>], iteration_bounds = array<i64: 2, 16>, scalar_prefetch = 0 : i64, scratch_operands = 7 : i64, tpu.core_type = #tpu.core_type<sc_vector_subcore>, window_params = [{transform_indices = #map}, {transform_indices = #map1}, {transform_indices = #map}]} {
    %mul3A = arith.constant 2 : i32
    %mul3A_0 = arith.muli %arg1, %mul3A : i32
    %add3A = arith.addi %mul3A_0, %arg0 : i32
    "tpu.region"() ({
      %run_scoped3A = tpu.sem_alloc : memref<!tpu.dma_semaphore, #tpu.memory_space<semaphore_mem>>
      %dma_start3A_513 = arith.constant 0 : i32
      %dma_start3A_514 = arith.constant 0 : i32
      %dma_start3A_515 = tpu.memref_slice %arg2[%add3A, %dma_start3A_513, %dma_start3A_514] : memref<32x16x64xi32, #tpu.memory_space<hbm>> -> memref<1x16x64xi32, #tpu.memory_space<hbm>>
      %dma_start3A_516 = tpu.memref_squeeze %dma_start3A_515 : memref<1x16x64xi32, #tpu.memory_space<hbm>> -> memref<16x64xi32, #tpu.memory_space<hbm>>
      %dma_start3A_517 = arith.constant 0 : i32
      %dma_start3A_518 = arith.constant 0 : i32
      %dma_start3A_519 = tpu.memref_slice %arg2[%add3A, %dma_start3A_517, %dma_start3A_518] : memref<32x16x64xi32, #tpu.memory_space<hbm>> -> memref<1x16x64xi32, #tpu.memory_space<hbm>>
      %dma_start3A_520 = tpu.memref_squeeze %dma_start3A_519 : memref<1x16x64xi32, #tpu.memory_space<hbm>> -> memref<16x64xi32, #tpu.memory_space<hbm>>
      tpu.enqueue_dma source(%dma_start3A_520 : memref<16x64xi32, #tpu.memory_space<hbm>>) target(%arg5 : memref<16x64xi32, #tpu.memory_space<vmem>>) target_semaphore(%run_scoped3A : memref<!tpu.dma_semaphore, #tpu.memory_space<semaphore_mem>>)
      %dma_wait3A_521 = arith.constant 0 : i32
      %dma_wait3A_522 = arith.constant 0 : i32
      %dma_wait3A_523 = tpu.memref_slice %arg2[%add3A, %dma_wait3A_521, %dma_wait3A_522] : memref<32x16x64xi32, #tpu.memory_space<hbm>> -> memref<1x16x64xi32, #tpu.memory_space<hbm>>
      %dma_wait3A_524 = tpu.memref_squeeze %dma_wait3A_523 : memref<1x16x64xi32, #tpu.memory_space<hbm>> -> memref<16x64xi32, #tpu.memory_space<hbm>>
      %dma_wait3A_525 = arith.constant 0 : i32
      %dma_wait3A_526 = arith.constant 0 : i32
      %dma_wait3A_527 = tpu.memref_slice %arg2[%add3A, %dma_wait3A_525, %dma_wait3A_526] : memref<32x16x64xi32, #tpu.memory_space<hbm>> -> memref<1x16x64xi32, #tpu.memory_space<hbm>>
      %dma_wait3A_528 = tpu.memref_squeeze %dma_wait3A_527 : memref<1x16x64xi32, #tpu.memory_space<hbm>> -> memref<16x64xi32, #tpu.memory_space<hbm>>
      tpu.wait_dma2 semaphore(%run_scoped3A : memref<!tpu.dma_semaphore, #tpu.memory_space<semaphore_mem>>) src(%dma_wait3A_528 : memref<16x64xi32, #tpu.memory_space<hbm>>) dst(%arg5 : memref<16x64xi32, #tpu.memory_space<vmem>>)
      tpu.yield
    }) : () -> ()
    %mul3A_1 = arith.constant 16 : i32
    %mul3A_2 = arith.muli %add3A, %mul3A_1 : i32
    %dma_start3A = arith.constant 0 : i32
    %dma_start3A_3 = arith.constant 0 : i32
    %dma_start3A_4 = tpu.memref_slice %arg5[%dma_start3A, %dma_start3A_3] : memref<16x64xi32, #tpu.memory_space<vmem>> -> memref<1x64xi32, #tpu.memory_space<vmem>>
    %dma_start3A_5 = tpu.memref_squeeze %dma_start3A_4 : memref<1x64xi32, #tpu.memory_space<vmem>> -> memref<64xi32, #tpu.memory_space<vmem>>
    %dma_start3A_6 = arith.constant 0 : i32
    %dma_start3A_7 = arith.constant 0 : i32
    %dma_start3A_8 = tpu.memref_slice %arg3[%dma_start3A_6, %dma_start3A_7] : memref<10000x512xf32, #tpu.memory_space<hbm>> -> memref<10000x512xf32, #tpu.memory_space<hbm>>
    tpu.enqueue_indirect_dma source(%dma_start3A_8 : memref<10000x512xf32, #tpu.memory_space<hbm>>) target(%arg6 : memref<64x512xf32, #tpu.memory_space<vmem>>) offsets(%dma_start3A_5 : memref<64xi32, #tpu.memory_space<vmem>>) semaphore(%arg8 : memref<!tpu.dma_semaphore, #tpu.memory_space<semaphore_mem>>)
    %dma_start3A_9 = arith.constant 1 : i32
    %dma_start3A_10 = arith.constant 0 : i32
    %dma_start3A_11 = tpu.memref_slice %arg5[%dma_start3A_9, %dma_start3A_10] : memref<16x64xi32, #tpu.memory_space<vmem>> -> memref<1x64xi32, #tpu.memory_space<vmem>>
    %dma_start3A_12 = tpu.memref_squeeze %dma_start3A_11 : memref<1x64xi32, #tpu.memory_space<vmem>> -> memref<64xi32, #tpu.memory_space<vmem>>
    %dma_start3A_13 = arith.constant 0 : i32
    %dma_start3A_14 = arith.constant 0 : i32
    %dma_start3A_15 = tpu.memref_slice %arg3[%dma_start3A_13, %dma_start3A_14] : memref<10000x512xf32, #tpu.memory_space<hbm>> -> memref<10000x512xf32, #tpu.memory_space<hbm>>
    tpu.enqueue_indirect_dma source(%dma_start3A_15 : memref<10000x512xf32, #tpu.memory_space<hbm>>) target(%arg7 : memref<64x512xf32, #tpu.memory_space<vmem>>) offsets(%dma_start3A_12 : memref<64xi32, #tpu.memory_space<vmem>>) semaphore(%arg9 : memref<!tpu.dma_semaphore, #tpu.memory_space<semaphore_mem>>)
    %dma_wait3A = arith.constant 0 : i32
    %dma_wait3A_16 = arith.constant 0 : i32
    %dma_wait3A_17 = tpu.memref_slice %arg5[%dma_wait3A, %dma_wait3A_16] : memref<16x64xi32, #tpu.memory_space<vmem>> -> memref<1x64xi32, #tpu.memory_space<vmem>>
    %dma_wait3A_18 = tpu.memref_squeeze %dma_wait3A_17 : memref<1x64xi32, #tpu.memory_space<vmem>> -> memref<64xi32, #tpu.memory_space<vmem>>
    %dma_wait3A_19 = arith.constant 0 : i32
    %dma_wait3A_20 = arith.constant 0 : i32
    %dma_wait3A_21 = tpu.memref_slice %arg3[%dma_wait3A_19, %dma_wait3A_20] : memref<10000x512xf32, #tpu.memory_space<hbm>> -> memref<10000x512xf32, #tpu.memory_space<hbm>>
    tpu.wait_indirect_dma semaphore(%arg8 : memref<!tpu.dma_semaphore, #tpu.memory_space<semaphore_mem>>) src(%dma_wait3A_21 : memref<10000x512xf32, #tpu.memory_space<hbm>>) dst(%arg6 : memref<64x512xf32, #tpu.memory_space<vmem>>)
    %add3A_22 = arith.constant 0 : i32
    %add3A_23 = arith.addi %mul3A_2, %add3A_22 : i32
    %dma_start3A_24 = arith.constant 0 : i32
    %dma_start3A_25 = arith.constant 0 : i32
    %dma_start3A_26 = tpu.memref_slice %arg4[%add3A_23, %dma_start3A_24, %dma_start3A_25] : memref<512x64x512xf32, #tpu.memory_space<hbm>> -> memref<1x64x512xf32, #tpu.memory_space<hbm>>
    %dma_start3A_27 = tpu.memref_squeeze %dma_start3A_26 : memref<1x64x512xf32, #tpu.memory_space<hbm>> -> memref<64x512xf32, #tpu.memory_space<hbm>>
    %dma_start3A_28 = arith.constant 0 : i32
    %dma_start3A_29 = arith.constant 0 : i32
    %dma_start3A_30 = tpu.memref_slice %arg4[%add3A_23, %dma_start3A_28, %dma_start3A_29] : memref<512x64x512xf32, #tpu.memory_space<hbm>> -> memref<1x64x512xf32, #tpu.memory_space<hbm>>
    %dma_start3A_31 = tpu.memref_squeeze %dma_start3A_30 : memref<1x64x512xf32, #tpu.memory_space<hbm>> -> memref<64x512xf32, #tpu.memory_space<hbm>>
    tpu.enqueue_dma source(%arg6 : memref<64x512xf32, #tpu.memory_space<vmem>>) target(%dma_start3A_31 : memref<64x512xf32, #tpu.memory_space<hbm>>) target_semaphore(%arg10 : memref<!tpu.dma_semaphore, #tpu.memory_space<semaphore_mem>>)
    %dma_wait3A_32 = arith.constant 0 : i32
    %dma_wait3A_33 = arith.constant 0 : i32
    %dma_wait3A_34 = tpu.memref_slice %arg4[%add3A_23, %dma_wait3A_32, %dma_wait3A_33] : memref<512x64x512xf32, #tpu.memory_space<hbm>> -> memref<1x64x512xf32, #tpu.memory_space<hbm>>
    %dma_wait3A_35 = tpu.memref_squeeze %dma_wait3A_34 : memref<1x64x512xf32, #tpu.memory_space<hbm>> -> memref<64x512xf32, #tpu.memory_space<hbm>>
    %dma_wait3A_36 = arith.constant 0 : i32
    %dma_wait3A_37 = arith.constant 0 : i32
    %dma_wait3A_38 = tpu.memref_slice %arg4[%add3A_23, %dma_wait3A_36, %dma_wait3A_37] : memref<512x64x512xf32, #tpu.memory_space<hbm>> -> memref<1x64x512xf32, #tpu.memory_space<hbm>>
    %dma_wait3A_39 = tpu.memref_squeeze %dma_wait3A_38 : memref<1x64x512xf32, #tpu.memory_space<hbm>> -> memref<64x512xf32, #tpu.memory_space<hbm>>
    tpu.wait_dma2 semaphore(%arg10 : memref<!tpu.dma_semaphore, #tpu.memory_space<semaphore_mem>>) src(%arg6 : memref<64x512xf32, #tpu.memory_space<vmem>>) dst(%dma_wait3A_39 : memref<64x512xf32, #tpu.memory_space<hbm>>)
    %dma_start3A_40 = arith.constant 2 : i32
    %dma_start3A_41 = arith.constant 0 : i32
    %dma_start3A_42 = tpu.memref_slice %arg5[%dma_start3A_40, %dma_start3A_41] : memref<16x64xi32, #tpu.memory_space<vmem>> -> memref<1x64xi32, #tpu.memory_space<vmem>>
    %dma_start3A_43 = tpu.memref_squeeze %dma_start3A_42 : memref<1x64xi32, #tpu.memory_space<vmem>> -> memref<64xi32, #tpu.memory_space<vmem>>
    %dma_start3A_44 = arith.constant 0 : i32
    %dma_start3A_45 = arith.constant 0 : i32
    %dma_start3A_46 = tpu.memref_slice %arg3[%dma_start3A_44, %dma_start3A_45] : memref<10000x512xf32, #tpu.memory_space<hbm>> -> memref<10000x512xf32, #tpu.memory_space<hbm>>
    tpu.enqueue_indirect_dma source(%dma_start3A_46 : memref<10000x512xf32, #tpu.memory_space<hbm>>) target(%arg6 : memref<64x512xf32, #tpu.memory_space<vmem>>) offsets(%dma_start3A_43 : memref<64xi32, #tpu.memory_space<vmem>>) semaphore(%arg8 : memref<!tpu.dma_semaphore, #tpu.memory_space<semaphore_mem>>)
    %dma_wait3A_47 = arith.constant 1 : i32
    %dma_wait3A_48 = arith.constant 0 : i32
    %dma_wait3A_49 = tpu.memref_slice %arg5[%dma_wait3A_47, %dma_wait3A_48] : memref<16x64xi32, #tpu.memory_space<vmem>> -> memref<1x64xi32, #tpu.memory_space<vmem>>
    %dma_wait3A_50 = tpu.memref_squeeze %dma_wait3A_49 : memref<1x64xi32, #tpu.memory_space<vmem>> -> memref<64xi32, #tpu.memory_space<vmem>>
    %dma_wait3A_51 = arith.constant 0 : i32
    %dma_wait3A_52 = arith.constant 0 : i32
    %dma_wait3A_53 = tpu.memref_slice %arg3[%dma_wait3A_51, %dma_wait3A_52] : memref<10000x512xf32, #tpu.memory_space<hbm>> -> memref<10000x512xf32, #tpu.memory_space<hbm>>
    tpu.wait_indirect_dma semaphore(%arg9 : memref<!tpu.dma_semaphore, #tpu.memory_space<semaphore_mem>>) src(%dma_wait3A_53 : memref<10000x512xf32, #tpu.memory_space<hbm>>) dst(%arg7 : memref<64x512xf32, #tpu.memory_space<vmem>>)
    %add3A_54 = arith.constant 1 : i32
    %add3A_55 = arith.addi %mul3A_2, %add3A_54 : i32
    %dma_start3A_56 = arith.constant 0 : i32
    %dma_start3A_57 = arith.constant 0 : i32
    %dma_start3A_58 = tpu.memref_slice %arg4[%add3A_55, %dma_start3A_56, %dma_start3A_57] : memref<512x64x512xf32, #tpu.memory_space<hbm>> -> memref<1x64x512xf32, #tpu.memory_space<hbm>>
    %dma_start3A_59 = tpu.memref_squeeze %dma_start3A_58 : memref<1x64x512xf32, #tpu.memory_space<hbm>> -> memref<64x512xf32, #tpu.memory_space<hbm>>
    %dma_start3A_60 = arith.constant 0 : i32
    %dma_start3A_61 = arith.constant 0 : i32
    %dma_start3A_62 = tpu.memref_slice %arg4[%add3A_55, %dma_start3A_60, %dma_start3A_61] : memref<512x64x512xf32, #tpu.memory_space<hbm>> -> memref<1x64x512xf32, #tpu.memory_space<hbm>>
    %dma_start3A_63 = tpu.memref_squeeze %dma_start3A_62 : memref<1x64x512xf32, #tpu.memory_space<hbm>> -> memref<64x512xf32, #tpu.memory_space<hbm>>
    tpu.enqueue_dma source(%arg7 : memref<64x512xf32, #tpu.memory_space<vmem>>) target(%dma_start3A_63 : memref<64x512xf32, #tpu.memory_space<hbm>>) target_semaphore(%arg11 : memref<!tpu.dma_semaphore, #tpu.memory_space<semaphore_mem>>)
    %dma_wait3A_64 = arith.constant 0 : i32
    %dma_wait3A_65 = arith.constant 0 : i32
    %dma_wait3A_66 = tpu.memref_slice %arg4[%add3A_55, %dma_wait3A_64, %dma_wait3A_65] : memref<512x64x512xf32, #tpu.memory_space<hbm>> -> memref<1x64x512xf32, #tpu.memory_space<hbm>>
    %dma_wait3A_67 = tpu.memref_squeeze %dma_wait3A_66 : memref<1x64x512xf32, #tpu.memory_space<hbm>> -> memref<64x512xf32, #tpu.memory_space<hbm>>
    %dma_wait3A_68 = arith.constant 0 : i32
    %dma_wait3A_69 = arith.constant 0 : i32
    %dma_wait3A_70 = tpu.memref_slice %arg4[%add3A_55, %dma_wait3A_68, %dma_wait3A_69] : memref<512x64x512xf32, #tpu.memory_space<hbm>> -> memref<1x64x512xf32, #tpu.memory_space<hbm>>
    %dma_wait3A_71 = tpu.memref_squeeze %dma_wait3A_70 : memref<1x64x512xf32, #tpu.memory_space<hbm>> -> memref<64x512xf32, #tpu.memory_space<hbm>>
    tpu.wait_dma2 semaphore(%arg11 : memref<!tpu.dma_semaphore, #tpu.memory_space<semaphore_mem>>) src(%arg7 : memref<64x512xf32, #tpu.memory_space<vmem>>) dst(%dma_wait3A_71 : memref<64x512xf32, #tpu.memory_space<hbm>>)
    %dma_start3A_72 = arith.constant 3 : i32
    %dma_start3A_73 = arith.constant 0 : i32
    %dma_start3A_74 = tpu.memref_slice %arg5[%dma_start3A_72, %dma_start3A_73] : memref<16x64xi32, #tpu.memory_space<vmem>> -> memref<1x64xi32, #tpu.memory_space<vmem>>
    %dma_start3A_75 = tpu.memref_squeeze %dma_start3A_74 : memref<1x64xi32, #tpu.memory_space<vmem>> -> memref<64xi32, #tpu.memory_space<vmem>>
    %dma_start3A_76 = arith.constant 0 : i32
    %dma_start3A_77 = arith.constant 0 : i32
    %dma_start3A_78 = tpu.memref_slice %arg3[%dma_start3A_76, %dma_start3A_77] : memref<10000x512xf32, #tpu.memory_space<hbm>> -> memref<10000x512xf32, #tpu.memory_space<hbm>>
    tpu.enqueue_indirect_dma source(%dma_start3A_78 : memref<10000x512xf32, #tpu.memory_space<hbm>>) target(%arg7 : memref<64x512xf32, #tpu.memory_space<vmem>>) offsets(%dma_start3A_75 : memref<64xi32, #tpu.memory_space<vmem>>) semaphore(%arg9 : memref<!tpu.dma_semaphore, #tpu.memory_space<semaphore_mem>>)
    %dma_wait3A_79 = arith.constant 2 : i32
    %dma_wait3A_80 = arith.constant 0 : i32
    %dma_wait3A_81 = tpu.memref_slice %arg5[%dma_wait3A_79, %dma_wait3A_80] : memref<16x64xi32, #tpu.memory_space<vmem>> -> memref<1x64xi32, #tpu.memory_space<vmem>>
    %dma_wait3A_82 = tpu.memref_squeeze %dma_wait3A_81 : memref<1x64xi32, #tpu.memory_space<vmem>> -> memref<64xi32, #tpu.memory_space<vmem>>
    %dma_wait3A_83 = arith.constant 0 : i32
    %dma_wait3A_84 = arith.constant 0 : i32
    %dma_wait3A_85 = tpu.memref_slice %arg3[%dma_wait3A_83, %dma_wait3A_84] : memref<10000x512xf32, #tpu.memory_space<hbm>> -> memref<10000x512xf32, #tpu.memory_space<hbm>>
    tpu.wait_indirect_dma semaphore(%arg8 : memref<!tpu.dma_semaphore, #tpu.memory_space<semaphore_mem>>) src(%dma_wait3A_85 : memref<10000x512xf32, #tpu.memory_space<hbm>>) dst(%arg6 : memref<64x512xf32, #tpu.memory_space<vmem>>)
    %add3A_86 = arith.constant 2 : i32
    %add3A_87 = arith.addi %mul3A_2, %add3A_86 : i32
    %dma_start3A_88 = arith.constant 0 : i32
    %dma_start3A_89 = arith.constant 0 : i32
    %dma_start3A_90 = tpu.memref_slice %arg4[%add3A_87, %dma_start3A_88, %dma_start3A_89] : memref<512x64x512xf32, #tpu.memory_space<hbm>> -> memref<1x64x512xf32, #tpu.memory_space<hbm>>
    %dma_start3A_91 = tpu.memref_squeeze %dma_start3A_90 : memref<1x64x512xf32, #tpu.memory_space<hbm>> -> memref<64x512xf32, #tpu.memory_space<hbm>>
    %dma_start3A_92 = arith.constant 0 : i32
    %dma_start3A_93 = arith.constant 0 : i32
    %dma_start3A_94 = tpu.memref_slice %arg4[%add3A_87, %dma_start3A_92, %dma_start3A_93] : memref<512x64x512xf32, #tpu.memory_space<hbm>> -> memref<1x64x512xf32, #tpu.memory_space<hbm>>
    %dma_start3A_95 = tpu.memref_squeeze %dma_start3A_94 : memref<1x64x512xf32, #tpu.memory_space<hbm>> -> memref<64x512xf32, #tpu.memory_space<hbm>>
    tpu.enqueue_dma source(%arg6 : memref<64x512xf32, #tpu.memory_space<vmem>>) target(%dma_start3A_95 : memref<64x512xf32, #tpu.memory_space<hbm>>) target_semaphore(%arg10 : memref<!tpu.dma_semaphore, #tpu.memory_space<semaphore_mem>>)
    %dma_wait3A_96 = arith.constant 0 : i32
    %dma_wait3A_97 = arith.constant 0 : i32
    %dma_wait3A_98 = tpu.memref_slice %arg4[%add3A_87, %dma_wait3A_96, %dma_wait3A_97] : memref<512x64x512xf32, #tpu.memory_space<hbm>> -> memref<1x64x512xf32, #tpu.memory_space<hbm>>
    %dma_wait3A_99 = tpu.memref_squeeze %dma_wait3A_98 : memref<1x64x512xf32, #tpu.memory_space<hbm>> -> memref<64x512xf32, #tpu.memory_space<hbm>>
    %dma_wait3A_100 = arith.constant 0 : i32
    %dma_wait3A_101 = arith.constant 0 : i32
    %dma_wait3A_102 = tpu.memref_slice %arg4[%add3A_87, %dma_wait3A_100, %dma_wait3A_101] : memref<512x64x512xf32, #tpu.memory_space<hbm>> -> memref<1x64x512xf32, #tpu.memory_space<hbm>>
    %dma_wait3A_103 = tpu.memref_squeeze %dma_wait3A_102 : memref<1x64x512xf32, #tpu.memory_space<hbm>> -> memref<64x512xf32, #tpu.memory_space<hbm>>
    tpu.wait_dma2 semaphore(%arg10 : memref<!tpu.dma_semaphore, #tpu.memory_space<semaphore_mem>>) src(%arg6 : memref<64x512xf32, #tpu.memory_space<vmem>>) dst(%dma_wait3A_103 : memref<64x512xf32, #tpu.memory_space<hbm>>)
    %dma_start3A_104 = arith.constant 4 : i32
    %dma_start3A_105 = arith.constant 0 : i32
    %dma_start3A_106 = tpu.memref_slice %arg5[%dma_start3A_104, %dma_start3A_105] : memref<16x64xi32, #tpu.memory_space<vmem>> -> memref<1x64xi32, #tpu.memory_space<vmem>>
    %dma_start3A_107 = tpu.memref_squeeze %dma_start3A_106 : memref<1x64xi32, #tpu.memory_space<vmem>> -> memref<64xi32, #tpu.memory_space<vmem>>
    %dma_start3A_108 = arith.constant 0 : i32
    %dma_start3A_109 = arith.constant 0 : i32
    %dma_start3A_110 = tpu.memref_slice %arg3[%dma_start3A_108, %dma_start3A_109] : memref<10000x512xf32, #tpu.memory_space<hbm>> -> memref<10000x512xf32, #tpu.memory_space<hbm>>
    tpu.enqueue_indirect_dma source(%dma_start3A_110 : memref<10000x512xf32, #tpu.memory_space<hbm>>) target(%arg6 : memref<64x512xf32, #tpu.memory_space<vmem>>) offsets(%dma_start3A_107 : memref<64xi32, #tpu.memory_space<vmem>>) semaphore(%arg8 : memref<!tpu.dma_semaphore, #tpu.memory_space<semaphore_mem>>)
    %dma_wait3A_111 = arith.constant 3 : i32
    %dma_wait3A_112 = arith.constant 0 : i32
    %dma_wait3A_113 = tpu.memref_slice %arg5[%dma_wait3A_111, %dma_wait3A_112] : memref<16x64xi32, #tpu.memory_space<vmem>> -> memref<1x64xi32, #tpu.memory_space<vmem>>
    %dma_wait3A_114 = tpu.memref_squeeze %dma_wait3A_113 : memref<1x64xi32, #tpu.memory_space<vmem>> -> memref<64xi32, #tpu.memory_space<vmem>>
    %dma_wait3A_115 = arith.constant 0 : i32
    %dma_wait3A_116 = arith.constant 0 : i32
    %dma_wait3A_117 = tpu.memref_slice %arg3[%dma_wait3A_115, %dma_wait3A_116] : memref<10000x512xf32, #tpu.memory_space<hbm>> -> memref<10000x512xf32, #tpu.memory_space<hbm>>
    tpu.wait_indirect_dma semaphore(%arg9 : memref<!tpu.dma_semaphore, #tpu.memory_space<semaphore_mem>>) src(%dma_wait3A_117 : memref<10000x512xf32, #tpu.memory_space<hbm>>) dst(%arg7 : memref<64x512xf32, #tpu.memory_space<vmem>>)
    %add3A_118 = arith.constant 3 : i32
    %add3A_119 = arith.addi %mul3A_2, %add3A_118 : i32
    %dma_start3A_120 = arith.constant 0 : i32
    %dma_start3A_121 = arith.constant 0 : i32
    %dma_start3A_122 = tpu.memref_slice %arg4[%add3A_119, %dma_start3A_120, %dma_start3A_121] : memref<512x64x512xf32, #tpu.memory_space<hbm>> -> memref<1x64x512xf32, #tpu.memory_space<hbm>>
    %dma_start3A_123 = tpu.memref_squeeze %dma_start3A_122 : memref<1x64x512xf32, #tpu.memory_space<hbm>> -> memref<64x512xf32, #tpu.memory_space<hbm>>
    %dma_start3A_124 = arith.constant 0 : i32
    %dma_start3A_125 = arith.constant 0 : i32
    %dma_start3A_126 = tpu.memref_slice %arg4[%add3A_119, %dma_start3A_124, %dma_start3A_125] : memref<512x64x512xf32, #tpu.memory_space<hbm>> -> memref<1x64x512xf32, #tpu.memory_space<hbm>>
    %dma_start3A_127 = tpu.memref_squeeze %dma_start3A_126 : memref<1x64x512xf32, #tpu.memory_space<hbm>> -> memref<64x512xf32, #tpu.memory_space<hbm>>
    tpu.enqueue_dma source(%arg7 : memref<64x512xf32, #tpu.memory_space<vmem>>) target(%dma_start3A_127 : memref<64x512xf32, #tpu.memory_space<hbm>>) target_semaphore(%arg11 : memref<!tpu.dma_semaphore, #tpu.memory_space<semaphore_mem>>)
    %dma_wait3A_128 = arith.constant 0 : i32
    %dma_wait3A_129 = arith.constant 0 : i32
    %dma_wait3A_130 = tpu.memref_slice %arg4[%add3A_119, %dma_wait3A_128, %dma_wait3A_129] : memref<512x64x512xf32, #tpu.memory_space<hbm>> -> memref<1x64x512xf32, #tpu.memory_space<hbm>>
    %dma_wait3A_131 = tpu.memref_squeeze %dma_wait3A_130 : memref<1x64x512xf32, #tpu.memory_space<hbm>> -> memref<64x512xf32, #tpu.memory_space<hbm>>
    %dma_wait3A_132 = arith.constant 0 : i32
    %dma_wait3A_133 = arith.constant 0 : i32
    %dma_wait3A_134 = tpu.memref_slice %arg4[%add3A_119, %dma_wait3A_132, %dma_wait3A_133] : memref<512x64x512xf32, #tpu.memory_space<hbm>> -> memref<1x64x512xf32, #tpu.memory_space<hbm>>
    %dma_wait3A_135 = tpu.memref_squeeze %dma_wait3A_134 : memref<1x64x512xf32, #tpu.memory_space<hbm>> -> memref<64x512xf32, #tpu.memory_space<hbm>>
    tpu.wait_dma2 semaphore(%arg11 : memref<!tpu.dma_semaphore, #tpu.memory_space<semaphore_mem>>) src(%arg7 : memref<64x512xf32, #tpu.memory_space<vmem>>) dst(%dma_wait3A_135 : memref<64x512xf32, #tpu.memory_space<hbm>>)
    %dma_start3A_136 = arith.constant 5 : i32
    %dma_start3A_137 = arith.constant 0 : i32
    %dma_start3A_138 = tpu.memref_slice %arg5[%dma_start3A_136, %dma_start3A_137] : memref<16x64xi32, #tpu.memory_space<vmem>> -> memref<1x64xi32, #tpu.memory_space<vmem>>
    %dma_start3A_139 = tpu.memref_squeeze %dma_start3A_138 : memref<1x64xi32, #tpu.memory_space<vmem>> -> memref<64xi32, #tpu.memory_space<vmem>>
    %dma_start3A_140 = arith.constant 0 : i32
    %dma_start3A_141 = arith.constant 0 : i32
    %dma_start3A_142 = tpu.memref_slice %arg3[%dma_start3A_140, %dma_start3A_141] : memref<10000x512xf32, #tpu.memory_space<hbm>> -> memref<10000x512xf32, #tpu.memory_space<hbm>>
    tpu.enqueue_indirect_dma source(%dma_start3A_142 : memref<10000x512xf32, #tpu.memory_space<hbm>>) target(%arg7 : memref<64x512xf32, #tpu.memory_space<vmem>>) offsets(%dma_start3A_139 : memref<64xi32, #tpu.memory_space<vmem>>) semaphore(%arg9 : memref<!tpu.dma_semaphore, #tpu.memory_space<semaphore_mem>>)
    %dma_wait3A_143 = arith.constant 4 : i32
    %dma_wait3A_144 = arith.constant 0 : i32
    %dma_wait3A_145 = tpu.memref_slice %arg5[%dma_wait3A_143, %dma_wait3A_144] : memref<16x64xi32, #tpu.memory_space<vmem>> -> memref<1x64xi32, #tpu.memory_space<vmem>>
    %dma_wait3A_146 = tpu.memref_squeeze %dma_wait3A_145 : memref<1x64xi32, #tpu.memory_space<vmem>> -> memref<64xi32, #tpu.memory_space<vmem>>
    %dma_wait3A_147 = arith.constant 0 : i32
    %dma_wait3A_148 = arith.constant 0 : i32
    %dma_wait3A_149 = tpu.memref_slice %arg3[%dma_wait3A_147, %dma_wait3A_148] : memref<10000x512xf32, #tpu.memory_space<hbm>> -> memref<10000x512xf32, #tpu.memory_space<hbm>>
    tpu.wait_indirect_dma semaphore(%arg8 : memref<!tpu.dma_semaphore, #tpu.memory_space<semaphore_mem>>) src(%dma_wait3A_149 : memref<10000x512xf32, #tpu.memory_space<hbm>>) dst(%arg6 : memref<64x512xf32, #tpu.memory_space<vmem>>)
    %add3A_150 = arith.constant 4 : i32
    %add3A_151 = arith.addi %mul3A_2, %add3A_150 : i32
    %dma_start3A_152 = arith.constant 0 : i32
    %dma_start3A_153 = arith.constant 0 : i32
    %dma_start3A_154 = tpu.memref_slice %arg4[%add3A_151, %dma_start3A_152, %dma_start3A_153] : memref<512x64x512xf32, #tpu.memory_space<hbm>> -> memref<1x64x512xf32, #tpu.memory_space<hbm>>
    %dma_start3A_155 = tpu.memref_squeeze %dma_start3A_154 : memref<1x64x512xf32, #tpu.memory_space<hbm>> -> memref<64x512xf32, #tpu.memory_space<hbm>>
    %dma_start3A_156 = arith.constant 0 : i32
    %dma_start3A_157 = arith.constant 0 : i32
    %dma_start3A_158 = tpu.memref_slice %arg4[%add3A_151, %dma_start3A_156, %dma_start3A_157] : memref<512x64x512xf32, #tpu.memory_space<hbm>> -> memref<1x64x512xf32, #tpu.memory_space<hbm>>
    %dma_start3A_159 = tpu.memref_squeeze %dma_start3A_158 : memref<1x64x512xf32, #tpu.memory_space<hbm>> -> memref<64x512xf32, #tpu.memory_space<hbm>>
    tpu.enqueue_dma source(%arg6 : memref<64x512xf32, #tpu.memory_space<vmem>>) target(%dma_start3A_159 : memref<64x512xf32, #tpu.memory_space<hbm>>) target_semaphore(%arg10 : memref<!tpu.dma_semaphore, #tpu.memory_space<semaphore_mem>>)
    %dma_wait3A_160 = arith.constant 0 : i32
    %dma_wait3A_161 = arith.constant 0 : i32
    %dma_wait3A_162 = tpu.memref_slice %arg4[%add3A_151, %dma_wait3A_160, %dma_wait3A_161] : memref<512x64x512xf32, #tpu.memory_space<hbm>> -> memref<1x64x512xf32, #tpu.memory_space<hbm>>
    %dma_wait3A_163 = tpu.memref_squeeze %dma_wait3A_162 : memref<1x64x512xf32, #tpu.memory_space<hbm>> -> memref<64x512xf32, #tpu.memory_space<hbm>>
    %dma_wait3A_164 = arith.constant 0 : i32
    %dma_wait3A_165 = arith.constant 0 : i32
    %dma_wait3A_166 = tpu.memref_slice %arg4[%add3A_151, %dma_wait3A_164, %dma_wait3A_165] : memref<512x64x512xf32, #tpu.memory_space<hbm>> -> memref<1x64x512xf32, #tpu.memory_space<hbm>>
    %dma_wait3A_167 = tpu.memref_squeeze %dma_wait3A_166 : memref<1x64x512xf32, #tpu.memory_space<hbm>> -> memref<64x512xf32, #tpu.memory_space<hbm>>
    tpu.wait_dma2 semaphore(%arg10 : memref<!tpu.dma_semaphore, #tpu.memory_space<semaphore_mem>>) src(%arg6 : memref<64x512xf32, #tpu.memory_space<vmem>>) dst(%dma_wait3A_167 : memref<64x512xf32, #tpu.memory_space<hbm>>)
    %dma_start3A_168 = arith.constant 6 : i32
    %dma_start3A_169 = arith.constant 0 : i32
    %dma_start3A_170 = tpu.memref_slice %arg5[%dma_start3A_168, %dma_start3A_169] : memref<16x64xi32, #tpu.memory_space<vmem>> -> memref<1x64xi32, #tpu.memory_space<vmem>>
    %dma_start3A_171 = tpu.memref_squeeze %dma_start3A_170 : memref<1x64xi32, #tpu.memory_space<vmem>> -> memref<64xi32, #tpu.memory_space<vmem>>
    %dma_start3A_172 = arith.constant 0 : i32
    %dma_start3A_173 = arith.constant 0 : i32
    %dma_start3A_174 = tpu.memref_slice %arg3[%dma_start3A_172, %dma_start3A_173] : memref<10000x512xf32, #tpu.memory_space<hbm>> -> memref<10000x512xf32, #tpu.memory_space<hbm>>
    tpu.enqueue_indirect_dma source(%dma_start3A_174 : memref<10000x512xf32, #tpu.memory_space<hbm>>) target(%arg6 : memref<64x512xf32, #tpu.memory_space<vmem>>) offsets(%dma_start3A_171 : memref<64xi32, #tpu.memory_space<vmem>>) semaphore(%arg8 : memref<!tpu.dma_semaphore, #tpu.memory_space<semaphore_mem>>)
    %dma_wait3A_175 = arith.constant 5 : i32
    %dma_wait3A_176 = arith.constant 0 : i32
    %dma_wait3A_177 = tpu.memref_slice %arg5[%dma_wait3A_175, %dma_wait3A_176] : memref<16x64xi32, #tpu.memory_space<vmem>> -> memref<1x64xi32, #tpu.memory_space<vmem>>
    %dma_wait3A_178 = tpu.memref_squeeze %dma_wait3A_177 : memref<1x64xi32, #tpu.memory_space<vmem>> -> memref<64xi32, #tpu.memory_space<vmem>>
    %dma_wait3A_179 = arith.constant 0 : i32
    %dma_wait3A_180 = arith.constant 0 : i32
    %dma_wait3A_181 = tpu.memref_slice %arg3[%dma_wait3A_179, %dma_wait3A_180] : memref<10000x512xf32, #tpu.memory_space<hbm>> -> memref<10000x512xf32, #tpu.memory_space<hbm>>
    tpu.wait_indirect_dma semaphore(%arg9 : memref<!tpu.dma_semaphore, #tpu.memory_space<semaphore_mem>>) src(%dma_wait3A_181 : memref<10000x512xf32, #tpu.memory_space<hbm>>) dst(%arg7 : memref<64x512xf32, #tpu.memory_space<vmem>>)
    %add3A_182 = arith.constant 5 : i32
    %add3A_183 = arith.addi %mul3A_2, %add3A_182 : i32
    %dma_start3A_184 = arith.constant 0 : i32
    %dma_start3A_185 = arith.constant 0 : i32
    %dma_start3A_186 = tpu.memref_slice %arg4[%add3A_183, %dma_start3A_184, %dma_start3A_185] : memref<512x64x512xf32, #tpu.memory_space<hbm>> -> memref<1x64x512xf32, #tpu.memory_space<hbm>>
    %dma_start3A_187 = tpu.memref_squeeze %dma_start3A_186 : memref<1x64x512xf32, #tpu.memory_space<hbm>> -> memref<64x512xf32, #tpu.memory_space<hbm>>
    %dma_start3A_188 = arith.constant 0 : i32
    %dma_start3A_189 = arith.constant 0 : i32
    %dma_start3A_190 = tpu.memref_slice %arg4[%add3A_183, %dma_start3A_188, %dma_start3A_189] : memref<512x64x512xf32, #tpu.memory_space<hbm>> -> memref<1x64x512xf32, #tpu.memory_space<hbm>>
    %dma_start3A_191 = tpu.memref_squeeze %dma_start3A_190 : memref<1x64x512xf32, #tpu.memory_space<hbm>> -> memref<64x512xf32, #tpu.memory_space<hbm>>
    tpu.enqueue_dma source(%arg7 : memref<64x512xf32, #tpu.memory_space<vmem>>) target(%dma_start3A_191 : memref<64x512xf32, #tpu.memory_space<hbm>>) target_semaphore(%arg11 : memref<!tpu.dma_semaphore, #tpu.memory_space<semaphore_mem>>)
    %dma_wait3A_192 = arith.constant 0 : i32
    %dma_wait3A_193 = arith.constant 0 : i32
    %dma_wait3A_194 = tpu.memref_slice %arg4[%add3A_183, %dma_wait3A_192, %dma_wait3A_193] : memref<512x64x512xf32, #tpu.memory_space<hbm>> -> memref<1x64x512xf32, #tpu.memory_space<hbm>>
    %dma_wait3A_195 = tpu.memref_squeeze %dma_wait3A_194 : memref<1x64x512xf32, #tpu.memory_space<hbm>> -> memref<64x512xf32, #tpu.memory_space<hbm>>
    %dma_wait3A_196 = arith.constant 0 : i32
    %dma_wait3A_197 = arith.constant 0 : i32
    %dma_wait3A_198 = tpu.memref_slice %arg4[%add3A_183, %dma_wait3A_196, %dma_wait3A_197] : memref<512x64x512xf32, #tpu.memory_space<hbm>> -> memref<1x64x512xf32, #tpu.memory_space<hbm>>
    %dma_wait3A_199 = tpu.memref_squeeze %dma_wait3A_198 : memref<1x64x512xf32, #tpu.memory_space<hbm>> -> memref<64x512xf32, #tpu.memory_space<hbm>>
    tpu.wait_dma2 semaphore(%arg11 : memref<!tpu.dma_semaphore, #tpu.memory_space<semaphore_mem>>) src(%arg7 : memref<64x512xf32, #tpu.memory_space<vmem>>) dst(%dma_wait3A_199 : memref<64x512xf32, #tpu.memory_space<hbm>>)
    %dma_start3A_200 = arith.constant 7 : i32
    %dma_start3A_201 = arith.constant 0 : i32
    %dma_start3A_202 = tpu.memref_slice %arg5[%dma_start3A_200, %dma_start3A_201] : memref<16x64xi32, #tpu.memory_space<vmem>> -> memref<1x64xi32, #tpu.memory_space<vmem>>
    %dma_start3A_203 = tpu.memref_squeeze %dma_start3A_202 : memref<1x64xi32, #tpu.memory_space<vmem>> -> memref<64xi32, #tpu.memory_space<vmem>>
    %dma_start3A_204 = arith.constant 0 : i32
    %dma_start3A_205 = arith.constant 0 : i32
    %dma_start3A_206 = tpu.memref_slice %arg3[%dma_start3A_204, %dma_start3A_205] : memref<10000x512xf32, #tpu.memory_space<hbm>> -> memref<10000x512xf32, #tpu.memory_space<hbm>>
    tpu.enqueue_indirect_dma source(%dma_start3A_206 : memref<10000x512xf32, #tpu.memory_space<hbm>>) target(%arg7 : memref<64x512xf32, #tpu.memory_space<vmem>>) offsets(%dma_start3A_203 : memref<64xi32, #tpu.memory_space<vmem>>) semaphore(%arg9 : memref<!tpu.dma_semaphore, #tpu.memory_space<semaphore_mem>>)
    %dma_wait3A_207 = arith.constant 6 : i32
    %dma_wait3A_208 = arith.constant 0 : i32
    %dma_wait3A_209 = tpu.memref_slice %arg5[%dma_wait3A_207, %dma_wait3A_208] : memref<16x64xi32, #tpu.memory_space<vmem>> -> memref<1x64xi32, #tpu.memory_space<vmem>>
    %dma_wait3A_210 = tpu.memref_squeeze %dma_wait3A_209 : memref<1x64xi32, #tpu.memory_space<vmem>> -> memref<64xi32, #tpu.memory_space<vmem>>
    %dma_wait3A_211 = arith.constant 0 : i32
    %dma_wait3A_212 = arith.constant 0 : i32
    %dma_wait3A_213 = tpu.memref_slice %arg3[%dma_wait3A_211, %dma_wait3A_212] : memref<10000x512xf32, #tpu.memory_space<hbm>> -> memref<10000x512xf32, #tpu.memory_space<hbm>>
    tpu.wait_indirect_dma semaphore(%arg8 : memref<!tpu.dma_semaphore, #tpu.memory_space<semaphore_mem>>) src(%dma_wait3A_213 : memref<10000x512xf32, #tpu.memory_space<hbm>>) dst(%arg6 : memref<64x512xf32, #tpu.memory_space<vmem>>)
    %add3A_214 = arith.constant 6 : i32
    %add3A_215 = arith.addi %mul3A_2, %add3A_214 : i32
    %dma_start3A_216 = arith.constant 0 : i32
    %dma_start3A_217 = arith.constant 0 : i32
    %dma_start3A_218 = tpu.memref_slice %arg4[%add3A_215, %dma_start3A_216, %dma_start3A_217] : memref<512x64x512xf32, #tpu.memory_space<hbm>> -> memref<1x64x512xf32, #tpu.memory_space<hbm>>
    %dma_start3A_219 = tpu.memref_squeeze %dma_start3A_218 : memref<1x64x512xf32, #tpu.memory_space<hbm>> -> memref<64x512xf32, #tpu.memory_space<hbm>>
    %dma_start3A_220 = arith.constant 0 : i32
    %dma_start3A_221 = arith.constant 0 : i32
    %dma_start3A_222 = tpu.memref_slice %arg4[%add3A_215, %dma_start3A_220, %dma_start3A_221] : memref<512x64x512xf32, #tpu.memory_space<hbm>> -> memref<1x64x512xf32, #tpu.memory_space<hbm>>
    %dma_start3A_223 = tpu.memref_squeeze %dma_start3A_222 : memref<1x64x512xf32, #tpu.memory_space<hbm>> -> memref<64x512xf32, #tpu.memory_space<hbm>>
    tpu.enqueue_dma source(%arg6 : memref<64x512xf32, #tpu.memory_space<vmem>>) target(%dma_start3A_223 : memref<64x512xf32, #tpu.memory_space<hbm>>) target_semaphore(%arg10 : memref<!tpu.dma_semaphore, #tpu.memory_space<semaphore_mem>>)
    %dma_wait3A_224 = arith.constant 0 : i32
    %dma_wait3A_225 = arith.constant 0 : i32
    %dma_wait3A_226 = tpu.memref_slice %arg4[%add3A_215, %dma_wait3A_224, %dma_wait3A_225] : memref<512x64x512xf32, #tpu.memory_space<hbm>> -> memref<1x64x512xf32, #tpu.memory_space<hbm>>
    %dma_wait3A_227 = tpu.memref_squeeze %dma_wait3A_226 : memref<1x64x512xf32, #tpu.memory_space<hbm>> -> memref<64x512xf32, #tpu.memory_space<hbm>>
    %dma_wait3A_228 = arith.constant 0 : i32
    %dma_wait3A_229 = arith.constant 0 : i32
    %dma_wait3A_230 = tpu.memref_slice %arg4[%add3A_215, %dma_wait3A_228, %dma_wait3A_229] : memref<512x64x512xf32, #tpu.memory_space<hbm>> -> memref<1x64x512xf32, #tpu.memory_space<hbm>>
    %dma_wait3A_231 = tpu.memref_squeeze %dma_wait3A_230 : memref<1x64x512xf32, #tpu.memory_space<hbm>> -> memref<64x512xf32, #tpu.memory_space<hbm>>
    tpu.wait_dma2 semaphore(%arg10 : memref<!tpu.dma_semaphore, #tpu.memory_space<semaphore_mem>>) src(%arg6 : memref<64x512xf32, #tpu.memory_space<vmem>>) dst(%dma_wait3A_231 : memref<64x512xf32, #tpu.memory_space<hbm>>)
    %dma_start3A_232 = arith.constant 8 : i32
    %dma_start3A_233 = arith.constant 0 : i32
    %dma_start3A_234 = tpu.memref_slice %arg5[%dma_start3A_232, %dma_start3A_233] : memref<16x64xi32, #tpu.memory_space<vmem>> -> memref<1x64xi32, #tpu.memory_space<vmem>>
    %dma_start3A_235 = tpu.memref_squeeze %dma_start3A_234 : memref<1x64xi32, #tpu.memory_space<vmem>> -> memref<64xi32, #tpu.memory_space<vmem>>
    %dma_start3A_236 = arith.constant 0 : i32
    %dma_start3A_237 = arith.constant 0 : i32
    %dma_start3A_238 = tpu.memref_slice %arg3[%dma_start3A_236, %dma_start3A_237] : memref<10000x512xf32, #tpu.memory_space<hbm>> -> memref<10000x512xf32, #tpu.memory_space<hbm>>
    tpu.enqueue_indirect_dma source(%dma_start3A_238 : memref<10000x512xf32, #tpu.memory_space<hbm>>) target(%arg6 : memref<64x512xf32, #tpu.memory_space<vmem>>) offsets(%dma_start3A_235 : memref<64xi32, #tpu.memory_space<vmem>>) semaphore(%arg8 : memref<!tpu.dma_semaphore, #tpu.memory_space<semaphore_mem>>)
    %dma_wait3A_239 = arith.constant 7 : i32
    %dma_wait3A_240 = arith.constant 0 : i32
    %dma_wait3A_241 = tpu.memref_slice %arg5[%dma_wait3A_239, %dma_wait3A_240] : memref<16x64xi32, #tpu.memory_space<vmem>> -> memref<1x64xi32, #tpu.memory_space<vmem>>
    %dma_wait3A_242 = tpu.memref_squeeze %dma_wait3A_241 : memref<1x64xi32, #tpu.memory_space<vmem>> -> memref<64xi32, #tpu.memory_space<vmem>>
    %dma_wait3A_243 = arith.constant 0 : i32
    %dma_wait3A_244 = arith.constant 0 : i32
    %dma_wait3A_245 = tpu.memref_slice %arg3[%dma_wait3A_243, %dma_wait3A_244] : memref<10000x512xf32, #tpu.memory_space<hbm>> -> memref<10000x512xf32, #tpu.memory_space<hbm>>
    tpu.wait_indirect_dma semaphore(%arg9 : memref<!tpu.dma_semaphore, #tpu.memory_space<semaphore_mem>>) src(%dma_wait3A_245 : memref<10000x512xf32, #tpu.memory_space<hbm>>) dst(%arg7 : memref<64x512xf32, #tpu.memory_space<vmem>>)
    %add3A_246 = arith.constant 7 : i32
    %add3A_247 = arith.addi %mul3A_2, %add3A_246 : i32
    %dma_start3A_248 = arith.constant 0 : i32
    %dma_start3A_249 = arith.constant 0 : i32
    %dma_start3A_250 = tpu.memref_slice %arg4[%add3A_247, %dma_start3A_248, %dma_start3A_249] : memref<512x64x512xf32, #tpu.memory_space<hbm>> -> memref<1x64x512xf32, #tpu.memory_space<hbm>>
    %dma_start3A_251 = tpu.memref_squeeze %dma_start3A_250 : memref<1x64x512xf32, #tpu.memory_space<hbm>> -> memref<64x512xf32, #tpu.memory_space<hbm>>
    %dma_start3A_252 = arith.constant 0 : i32
    %dma_start3A_253 = arith.constant 0 : i32
    %dma_start3A_254 = tpu.memref_slice %arg4[%add3A_247, %dma_start3A_252, %dma_start3A_253] : memref<512x64x512xf32, #tpu.memory_space<hbm>> -> memref<1x64x512xf32, #tpu.memory_space<hbm>>
    %dma_start3A_255 = tpu.memref_squeeze %dma_start3A_254 : memref<1x64x512xf32, #tpu.memory_space<hbm>> -> memref<64x512xf32, #tpu.memory_space<hbm>>
    tpu.enqueue_dma source(%arg7 : memref<64x512xf32, #tpu.memory_space<vmem>>) target(%dma_start3A_255 : memref<64x512xf32, #tpu.memory_space<hbm>>) target_semaphore(%arg11 : memref<!tpu.dma_semaphore, #tpu.memory_space<semaphore_mem>>)
    %dma_wait3A_256 = arith.constant 0 : i32
    %dma_wait3A_257 = arith.constant 0 : i32
    %dma_wait3A_258 = tpu.memref_slice %arg4[%add3A_247, %dma_wait3A_256, %dma_wait3A_257] : memref<512x64x512xf32, #tpu.memory_space<hbm>> -> memref<1x64x512xf32, #tpu.memory_space<hbm>>
    %dma_wait3A_259 = tpu.memref_squeeze %dma_wait3A_258 : memref<1x64x512xf32, #tpu.memory_space<hbm>> -> memref<64x512xf32, #tpu.memory_space<hbm>>
    %dma_wait3A_260 = arith.constant 0 : i32
    %dma_wait3A_261 = arith.constant 0 : i32
    %dma_wait3A_262 = tpu.memref_slice %arg4[%add3A_247, %dma_wait3A_260, %dma_wait3A_261] : memref<512x64x512xf32, #tpu.memory_space<hbm>> -> memref<1x64x512xf32, #tpu.memory_space<hbm>>
    %dma_wait3A_263 = tpu.memref_squeeze %dma_wait3A_262 : memref<1x64x512xf32, #tpu.memory_space<hbm>> -> memref<64x512xf32, #tpu.memory_space<hbm>>
    tpu.wait_dma2 semaphore(%arg11 : memref<!tpu.dma_semaphore, #tpu.memory_space<semaphore_mem>>) src(%arg7 : memref<64x512xf32, #tpu.memory_space<vmem>>) dst(%dma_wait3A_263 : memref<64x512xf32, #tpu.memory_space<hbm>>)
    %dma_start3A_264 = arith.constant 9 : i32
    %dma_start3A_265 = arith.constant 0 : i32
    %dma_start3A_266 = tpu.memref_slice %arg5[%dma_start3A_264, %dma_start3A_265] : memref<16x64xi32, #tpu.memory_space<vmem>> -> memref<1x64xi32, #tpu.memory_space<vmem>>
    %dma_start3A_267 = tpu.memref_squeeze %dma_start3A_266 : memref<1x64xi32, #tpu.memory_space<vmem>> -> memref<64xi32, #tpu.memory_space<vmem>>
    %dma_start3A_268 = arith.constant 0 : i32
    %dma_start3A_269 = arith.constant 0 : i32
    %dma_start3A_270 = tpu.memref_slice %arg3[%dma_start3A_268, %dma_start3A_269] : memref<10000x512xf32, #tpu.memory_space<hbm>> -> memref<10000x512xf32, #tpu.memory_space<hbm>>
    tpu.enqueue_indirect_dma source(%dma_start3A_270 : memref<10000x512xf32, #tpu.memory_space<hbm>>) target(%arg7 : memref<64x512xf32, #tpu.memory_space<vmem>>) offsets(%dma_start3A_267 : memref<64xi32, #tpu.memory_space<vmem>>) semaphore(%arg9 : memref<!tpu.dma_semaphore, #tpu.memory_space<semaphore_mem>>)
    %dma_wait3A_271 = arith.constant 8 : i32
    %dma_wait3A_272 = arith.constant 0 : i32
    %dma_wait3A_273 = tpu.memref_slice %arg5[%dma_wait3A_271, %dma_wait3A_272] : memref<16x64xi32, #tpu.memory_space<vmem>> -> memref<1x64xi32, #tpu.memory_space<vmem>>
    %dma_wait3A_274 = tpu.memref_squeeze %dma_wait3A_273 : memref<1x64xi32, #tpu.memory_space<vmem>> -> memref<64xi32, #tpu.memory_space<vmem>>
    %dma_wait3A_275 = arith.constant 0 : i32
    %dma_wait3A_276 = arith.constant 0 : i32
    %dma_wait3A_277 = tpu.memref_slice %arg3[%dma_wait3A_275, %dma_wait3A_276] : memref<10000x512xf32, #tpu.memory_space<hbm>> -> memref<10000x512xf32, #tpu.memory_space<hbm>>
    tpu.wait_indirect_dma semaphore(%arg8 : memref<!tpu.dma_semaphore, #tpu.memory_space<semaphore_mem>>) src(%dma_wait3A_277 : memref<10000x512xf32, #tpu.memory_space<hbm>>) dst(%arg6 : memref<64x512xf32, #tpu.memory_space<vmem>>)
    %add3A_278 = arith.constant 8 : i32
    %add3A_279 = arith.addi %mul3A_2, %add3A_278 : i32
    %dma_start3A_280 = arith.constant 0 : i32
    %dma_start3A_281 = arith.constant 0 : i32
    %dma_start3A_282 = tpu.memref_slice %arg4[%add3A_279, %dma_start3A_280, %dma_start3A_281] : memref<512x64x512xf32, #tpu.memory_space<hbm>> -> memref<1x64x512xf32, #tpu.memory_space<hbm>>
    %dma_start3A_283 = tpu.memref_squeeze %dma_start3A_282 : memref<1x64x512xf32, #tpu.memory_space<hbm>> -> memref<64x512xf32, #tpu.memory_space<hbm>>
    %dma_start3A_284 = arith.constant 0 : i32
    %dma_start3A_285 = arith.constant 0 : i32
    %dma_start3A_286 = tpu.memref_slice %arg4[%add3A_279, %dma_start3A_284, %dma_start3A_285] : memref<512x64x512xf32, #tpu.memory_space<hbm>> -> memref<1x64x512xf32, #tpu.memory_space<hbm>>
    %dma_start3A_287 = tpu.memref_squeeze %dma_start3A_286 : memref<1x64x512xf32, #tpu.memory_space<hbm>> -> memref<64x512xf32, #tpu.memory_space<hbm>>
    tpu.enqueue_dma source(%arg6 : memref<64x512xf32, #tpu.memory_space<vmem>>) target(%dma_start3A_287 : memref<64x512xf32, #tpu.memory_space<hbm>>) target_semaphore(%arg10 : memref<!tpu.dma_semaphore, #tpu.memory_space<semaphore_mem>>)
    %dma_wait3A_288 = arith.constant 0 : i32
    %dma_wait3A_289 = arith.constant 0 : i32
    %dma_wait3A_290 = tpu.memref_slice %arg4[%add3A_279, %dma_wait3A_288, %dma_wait3A_289] : memref<512x64x512xf32, #tpu.memory_space<hbm>> -> memref<1x64x512xf32, #tpu.memory_space<hbm>>
    %dma_wait3A_291 = tpu.memref_squeeze %dma_wait3A_290 : memref<1x64x512xf32, #tpu.memory_space<hbm>> -> memref<64x512xf32, #tpu.memory_space<hbm>>
    %dma_wait3A_292 = arith.constant 0 : i32
    %dma_wait3A_293 = arith.constant 0 : i32
    %dma_wait3A_294 = tpu.memref_slice %arg4[%add3A_279, %dma_wait3A_292, %dma_wait3A_293] : memref<512x64x512xf32, #tpu.memory_space<hbm>> -> memref<1x64x512xf32, #tpu.memory_space<hbm>>
    %dma_wait3A_295 = tpu.memref_squeeze %dma_wait3A_294 : memref<1x64x512xf32, #tpu.memory_space<hbm>> -> memref<64x512xf32, #tpu.memory_space<hbm>>
    tpu.wait_dma2 semaphore(%arg10 : memref<!tpu.dma_semaphore, #tpu.memory_space<semaphore_mem>>) src(%arg6 : memref<64x512xf32, #tpu.memory_space<vmem>>) dst(%dma_wait3A_295 : memref<64x512xf32, #tpu.memory_space<hbm>>)
    %dma_start3A_296 = arith.constant 10 : i32
    %dma_start3A_297 = arith.constant 0 : i32
    %dma_start3A_298 = tpu.memref_slice %arg5[%dma_start3A_296, %dma_start3A_297] : memref<16x64xi32, #tpu.memory_space<vmem>> -> memref<1x64xi32, #tpu.memory_space<vmem>>
    %dma_start3A_299 = tpu.memref_squeeze %dma_start3A_298 : memref<1x64xi32, #tpu.memory_space<vmem>> -> memref<64xi32, #tpu.memory_space<vmem>>
    %dma_start3A_300 = arith.constant 0 : i32
    %dma_start3A_301 = arith.constant 0 : i32
    %dma_start3A_302 = tpu.memref_slice %arg3[%dma_start3A_300, %dma_start3A_301] : memref<10000x512xf32, #tpu.memory_space<hbm>> -> memref<10000x512xf32, #tpu.memory_space<hbm>>
    tpu.enqueue_indirect_dma source(%dma_start3A_302 : memref<10000x512xf32, #tpu.memory_space<hbm>>) target(%arg6 : memref<64x512xf32, #tpu.memory_space<vmem>>) offsets(%dma_start3A_299 : memref<64xi32, #tpu.memory_space<vmem>>) semaphore(%arg8 : memref<!tpu.dma_semaphore, #tpu.memory_space<semaphore_mem>>)
    %dma_wait3A_303 = arith.constant 9 : i32
    %dma_wait3A_304 = arith.constant 0 : i32
    %dma_wait3A_305 = tpu.memref_slice %arg5[%dma_wait3A_303, %dma_wait3A_304] : memref<16x64xi32, #tpu.memory_space<vmem>> -> memref<1x64xi32, #tpu.memory_space<vmem>>
    %dma_wait3A_306 = tpu.memref_squeeze %dma_wait3A_305 : memref<1x64xi32, #tpu.memory_space<vmem>> -> memref<64xi32, #tpu.memory_space<vmem>>
    %dma_wait3A_307 = arith.constant 0 : i32
    %dma_wait3A_308 = arith.constant 0 : i32
    %dma_wait3A_309 = tpu.memref_slice %arg3[%dma_wait3A_307, %dma_wait3A_308] : memref<10000x512xf32, #tpu.memory_space<hbm>> -> memref<10000x512xf32, #tpu.memory_space<hbm>>
    tpu.wait_indirect_dma semaphore(%arg9 : memref<!tpu.dma_semaphore, #tpu.memory_space<semaphore_mem>>) src(%dma_wait3A_309 : memref<10000x512xf32, #tpu.memory_space<hbm>>) dst(%arg7 : memref<64x512xf32, #tpu.memory_space<vmem>>)
    %add3A_310 = arith.constant 9 : i32
    %add3A_311 = arith.addi %mul3A_2, %add3A_310 : i32
    %dma_start3A_312 = arith.constant 0 : i32
    %dma_start3A_313 = arith.constant 0 : i32
    %dma_start3A_314 = tpu.memref_slice %arg4[%add3A_311, %dma_start3A_312, %dma_start3A_313] : memref<512x64x512xf32, #tpu.memory_space<hbm>> -> memref<1x64x512xf32, #tpu.memory_space<hbm>>
    %dma_start3A_315 = tpu.memref_squeeze %dma_start3A_314 : memref<1x64x512xf32, #tpu.memory_space<hbm>> -> memref<64x512xf32, #tpu.memory_space<hbm>>
    %dma_start3A_316 = arith.constant 0 : i32
    %dma_start3A_317 = arith.constant 0 : i32
    %dma_start3A_318 = tpu.memref_slice %arg4[%add3A_311, %dma_start3A_316, %dma_start3A_317] : memref<512x64x512xf32, #tpu.memory_space<hbm>> -> memref<1x64x512xf32, #tpu.memory_space<hbm>>
    %dma_start3A_319 = tpu.memref_squeeze %dma_start3A_318 : memref<1x64x512xf32, #tpu.memory_space<hbm>> -> memref<64x512xf32, #tpu.memory_space<hbm>>
    tpu.enqueue_dma source(%arg7 : memref<64x512xf32, #tpu.memory_space<vmem>>) target(%dma_start3A_319 : memref<64x512xf32, #tpu.memory_space<hbm>>) target_semaphore(%arg11 : memref<!tpu.dma_semaphore, #tpu.memory_space<semaphore_mem>>)
    %dma_wait3A_320 = arith.constant 0 : i32
    %dma_wait3A_321 = arith.constant 0 : i32
    %dma_wait3A_322 = tpu.memref_slice %arg4[%add3A_311, %dma_wait3A_320, %dma_wait3A_321] : memref<512x64x512xf32, #tpu.memory_space<hbm>> -> memref<1x64x512xf32, #tpu.memory_space<hbm>>
    %dma_wait3A_323 = tpu.memref_squeeze %dma_wait3A_322 : memref<1x64x512xf32, #tpu.memory_space<hbm>> -> memref<64x512xf32, #tpu.memory_space<hbm>>
    %dma_wait3A_324 = arith.constant 0 : i32
    %dma_wait3A_325 = arith.constant 0 : i32
    %dma_wait3A_326 = tpu.memref_slice %arg4[%add3A_311, %dma_wait3A_324, %dma_wait3A_325] : memref<512x64x512xf32, #tpu.memory_space<hbm>> -> memref<1x64x512xf32, #tpu.memory_space<hbm>>
    %dma_wait3A_327 = tpu.memref_squeeze %dma_wait3A_326 : memref<1x64x512xf32, #tpu.memory_space<hbm>> -> memref<64x512xf32, #tpu.memory_space<hbm>>
    tpu.wait_dma2 semaphore(%arg11 : memref<!tpu.dma_semaphore, #tpu.memory_space<semaphore_mem>>) src(%arg7 : memref<64x512xf32, #tpu.memory_space<vmem>>) dst(%dma_wait3A_327 : memref<64x512xf32, #tpu.memory_space<hbm>>)
    %dma_start3A_328 = arith.constant 11 : i32
    %dma_start3A_329 = arith.constant 0 : i32
    %dma_start3A_330 = tpu.memref_slice %arg5[%dma_start3A_328, %dma_start3A_329] : memref<16x64xi32, #tpu.memory_space<vmem>> -> memref<1x64xi32, #tpu.memory_space<vmem>>
    %dma_start3A_331 = tpu.memref_squeeze %dma_start3A_330 : memref<1x64xi32, #tpu.memory_space<vmem>> -> memref<64xi32, #tpu.memory_space<vmem>>
    %dma_start3A_332 = arith.constant 0 : i32
    %dma_start3A_333 = arith.constant 0 : i32
    %dma_start3A_334 = tpu.memref_slice %arg3[%dma_start3A_332, %dma_start3A_333] : memref<10000x512xf32, #tpu.memory_space<hbm>> -> memref<10000x512xf32, #tpu.memory_space<hbm>>
    tpu.enqueue_indirect_dma source(%dma_start3A_334 : memref<10000x512xf32, #tpu.memory_space<hbm>>) target(%arg7 : memref<64x512xf32, #tpu.memory_space<vmem>>) offsets(%dma_start3A_331 : memref<64xi32, #tpu.memory_space<vmem>>) semaphore(%arg9 : memref<!tpu.dma_semaphore, #tpu.memory_space<semaphore_mem>>)
    %dma_wait3A_335 = arith.constant 10 : i32
    %dma_wait3A_336 = arith.constant 0 : i32
    %dma_wait3A_337 = tpu.memref_slice %arg5[%dma_wait3A_335, %dma_wait3A_336] : memref<16x64xi32, #tpu.memory_space<vmem>> -> memref<1x64xi32, #tpu.memory_space<vmem>>
    %dma_wait3A_338 = tpu.memref_squeeze %dma_wait3A_337 : memref<1x64xi32, #tpu.memory_space<vmem>> -> memref<64xi32, #tpu.memory_space<vmem>>
    %dma_wait3A_339 = arith.constant 0 : i32
    %dma_wait3A_340 = arith.constant 0 : i32
    %dma_wait3A_341 = tpu.memref_slice %arg3[%dma_wait3A_339, %dma_wait3A_340] : memref<10000x512xf32, #tpu.memory_space<hbm>> -> memref<10000x512xf32, #tpu.memory_space<hbm>>
    tpu.wait_indirect_dma semaphore(%arg8 : memref<!tpu.dma_semaphore, #tpu.memory_space<semaphore_mem>>) src(%dma_wait3A_341 : memref<10000x512xf32, #tpu.memory_space<hbm>>) dst(%arg6 : memref<64x512xf32, #tpu.memory_space<vmem>>)
    %add3A_342 = arith.constant 10 : i32
    %add3A_343 = arith.addi %mul3A_2, %add3A_342 : i32
    %dma_start3A_344 = arith.constant 0 : i32
    %dma_start3A_345 = arith.constant 0 : i32
    %dma_start3A_346 = tpu.memref_slice %arg4[%add3A_343, %dma_start3A_344, %dma_start3A_345] : memref<512x64x512xf32, #tpu.memory_space<hbm>> -> memref<1x64x512xf32, #tpu.memory_space<hbm>>
    %dma_start3A_347 = tpu.memref_squeeze %dma_start3A_346 : memref<1x64x512xf32, #tpu.memory_space<hbm>> -> memref<64x512xf32, #tpu.memory_space<hbm>>
    %dma_start3A_348 = arith.constant 0 : i32
    %dma_start3A_349 = arith.constant 0 : i32
    %dma_start3A_350 = tpu.memref_slice %arg4[%add3A_343, %dma_start3A_348, %dma_start3A_349] : memref<512x64x512xf32, #tpu.memory_space<hbm>> -> memref<1x64x512xf32, #tpu.memory_space<hbm>>
    %dma_start3A_351 = tpu.memref_squeeze %dma_start3A_350 : memref<1x64x512xf32, #tpu.memory_space<hbm>> -> memref<64x512xf32, #tpu.memory_space<hbm>>
    tpu.enqueue_dma source(%arg6 : memref<64x512xf32, #tpu.memory_space<vmem>>) target(%dma_start3A_351 : memref<64x512xf32, #tpu.memory_space<hbm>>) target_semaphore(%arg10 : memref<!tpu.dma_semaphore, #tpu.memory_space<semaphore_mem>>)
    %dma_wait3A_352 = arith.constant 0 : i32
    %dma_wait3A_353 = arith.constant 0 : i32
    %dma_wait3A_354 = tpu.memref_slice %arg4[%add3A_343, %dma_wait3A_352, %dma_wait3A_353] : memref<512x64x512xf32, #tpu.memory_space<hbm>> -> memref<1x64x512xf32, #tpu.memory_space<hbm>>
    %dma_wait3A_355 = tpu.memref_squeeze %dma_wait3A_354 : memref<1x64x512xf32, #tpu.memory_space<hbm>> -> memref<64x512xf32, #tpu.memory_space<hbm>>
    %dma_wait3A_356 = arith.constant 0 : i32
    %dma_wait3A_357 = arith.constant 0 : i32
    %dma_wait3A_358 = tpu.memref_slice %arg4[%add3A_343, %dma_wait3A_356, %dma_wait3A_357] : memref<512x64x512xf32, #tpu.memory_space<hbm>> -> memref<1x64x512xf32, #tpu.memory_space<hbm>>
    %dma_wait3A_359 = tpu.memref_squeeze %dma_wait3A_358 : memref<1x64x512xf32, #tpu.memory_space<hbm>> -> memref<64x512xf32, #tpu.memory_space<hbm>>
    tpu.wait_dma2 semaphore(%arg10 : memref<!tpu.dma_semaphore, #tpu.memory_space<semaphore_mem>>) src(%arg6 : memref<64x512xf32, #tpu.memory_space<vmem>>) dst(%dma_wait3A_359 : memref<64x512xf32, #tpu.memory_space<hbm>>)
    %dma_start3A_360 = arith.constant 12 : i32
    %dma_start3A_361 = arith.constant 0 : i32
    %dma_start3A_362 = tpu.memref_slice %arg5[%dma_start3A_360, %dma_start3A_361] : memref<16x64xi32, #tpu.memory_space<vmem>> -> memref<1x64xi32, #tpu.memory_space<vmem>>
    %dma_start3A_363 = tpu.memref_squeeze %dma_start3A_362 : memref<1x64xi32, #tpu.memory_space<vmem>> -> memref<64xi32, #tpu.memory_space<vmem>>
    %dma_start3A_364 = arith.constant 0 : i32
    %dma_start3A_365 = arith.constant 0 : i32
    %dma_start3A_366 = tpu.memref_slice %arg3[%dma_start3A_364, %dma_start3A_365] : memref<10000x512xf32, #tpu.memory_space<hbm>> -> memref<10000x512xf32, #tpu.memory_space<hbm>>
    tpu.enqueue_indirect_dma source(%dma_start3A_366 : memref<10000x512xf32, #tpu.memory_space<hbm>>) target(%arg6 : memref<64x512xf32, #tpu.memory_space<vmem>>) offsets(%dma_start3A_363 : memref<64xi32, #tpu.memory_space<vmem>>) semaphore(%arg8 : memref<!tpu.dma_semaphore, #tpu.memory_space<semaphore_mem>>)
    %dma_wait3A_367 = arith.constant 11 : i32
    %dma_wait3A_368 = arith.constant 0 : i32
    %dma_wait3A_369 = tpu.memref_slice %arg5[%dma_wait3A_367, %dma_wait3A_368] : memref<16x64xi32, #tpu.memory_space<vmem>> -> memref<1x64xi32, #tpu.memory_space<vmem>>
    %dma_wait3A_370 = tpu.memref_squeeze %dma_wait3A_369 : memref<1x64xi32, #tpu.memory_space<vmem>> -> memref<64xi32, #tpu.memory_space<vmem>>
    %dma_wait3A_371 = arith.constant 0 : i32
    %dma_wait3A_372 = arith.constant 0 : i32
    %dma_wait3A_373 = tpu.memref_slice %arg3[%dma_wait3A_371, %dma_wait3A_372] : memref<10000x512xf32, #tpu.memory_space<hbm>> -> memref<10000x512xf32, #tpu.memory_space<hbm>>
    tpu.wait_indirect_dma semaphore(%arg9 : memref<!tpu.dma_semaphore, #tpu.memory_space<semaphore_mem>>) src(%dma_wait3A_373 : memref<10000x512xf32, #tpu.memory_space<hbm>>) dst(%arg7 : memref<64x512xf32, #tpu.memory_space<vmem>>)
    %add3A_374 = arith.constant 11 : i32
    %add3A_375 = arith.addi %mul3A_2, %add3A_374 : i32
    %dma_start3A_376 = arith.constant 0 : i32
    %dma_start3A_377 = arith.constant 0 : i32
    %dma_start3A_378 = tpu.memref_slice %arg4[%add3A_375, %dma_start3A_376, %dma_start3A_377] : memref<512x64x512xf32, #tpu.memory_space<hbm>> -> memref<1x64x512xf32, #tpu.memory_space<hbm>>
    %dma_start3A_379 = tpu.memref_squeeze %dma_start3A_378 : memref<1x64x512xf32, #tpu.memory_space<hbm>> -> memref<64x512xf32, #tpu.memory_space<hbm>>
    %dma_start3A_380 = arith.constant 0 : i32
    %dma_start3A_381 = arith.constant 0 : i32
    %dma_start3A_382 = tpu.memref_slice %arg4[%add3A_375, %dma_start3A_380, %dma_start3A_381] : memref<512x64x512xf32, #tpu.memory_space<hbm>> -> memref<1x64x512xf32, #tpu.memory_space<hbm>>
    %dma_start3A_383 = tpu.memref_squeeze %dma_start3A_382 : memref<1x64x512xf32, #tpu.memory_space<hbm>> -> memref<64x512xf32, #tpu.memory_space<hbm>>
    tpu.enqueue_dma source(%arg7 : memref<64x512xf32, #tpu.memory_space<vmem>>) target(%dma_start3A_383 : memref<64x512xf32, #tpu.memory_space<hbm>>) target_semaphore(%arg11 : memref<!tpu.dma_semaphore, #tpu.memory_space<semaphore_mem>>)
    %dma_wait3A_384 = arith.constant 0 : i32
    %dma_wait3A_385 = arith.constant 0 : i32
    %dma_wait3A_386 = tpu.memref_slice %arg4[%add3A_375, %dma_wait3A_384, %dma_wait3A_385] : memref<512x64x512xf32, #tpu.memory_space<hbm>> -> memref<1x64x512xf32, #tpu.memory_space<hbm>>
    %dma_wait3A_387 = tpu.memref_squeeze %dma_wait3A_386 : memref<1x64x512xf32, #tpu.memory_space<hbm>> -> memref<64x512xf32, #tpu.memory_space<hbm>>
    %dma_wait3A_388 = arith.constant 0 : i32
    %dma_wait3A_389 = arith.constant 0 : i32
    %dma_wait3A_390 = tpu.memref_slice %arg4[%add3A_375, %dma_wait3A_388, %dma_wait3A_389] : memref<512x64x512xf32, #tpu.memory_space<hbm>> -> memref<1x64x512xf32, #tpu.memory_space<hbm>>
    %dma_wait3A_391 = tpu.memref_squeeze %dma_wait3A_390 : memref<1x64x512xf32, #tpu.memory_space<hbm>> -> memref<64x512xf32, #tpu.memory_space<hbm>>
    tpu.wait_dma2 semaphore(%arg11 : memref<!tpu.dma_semaphore, #tpu.memory_space<semaphore_mem>>) src(%arg7 : memref<64x512xf32, #tpu.memory_space<vmem>>) dst(%dma_wait3A_391 : memref<64x512xf32, #tpu.memory_space<hbm>>)
    %dma_start3A_392 = arith.constant 13 : i32
    %dma_start3A_393 = arith.constant 0 : i32
    %dma_start3A_394 = tpu.memref_slice %arg5[%dma_start3A_392, %dma_start3A_393] : memref<16x64xi32, #tpu.memory_space<vmem>> -> memref<1x64xi32, #tpu.memory_space<vmem>>
    %dma_start3A_395 = tpu.memref_squeeze %dma_start3A_394 : memref<1x64xi32, #tpu.memory_space<vmem>> -> memref<64xi32, #tpu.memory_space<vmem>>
    %dma_start3A_396 = arith.constant 0 : i32
    %dma_start3A_397 = arith.constant 0 : i32
    %dma_start3A_398 = tpu.memref_slice %arg3[%dma_start3A_396, %dma_start3A_397] : memref<10000x512xf32, #tpu.memory_space<hbm>> -> memref<10000x512xf32, #tpu.memory_space<hbm>>
    tpu.enqueue_indirect_dma source(%dma_start3A_398 : memref<10000x512xf32, #tpu.memory_space<hbm>>) target(%arg7 : memref<64x512xf32, #tpu.memory_space<vmem>>) offsets(%dma_start3A_395 : memref<64xi32, #tpu.memory_space<vmem>>) semaphore(%arg9 : memref<!tpu.dma_semaphore, #tpu.memory_space<semaphore_mem>>)
    %dma_wait3A_399 = arith.constant 12 : i32
    %dma_wait3A_400 = arith.constant 0 : i32
    %dma_wait3A_401 = tpu.memref_slice %arg5[%dma_wait3A_399, %dma_wait3A_400] : memref<16x64xi32, #tpu.memory_space<vmem>> -> memref<1x64xi32, #tpu.memory_space<vmem>>
    %dma_wait3A_402 = tpu.memref_squeeze %dma_wait3A_401 : memref<1x64xi32, #tpu.memory_space<vmem>> -> memref<64xi32, #tpu.memory_space<vmem>>
    %dma_wait3A_403 = arith.constant 0 : i32
    %dma_wait3A_404 = arith.constant 0 : i32
    %dma_wait3A_405 = tpu.memref_slice %arg3[%dma_wait3A_403, %dma_wait3A_404] : memref<10000x512xf32, #tpu.memory_space<hbm>> -> memref<10000x512xf32, #tpu.memory_space<hbm>>
    tpu.wait_indirect_dma semaphore(%arg8 : memref<!tpu.dma_semaphore, #tpu.memory_space<semaphore_mem>>) src(%dma_wait3A_405 : memref<10000x512xf32, #tpu.memory_space<hbm>>) dst(%arg6 : memref<64x512xf32, #tpu.memory_space<vmem>>)
    %add3A_406 = arith.constant 12 : i32
    %add3A_407 = arith.addi %mul3A_2, %add3A_406 : i32
    %dma_start3A_408 = arith.constant 0 : i32
    %dma_start3A_409 = arith.constant 0 : i32
    %dma_start3A_410 = tpu.memref_slice %arg4[%add3A_407, %dma_start3A_408, %dma_start3A_409] : memref<512x64x512xf32, #tpu.memory_space<hbm>> -> memref<1x64x512xf32, #tpu.memory_space<hbm>>
    %dma_start3A_411 = tpu.memref_squeeze %dma_start3A_410 : memref<1x64x512xf32, #tpu.memory_space<hbm>> -> memref<64x512xf32, #tpu.memory_space<hbm>>
    %dma_start3A_412 = arith.constant 0 : i32
    %dma_start3A_413 = arith.constant 0 : i32
    %dma_start3A_414 = tpu.memref_slice %arg4[%add3A_407, %dma_start3A_412, %dma_start3A_413] : memref<512x64x512xf32, #tpu.memory_space<hbm>> -> memref<1x64x512xf32, #tpu.memory_space<hbm>>
    %dma_start3A_415 = tpu.memref_squeeze %dma_start3A_414 : memref<1x64x512xf32, #tpu.memory_space<hbm>> -> memref<64x512xf32, #tpu.memory_space<hbm>>
    tpu.enqueue_dma source(%arg6 : memref<64x512xf32, #tpu.memory_space<vmem>>) target(%dma_start3A_415 : memref<64x512xf32, #tpu.memory_space<hbm>>) target_semaphore(%arg10 : memref<!tpu.dma_semaphore, #tpu.memory_space<semaphore_mem>>)
    %dma_wait3A_416 = arith.constant 0 : i32
    %dma_wait3A_417 = arith.constant 0 : i32
    %dma_wait3A_418 = tpu.memref_slice %arg4[%add3A_407, %dma_wait3A_416, %dma_wait3A_417] : memref<512x64x512xf32, #tpu.memory_space<hbm>> -> memref<1x64x512xf32, #tpu.memory_space<hbm>>
    %dma_wait3A_419 = tpu.memref_squeeze %dma_wait3A_418 : memref<1x64x512xf32, #tpu.memory_space<hbm>> -> memref<64x512xf32, #tpu.memory_space<hbm>>
    %dma_wait3A_420 = arith.constant 0 : i32
    %dma_wait3A_421 = arith.constant 0 : i32
    %dma_wait3A_422 = tpu.memref_slice %arg4[%add3A_407, %dma_wait3A_420, %dma_wait3A_421] : memref<512x64x512xf32, #tpu.memory_space<hbm>> -> memref<1x64x512xf32, #tpu.memory_space<hbm>>
    %dma_wait3A_423 = tpu.memref_squeeze %dma_wait3A_422 : memref<1x64x512xf32, #tpu.memory_space<hbm>> -> memref<64x512xf32, #tpu.memory_space<hbm>>
    tpu.wait_dma2 semaphore(%arg10 : memref<!tpu.dma_semaphore, #tpu.memory_space<semaphore_mem>>) src(%arg6 : memref<64x512xf32, #tpu.memory_space<vmem>>) dst(%dma_wait3A_423 : memref<64x512xf32, #tpu.memory_space<hbm>>)
    %dma_start3A_424 = arith.constant 14 : i32
    %dma_start3A_425 = arith.constant 0 : i32
    %dma_start3A_426 = tpu.memref_slice %arg5[%dma_start3A_424, %dma_start3A_425] : memref<16x64xi32, #tpu.memory_space<vmem>> -> memref<1x64xi32, #tpu.memory_space<vmem>>
    %dma_start3A_427 = tpu.memref_squeeze %dma_start3A_426 : memref<1x64xi32, #tpu.memory_space<vmem>> -> memref<64xi32, #tpu.memory_space<vmem>>
    %dma_start3A_428 = arith.constant 0 : i32
    %dma_start3A_429 = arith.constant 0 : i32
    %dma_start3A_430 = tpu.memref_slice %arg3[%dma_start3A_428, %dma_start3A_429] : memref<10000x512xf32, #tpu.memory_space<hbm>> -> memref<10000x512xf32, #tpu.memory_space<hbm>>
    tpu.enqueue_indirect_dma source(%dma_start3A_430 : memref<10000x512xf32, #tpu.memory_space<hbm>>) target(%arg6 : memref<64x512xf32, #tpu.memory_space<vmem>>) offsets(%dma_start3A_427 : memref<64xi32, #tpu.memory_space<vmem>>) semaphore(%arg8 : memref<!tpu.dma_semaphore, #tpu.memory_space<semaphore_mem>>)
    %dma_wait3A_431 = arith.constant 13 : i32
    %dma_wait3A_432 = arith.constant 0 : i32
    %dma_wait3A_433 = tpu.memref_slice %arg5[%dma_wait3A_431, %dma_wait3A_432] : memref<16x64xi32, #tpu.memory_space<vmem>> -> memref<1x64xi32, #tpu.memory_space<vmem>>
    %dma_wait3A_434 = tpu.memref_squeeze %dma_wait3A_433 : memref<1x64xi32, #tpu.memory_space<vmem>> -> memref<64xi32, #tpu.memory_space<vmem>>
    %dma_wait3A_435 = arith.constant 0 : i32
    %dma_wait3A_436 = arith.constant 0 : i32
    %dma_wait3A_437 = tpu.memref_slice %arg3[%dma_wait3A_435, %dma_wait3A_436] : memref<10000x512xf32, #tpu.memory_space<hbm>> -> memref<10000x512xf32, #tpu.memory_space<hbm>>
    tpu.wait_indirect_dma semaphore(%arg9 : memref<!tpu.dma_semaphore, #tpu.memory_space<semaphore_mem>>) src(%dma_wait3A_437 : memref<10000x512xf32, #tpu.memory_space<hbm>>) dst(%arg7 : memref<64x512xf32, #tpu.memory_space<vmem>>)
    %add3A_438 = arith.constant 13 : i32
    %add3A_439 = arith.addi %mul3A_2, %add3A_438 : i32
    %dma_start3A_440 = arith.constant 0 : i32
    %dma_start3A_441 = arith.constant 0 : i32
    %dma_start3A_442 = tpu.memref_slice %arg4[%add3A_439, %dma_start3A_440, %dma_start3A_441] : memref<512x64x512xf32, #tpu.memory_space<hbm>> -> memref<1x64x512xf32, #tpu.memory_space<hbm>>
    %dma_start3A_443 = tpu.memref_squeeze %dma_start3A_442 : memref<1x64x512xf32, #tpu.memory_space<hbm>> -> memref<64x512xf32, #tpu.memory_space<hbm>>
    %dma_start3A_444 = arith.constant 0 : i32
    %dma_start3A_445 = arith.constant 0 : i32
    %dma_start3A_446 = tpu.memref_slice %arg4[%add3A_439, %dma_start3A_444, %dma_start3A_445] : memref<512x64x512xf32, #tpu.memory_space<hbm>> -> memref<1x64x512xf32, #tpu.memory_space<hbm>>
    %dma_start3A_447 = tpu.memref_squeeze %dma_start3A_446 : memref<1x64x512xf32, #tpu.memory_space<hbm>> -> memref<64x512xf32, #tpu.memory_space<hbm>>
    tpu.enqueue_dma source(%arg7 : memref<64x512xf32, #tpu.memory_space<vmem>>) target(%dma_start3A_447 : memref<64x512xf32, #tpu.memory_space<hbm>>) target_semaphore(%arg11 : memref<!tpu.dma_semaphore, #tpu.memory_space<semaphore_mem>>)
    %dma_wait3A_448 = arith.constant 0 : i32
    %dma_wait3A_449 = arith.constant 0 : i32
    %dma_wait3A_450 = tpu.memref_slice %arg4[%add3A_439, %dma_wait3A_448, %dma_wait3A_449] : memref<512x64x512xf32, #tpu.memory_space<hbm>> -> memref<1x64x512xf32, #tpu.memory_space<hbm>>
    %dma_wait3A_451 = tpu.memref_squeeze %dma_wait3A_450 : memref<1x64x512xf32, #tpu.memory_space<hbm>> -> memref<64x512xf32, #tpu.memory_space<hbm>>
    %dma_wait3A_452 = arith.constant 0 : i32
    %dma_wait3A_453 = arith.constant 0 : i32
    %dma_wait3A_454 = tpu.memref_slice %arg4[%add3A_439, %dma_wait3A_452, %dma_wait3A_453] : memref<512x64x512xf32, #tpu.memory_space<hbm>> -> memref<1x64x512xf32, #tpu.memory_space<hbm>>
    %dma_wait3A_455 = tpu.memref_squeeze %dma_wait3A_454 : memref<1x64x512xf32, #tpu.memory_space<hbm>> -> memref<64x512xf32, #tpu.memory_space<hbm>>
    tpu.wait_dma2 semaphore(%arg11 : memref<!tpu.dma_semaphore, #tpu.memory_space<semaphore_mem>>) src(%arg7 : memref<64x512xf32, #tpu.memory_space<vmem>>) dst(%dma_wait3A_455 : memref<64x512xf32, #tpu.memory_space<hbm>>)
    %dma_start3A_456 = arith.constant 15 : i32
    %dma_start3A_457 = arith.constant 0 : i32
    %dma_start3A_458 = tpu.memref_slice %arg5[%dma_start3A_456, %dma_start3A_457] : memref<16x64xi32, #tpu.memory_space<vmem>> -> memref<1x64xi32, #tpu.memory_space<vmem>>
    %dma_start3A_459 = tpu.memref_squeeze %dma_start3A_458 : memref<1x64xi32, #tpu.memory_space<vmem>> -> memref<64xi32, #tpu.memory_space<vmem>>
    %dma_start3A_460 = arith.constant 0 : i32
    %dma_start3A_461 = arith.constant 0 : i32
    %dma_start3A_462 = tpu.memref_slice %arg3[%dma_start3A_460, %dma_start3A_461] : memref<10000x512xf32, #tpu.memory_space<hbm>> -> memref<10000x512xf32, #tpu.memory_space<hbm>>
    tpu.enqueue_indirect_dma source(%dma_start3A_462 : memref<10000x512xf32, #tpu.memory_space<hbm>>) target(%arg7 : memref<64x512xf32, #tpu.memory_space<vmem>>) offsets(%dma_start3A_459 : memref<64xi32, #tpu.memory_space<vmem>>) semaphore(%arg9 : memref<!tpu.dma_semaphore, #tpu.memory_space<semaphore_mem>>)
    %dma_wait3A_463 = arith.constant 14 : i32
    %dma_wait3A_464 = arith.constant 0 : i32
    %dma_wait3A_465 = tpu.memref_slice %arg5[%dma_wait3A_463, %dma_wait3A_464] : memref<16x64xi32, #tpu.memory_space<vmem>> -> memref<1x64xi32, #tpu.memory_space<vmem>>
    %dma_wait3A_466 = tpu.memref_squeeze %dma_wait3A_465 : memref<1x64xi32, #tpu.memory_space<vmem>> -> memref<64xi32, #tpu.memory_space<vmem>>
    %dma_wait3A_467 = arith.constant 0 : i32
    %dma_wait3A_468 = arith.constant 0 : i32
    %dma_wait3A_469 = tpu.memref_slice %arg3[%dma_wait3A_467, %dma_wait3A_468] : memref<10000x512xf32, #tpu.memory_space<hbm>> -> memref<10000x512xf32, #tpu.memory_space<hbm>>
    tpu.wait_indirect_dma semaphore(%arg8 : memref<!tpu.dma_semaphore, #tpu.memory_space<semaphore_mem>>) src(%dma_wait3A_469 : memref<10000x512xf32, #tpu.memory_space<hbm>>) dst(%arg6 : memref<64x512xf32, #tpu.memory_space<vmem>>)
    %add3A_470 = arith.constant 14 : i32
    %add3A_471 = arith.addi %mul3A_2, %add3A_470 : i32
    %dma_start3A_472 = arith.constant 0 : i32
    %dma_start3A_473 = arith.constant 0 : i32
    %dma_start3A_474 = tpu.memref_slice %arg4[%add3A_471, %dma_start3A_472, %dma_start3A_473] : memref<512x64x512xf32, #tpu.memory_space<hbm>> -> memref<1x64x512xf32, #tpu.memory_space<hbm>>
    %dma_start3A_475 = tpu.memref_squeeze %dma_start3A_474 : memref<1x64x512xf32, #tpu.memory_space<hbm>> -> memref<64x512xf32, #tpu.memory_space<hbm>>
    %dma_start3A_476 = arith.constant 0 : i32
    %dma_start3A_477 = arith.constant 0 : i32
    %dma_start3A_478 = tpu.memref_slice %arg4[%add3A_471, %dma_start3A_476, %dma_start3A_477] : memref<512x64x512xf32, #tpu.memory_space<hbm>> -> memref<1x64x512xf32, #tpu.memory_space<hbm>>
    %dma_start3A_479 = tpu.memref_squeeze %dma_start3A_478 : memref<1x64x512xf32, #tpu.memory_space<hbm>> -> memref<64x512xf32, #tpu.memory_space<hbm>>
    tpu.enqueue_dma source(%arg6 : memref<64x512xf32, #tpu.memory_space<vmem>>) target(%dma_start3A_479 : memref<64x512xf32, #tpu.memory_space<hbm>>) target_semaphore(%arg10 : memref<!tpu.dma_semaphore, #tpu.memory_space<semaphore_mem>>)
    %dma_wait3A_480 = arith.constant 15 : i32
    %dma_wait3A_481 = arith.constant 0 : i32
    %dma_wait3A_482 = tpu.memref_slice %arg5[%dma_wait3A_480, %dma_wait3A_481] : memref<16x64xi32, #tpu.memory_space<vmem>> -> memref<1x64xi32, #tpu.memory_space<vmem>>
    %dma_wait3A_483 = tpu.memref_squeeze %dma_wait3A_482 : memref<1x64xi32, #tpu.memory_space<vmem>> -> memref<64xi32, #tpu.memory_space<vmem>>
    %dma_wait3A_484 = arith.constant 0 : i32
    %dma_wait3A_485 = arith.constant 0 : i32
    %dma_wait3A_486 = tpu.memref_slice %arg3[%dma_wait3A_484, %dma_wait3A_485] : memref<10000x512xf32, #tpu.memory_space<hbm>> -> memref<10000x512xf32, #tpu.memory_space<hbm>>
    tpu.wait_indirect_dma semaphore(%arg9 : memref<!tpu.dma_semaphore, #tpu.memory_space<semaphore_mem>>) src(%dma_wait3A_486 : memref<10000x512xf32, #tpu.memory_space<hbm>>) dst(%arg7 : memref<64x512xf32, #tpu.memory_space<vmem>>)
    %add3A_487 = arith.constant 15 : i32
    %add3A_488 = arith.addi %mul3A_2, %add3A_487 : i32
    %dma_start3A_489 = arith.constant 0 : i32
    %dma_start3A_490 = arith.constant 0 : i32
    %dma_start3A_491 = tpu.memref_slice %arg4[%add3A_488, %dma_start3A_489, %dma_start3A_490] : memref<512x64x512xf32, #tpu.memory_space<hbm>> -> memref<1x64x512xf32, #tpu.memory_space<hbm>>
    %dma_start3A_492 = tpu.memref_squeeze %dma_start3A_491 : memref<1x64x512xf32, #tpu.memory_space<hbm>> -> memref<64x512xf32, #tpu.memory_space<hbm>>
    %dma_start3A_493 = arith.constant 0 : i32
    %dma_start3A_494 = arith.constant 0 : i32
    %dma_start3A_495 = tpu.memref_slice %arg4[%add3A_488, %dma_start3A_493, %dma_start3A_494] : memref<512x64x512xf32, #tpu.memory_space<hbm>> -> memref<1x64x512xf32, #tpu.memory_space<hbm>>
    %dma_start3A_496 = tpu.memref_squeeze %dma_start3A_495 : memref<1x64x512xf32, #tpu.memory_space<hbm>> -> memref<64x512xf32, #tpu.memory_space<hbm>>
    tpu.enqueue_dma source(%arg7 : memref<64x512xf32, #tpu.memory_space<vmem>>) target(%dma_start3A_496 : memref<64x512xf32, #tpu.memory_space<hbm>>) target_semaphore(%arg11 : memref<!tpu.dma_semaphore, #tpu.memory_space<semaphore_mem>>)
    %dma_wait3A_497 = arith.constant 0 : i32
    %dma_wait3A_498 = arith.constant 0 : i32
    %dma_wait3A_499 = tpu.memref_slice %arg4[%add3A_471, %dma_wait3A_497, %dma_wait3A_498] : memref<512x64x512xf32, #tpu.memory_space<hbm>> -> memref<1x64x512xf32, #tpu.memory_space<hbm>>
    %dma_wait3A_500 = tpu.memref_squeeze %dma_wait3A_499 : memref<1x64x512xf32, #tpu.memory_space<hbm>> -> memref<64x512xf32, #tpu.memory_space<hbm>>
    %dma_wait3A_501 = arith.constant 0 : i32
    %dma_wait3A_502 = arith.constant 0 : i32
    %dma_wait3A_503 = tpu.memref_slice %arg4[%add3A_471, %dma_wait3A_501, %dma_wait3A_502] : memref<512x64x512xf32, #tpu.memory_space<hbm>> -> memref<1x64x512xf32, #tpu.memory_space<hbm>>
    %dma_wait3A_504 = tpu.memref_squeeze %dma_wait3A_503 : memref<1x64x512xf32, #tpu.memory_space<hbm>> -> memref<64x512xf32, #tpu.memory_space<hbm>>
    tpu.wait_dma2 semaphore(%arg10 : memref<!tpu.dma_semaphore, #tpu.memory_space<semaphore_mem>>) src(%arg6 : memref<64x512xf32, #tpu.memory_space<vmem>>) dst(%dma_wait3A_504 : memref<64x512xf32, #tpu.memory_space<hbm>>)
    %dma_wait3A_505 = arith.constant 0 : i32
    %dma_wait3A_506 = arith.constant 0 : i32
    %dma_wait3A_507 = tpu.memref_slice %arg4[%add3A_488, %dma_wait3A_505, %dma_wait3A_506] : memref<512x64x512xf32, #tpu.memory_space<hbm>> -> memref<1x64x512xf32, #tpu.memory_space<hbm>>
    %dma_wait3A_508 = tpu.memref_squeeze %dma_wait3A_507 : memref<1x64x512xf32, #tpu.memory_space<hbm>> -> memref<64x512xf32, #tpu.memory_space<hbm>>
    %dma_wait3A_509 = arith.constant 0 : i32
    %dma_wait3A_510 = arith.constant 0 : i32
    %dma_wait3A_511 = tpu.memref_slice %arg4[%add3A_488, %dma_wait3A_509, %dma_wait3A_510] : memref<512x64x512xf32, #tpu.memory_space<hbm>> -> memref<1x64x512xf32, #tpu.memory_space<hbm>>
    %dma_wait3A_512 = tpu.memref_squeeze %dma_wait3A_511 : memref<1x64x512xf32, #tpu.memory_space<hbm>> -> memref<64x512xf32, #tpu.memory_space<hbm>>
    tpu.wait_dma2 semaphore(%arg11 : memref<!tpu.dma_semaphore, #tpu.memory_space<semaphore_mem>>) src(%arg7 : memref<64x512xf32, #tpu.memory_space<vmem>>) dst(%dma_wait3A_512 : memref<64x512xf32, #tpu.memory_space<hbm>>)
    return
  }
}

module attributes {stable_mosaic.version = 14 : i64} {
  func.func @_tc_body(%arg0: i32, %arg1: memref<1x512x1024xf32, #tpu.memory_space<vmem>>, %arg2: memref<1x512x512xf32, #tpu.memory_space<vmem>>, %arg3: memref<512x512xbf16, #tpu.memory_space<vmem>>, %arg4: memref<1x2048x1xi32, #tpu.memory_space<vmem>>, %arg5: memref<1x1024x1xi32, #tpu.memory_space<vmem>>, %arg6: memref<1x1x2048xi32, #tpu.memory_space<vmem>>, %arg7: memref<1x512x1xf32, #tpu.memory_space<vmem>>, %arg8: memref<1024x512xbf16, #tpu.memory_space<vmem>>, %arg9: memref<1536x1024xbf16, #tpu.memory_space<vmem>>, %arg10: memref<1x512xf32, #tpu.memory_space<vmem>>, %arg11: memref<1x512xf32, #tpu.memory_space<vmem>>, %arg12: memref<1x512x512xf32, #tpu.memory_space<vmem>>, %arg13: memref<1x512x512xf32, #tpu.memory_space<vmem>>, %arg14: memref<1x1024x512xf32, #tpu.memory_space<vmem>>, %arg15: memref<1x1024x1xf32, #tpu.memory_space<vmem>>) attributes {dimension_semantics = [#tpu.dimension_semantics<arbitrary>], iteration_bounds = array<i64: 32>, scalar_prefetch = 0 : i64, scratch_operands = 0 : i64, tpu.core_type = #tpu.core_type<tc>, window_params = [{transform_indices = @transform_0, window_bounds = array<i64: 1, 512, 1024>}, {transform_indices = @transform_1, window_bounds = array<i64: 1, 512, 512>}, {pipeline_mode = #tpu.pipeline_mode<synchronous>, transform_indices = @transform_2, window_bounds = array<i64: 512, 512>}, {transform_indices = @transform_3, window_bounds = array<i64: 1, 2048, 1>}, {transform_indices = @transform_4, window_bounds = array<i64: 1, 1024, 1>}, {transform_indices = @transform_5, window_bounds = array<i64: 1, 1, 2048>}, {transform_indices = @transform_6, window_bounds = array<i64: 1, 512, 1>}, {pipeline_mode = #tpu.pipeline_mode<synchronous>, transform_indices = @transform_7, window_bounds = array<i64: 1024, 512>}, {pipeline_mode = #tpu.pipeline_mode<synchronous>, transform_indices = @transform_8, window_bounds = array<i64: 1536, 1024>}, {pipeline_mode = #tpu.pipeline_mode<synchronous>, transform_indices = @transform_9, window_bounds = array<i64: 1, 512>}, {pipeline_mode = #tpu.pipeline_mode<synchronous>, transform_indices = @transform_10, window_bounds = array<i64: 1, 512>}, {transform_indices = @transform_11, window_bounds = array<i64: 1, 512, 512>}, {transform_indices = @transform_12, window_bounds = array<i64: 1, 512, 512>}, {transform_indices = @transform_13, window_bounds = array<i64: 1, 1024, 512>}, {transform_indices = @transform_14, window_bounds = array<i64: 1, 1024, 1>}]} {
    %get3A = arith.constant 0 : index
    %get3A_0 = arith.constant 0 : index
    %get3A_1 = arith.constant 0 : index
    %get3A_2 = vector.load %arg2[%get3A, %get3A_0, %get3A_1] : memref<1x512x512xf32, #tpu.memory_space<vmem>>, vector<1x512x512xf32>
    %get3A_3 = vector.shape_cast %get3A_2 : vector<1x512x512xf32> to vector<512x512xf32>
    %get3A_4 = arith.constant 0 : index
    %get3A_5 = arith.constant 0 : index
    %get3A_6 = arith.constant 0 : index
    %get3A_7 = vector.load %arg1[%get3A_4, %get3A_5, %get3A_6] : memref<1x512x1024xf32, #tpu.memory_space<vmem>>, vector<1x512x1024xf32>
    %get3A_8 = vector.shape_cast %get3A_7 : vector<1x512x1024xf32> to vector<512x1024xf32>
    %convert_element_type3A = arith.truncf %get3A_8 : vector<512x1024xf32> to vector<512x1024xbf16>
    %get3A_9 = arith.constant 0 : index
    %get3A_10 = arith.constant 0 : index
    %get3A_11 = arith.constant 0 : index
    %get3A_12 = vector.load %arg4[%get3A_9, %get3A_10, %get3A_11] : memref<1x2048x1xi32, #tpu.memory_space<vmem>>, vector<1x2048x1xi32>
    %get3A_13 = vector.shape_cast %get3A_12 : vector<1x2048x1xi32> to vector<2048x1xi32>
    %get3A_14 = arith.constant 0 : index
    %get3A_15 = arith.constant 0 : index
    %get3A_16 = arith.constant 0 : index
    %get3A_17 = vector.load %arg5[%get3A_14, %get3A_15, %get3A_16] : memref<1x1024x1xi32, #tpu.memory_space<vmem>>, vector<1x1024x1xi32>
    %get3A_18 = vector.shape_cast %get3A_17 : vector<1x1024x1xi32> to vector<1024x1xi32>
    %get3A_19 = arith.constant 0 : index
    %get3A_20 = arith.constant 0 : index
    %get3A_21 = arith.constant 0 : index
    %get3A_22 = vector.load %arg6[%get3A_19, %get3A_20, %get3A_21] : memref<1x1x2048xi32, #tpu.memory_space<vmem>>, vector<1x1x2048xi32>
    %get3A_23 = vector.shape_cast %get3A_22 : vector<1x1x2048xi32> to vector<1x2048xi32>
    %get3A_24 = arith.constant 0 : index
    %get3A_25 = arith.constant 0 : index
    %get3A_26 = vector.load %arg8[%get3A_24, %get3A_25] : memref<1024x512xbf16, #tpu.memory_space<vmem>>, vector<1024x512xbf16>
    %dot_general3A = arith.constant dense<0.000000e+00> : vector<512x512xf32>
    %dot_general3A_27 = tpu.matmul %convert_element_type3A, %get3A_26, %dot_general3A {dimension_numbers = #tpu.dot_dimension_numbers<[1], [0], [0], [1], [0, 0, 1, 1], [], []>, transpose_lhs_hint = false} : vector<512x1024xbf16>, vector<1024x512xbf16>, vector<512x512xf32> -> vector<512x512xf32>
    %max3A = arith.constant 0.000000e+00 : f32
    %max3A_28 = vector.broadcast %max3A : f32 to vector<512x512xf32>
    %max3A_29 = arith.maximumf %dot_general3A_27, %max3A_28 : vector<512x512xf32>
    %swap3A = arith.constant 0 : index
    %swap3A_30 = arith.constant 0 : index
    %swap3A_31 = arith.constant 0 : index
    %swap3A_32 = vector.load %arg13[%swap3A, %swap3A_30, %swap3A_31] : memref<1x512x512xf32, #tpu.memory_space<vmem>>, vector<1x512x512xf32>
    %swap3A_33 = vector.shape_cast %swap3A_32 : vector<1x512x512xf32> to vector<512x512xf32>
    %swap3A_34 = vector.shape_cast %max3A_29 : vector<512x512xf32> to vector<1x512x512xf32>
    tpu.vector_store %arg13[%swap3A, %swap3A_30, %swap3A_31], %swap3A_34 {strides = array<i32>} : memref<1x512x512xf32, #tpu.memory_space<vmem>>, vector<1x512x512xf32>,
    %convert_element_type3A_35 = arith.truncf %get3A_3 : vector<512x512xf32> to vector<512x512xbf16>
    %convert_element_type3A_36 = arith.extf %convert_element_type3A_35 : vector<512x512xbf16> to vector<512x512xf32>
    %sub3A = arith.subf %get3A_3, %convert_element_type3A_36 : vector<512x512xf32>
    %convert_element_type3A_37 = arith.truncf %sub3A : vector<512x512xf32> to vector<512x512xbf16>
    %iota3A = tpu.iota {dimensions = array<i32: 1>} : vector<2048x512xi32>
    %eq3A = vector.broadcast %get3A_13 : vector<2048x1xi32> to vector<2048x512xi32>
    %eq3A_38 = arith.cmpi eq, %iota3A, %eq3A : vector<2048x512xi32>
    %convert_element_type3A_39 = arith.extui %eq3A_38 : vector<2048x512xi1> to vector<2048x512xi32>
    %convert_element_type3A_40 = arith.sitofp %convert_element_type3A_39 : vector<2048x512xi32> to vector<2048x512xf32>
    %convert_element_type3A_41 = arith.truncf %convert_element_type3A_40 : vector<2048x512xf32> to vector<2048x512xbf16>
    %dot_general3A_42 = arith.constant dense<0.000000e+00> : vector<2048x512xf32>
    %dot_general3A_43 = tpu.matmul %convert_element_type3A_41, %convert_element_type3A_35, %dot_general3A_42 {dimension_numbers = #tpu.dot_dimension_numbers<[1], [0], [0], [1], [0, 0, 1, 1], [], []>, transpose_lhs_hint = false} : vector<2048x512xbf16>, vector<512x512xbf16>, vector<2048x512xf32> -> vector<2048x512xf32>
    %dot_general3A_44 = arith.constant dense<0.000000e+00> : vector<2048x512xf32>
    %dot_general3A_45 = tpu.matmul %convert_element_type3A_41, %convert_element_type3A_37, %dot_general3A_44 {dimension_numbers = #tpu.dot_dimension_numbers<[1], [0], [0], [1], [0, 0, 1, 1], [], []>, transpose_lhs_hint = false} : vector<2048x512xbf16>, vector<512x512xbf16>, vector<2048x512xf32> -> vector<2048x512xf32>
    %add3A = arith.addf %dot_general3A_43, %dot_general3A_45 : vector<2048x512xf32>
    %slice3A = vector.extract_strided_slice %add3A {offsets = [0, 0], sizes = [1024, 512], strides = [1, 1]} : vector<2048x512xf32> to vector<1024x512xf32>
    %slice3A_46 = vector.extract_strided_slice %add3A {offsets = [1024, 0], sizes = [1024, 512], strides = [1, 1]} : vector<2048x512xf32> to vector<1024x512xf32>
    %iota3A_47 = tpu.iota {dimensions = array<i32: 1>} : vector<1024x512xi32>
    %eq3A_48 = vector.broadcast %get3A_18 : vector<1024x1xi32> to vector<1024x512xi32>
    %eq3A_49 = arith.cmpi eq, %iota3A_47, %eq3A_48 : vector<1024x512xi32>
    %convert_element_type3A_50 = arith.extui %eq3A_49 : vector<1024x512xi1> to vector<1024x512xi32>
    %convert_element_type3A_51 = arith.sitofp %convert_element_type3A_50 : vector<1024x512xi32> to vector<1024x512xf32>
    %convert_element_type3A_52 = arith.truncf %convert_element_type3A_51 : vector<1024x512xf32> to vector<1024x512xbf16>
    %get3A_53 = arith.constant 0 : index
    %get3A_54 = arith.constant 0 : index
    %get3A_55 = vector.load %arg3[%get3A_53, %get3A_54] : memref<512x512xbf16, #tpu.memory_space<vmem>>, vector<512x512xbf16>
    %dot_general3A_56 = arith.constant dense<0.000000e+00> : vector<1024x512xf32>
    %dot_general3A_57 = tpu.matmul %convert_element_type3A_52, %get3A_55, %dot_general3A_56 {dimension_numbers = #tpu.dot_dimension_numbers<[1], [0], [0], [1], [0, 0, 1, 1], [], []>, transpose_lhs_hint = false} : vector<1024x512xbf16>, vector<512x512xbf16>, vector<1024x512xf32> -> vector<1024x512xf32>
    %convert_element_type3A_58 = arith.truncf %dot_general3A_57 : vector<1024x512xf32> to vector<1024x512xbf16>
    %convert_element_type3A_59 = arith.truncf %slice3A : vector<1024x512xf32> to vector<1024x512xbf16>
    %convert_element_type3A_60 = arith.truncf %slice3A_46 : vector<1024x512xf32> to vector<1024x512xbf16>
    %get3A_61 = arith.constant 0 : index
    %get3A_62 = arith.constant 0 : index
    %get3A_63 = vector.load %arg9[%get3A_61, %get3A_62] : memref<1536x1024xbf16, #tpu.memory_space<vmem>>, vector<1536x1024xbf16>
    %slice3A_64 = vector.extract_strided_slice %get3A_63 {offsets = [0, 0], sizes = [512, 1024], strides = [1, 1]} : vector<1536x1024xbf16> to vector<512x1024xbf16>
    %dot_general3A_65 = arith.constant dense<0.000000e+00> : vector<1024x1024xf32>
    %dot_general3A_66 = tpu.matmul %convert_element_type3A_59, %slice3A_64, %dot_general3A_65 {dimension_numbers = #tpu.dot_dimension_numbers<[1], [0], [0], [1], [0, 0, 1, 1], [], []>, transpose_lhs_hint = false} : vector<1024x512xbf16>, vector<512x1024xbf16>, vector<1024x1024xf32> -> vector<1024x1024xf32>
    %slice3A_67 = vector.extract_strided_slice %get3A_63 {offsets = [512, 0], sizes = [512, 1024], strides = [1, 1]} : vector<1536x1024xbf16> to vector<512x1024xbf16>
    %dot_general3A_68 = arith.constant dense<0.000000e+00> : vector<1024x1024xf32>
    %dot_general3A_69 = tpu.matmul %convert_element_type3A_60, %slice3A_67, %dot_general3A_68 {dimension_numbers = #tpu.dot_dimension_numbers<[1], [0], [0], [1], [0, 0, 1, 1], [], []>, transpose_lhs_hint = false} : vector<1024x512xbf16>, vector<512x1024xbf16>, vector<1024x1024xf32> -> vector<1024x1024xf32>
    %add3A_70 = arith.addf %dot_general3A_66, %dot_general3A_69 : vector<1024x1024xf32>
    %slice3A_71 = vector.extract_strided_slice %get3A_63 {offsets = [1024, 0], sizes = [512, 1024], strides = [1, 1]} : vector<1536x1024xbf16> to vector<512x1024xbf16>
    %dot_general3A_72 = arith.constant dense<0.000000e+00> : vector<1024x1024xf32>
    %dot_general3A_73 = tpu.matmul %convert_element_type3A_58, %slice3A_71, %dot_general3A_72 {dimension_numbers = #tpu.dot_dimension_numbers<[1], [0], [0], [1], [0, 0, 1, 1], [], []>, transpose_lhs_hint = false} : vector<1024x512xbf16>, vector<512x1024xbf16>, vector<1024x1024xf32> -> vector<1024x1024xf32>
    %add3A_74 = arith.addf %add3A_70, %dot_general3A_73 : vector<1024x1024xf32>
    %max3A_75 = arith.constant 0.000000e+00 : f32
    %max3A_76 = vector.broadcast %max3A_75 : f32 to vector<1024x1024xf32>
    %max3A_77 = arith.maximumf %add3A_74, %max3A_76 : vector<1024x1024xf32>
    %slice3A_78 = vector.extract_strided_slice %max3A_77 {offsets = [0, 0], sizes = [1024, 512], strides = [1, 1]} : vector<1024x1024xf32> to vector<1024x512xf32>
    %swap3A_79 = arith.constant 0 : index
    %swap3A_80 = arith.constant 0 : index
    %swap3A_81 = arith.constant 0 : index
    %swap3A_82 = vector.load %arg14[%swap3A_79, %swap3A_80, %swap3A_81] : memref<1x1024x512xf32, #tpu.memory_space<vmem>>, vector<1x1024x512xf32>
    %swap3A_83 = vector.shape_cast %swap3A_82 : vector<1x1024x512xf32> to vector<1024x512xf32>
    %swap3A_84 = vector.shape_cast %slice3A_78 : vector<1024x512xf32> to vector<1x1024x512xf32>
    tpu.vector_store %arg14[%swap3A_79, %swap3A_80, %swap3A_81], %swap3A_84 {strides = array<i32>} : memref<1x1024x512xf32, #tpu.memory_space<vmem>>, vector<1x1024x512xf32>,
    %slice3A_85 = vector.extract_strided_slice %max3A_77 {offsets = [0, 0], sizes = [1024, 512], strides = [1, 1]} : vector<1024x1024xf32> to vector<1024x512xf32>
    %slice3A_86 = vector.extract_strided_slice %max3A_77 {offsets = [0, 512], sizes = [1024, 512], strides = [1, 1]} : vector<1024x1024xf32> to vector<1024x512xf32>
    %concatenate3A = tpu.concatenate %slice3A_85, %slice3A_86 in 0 : vector<1024x512xf32>, vector<1024x512xf32> -> vector<2048x512xf32>
    %convert_element_type3A_87 = arith.truncf %concatenate3A : vector<2048x512xf32> to vector<2048x512xbf16>
    %iota3A_88 = tpu.iota {dimensions = array<i32: 0>} : vector<512x2048xi32>
    %eq3A_89 = vector.broadcast %get3A_23 : vector<1x2048xi32> to vector<512x2048xi32>
    %eq3A_90 = arith.cmpi eq, %iota3A_88, %eq3A_89 : vector<512x2048xi32>
    %convert_element_type3A_91 = arith.extui %eq3A_90 : vector<512x2048xi1> to vector<512x2048xi32>
    %convert_element_type3A_92 = arith.sitofp %convert_element_type3A_91 : vector<512x2048xi32> to vector<512x2048xf32>
    %convert_element_type3A_93 = arith.truncf %convert_element_type3A_92 : vector<512x2048xf32> to vector<512x2048xbf16>
    %dot_general3A_94 = arith.constant dense<0.000000e+00> : vector<512x512xf32>
    %dot_general3A_95 = tpu.matmul %convert_element_type3A_93, %convert_element_type3A_87, %dot_general3A_94 {dimension_numbers = #tpu.dot_dimension_numbers<[1], [0], [0], [1], [0, 0, 1, 1], [], []>, transpose_lhs_hint = false} : vector<512x2048xbf16>, vector<2048x512xbf16>, vector<512x512xf32> -> vector<512x512xf32>
    %mul3A = arith.mulf %slice3A, %slice3A_46 : vector<1024x512xf32>
    %reduce_sum3A = arith.constant dense<0.000000e+00> : vector<1024xf32>
    %reduce_sum3A_96 = vector.multi_reduction <add>, %mul3A, %reduce_sum3A [1] : vector<1024x512xf32> to vector<1024xf32>
    %broadcast_in_dim3A = vector.shape_cast %reduce_sum3A_96 : vector<1024xf32> to vector<1024x1xf32>
    %mul3A_97 = arith.constant 0.0441941731 : f32
    %mul3A_98 = vector.broadcast %mul3A_97 : f32 to vector<1024x1xf32>
    %mul3A_99 = arith.mulf %broadcast_in_dim3A, %mul3A_98 : vector<1024x1xf32>
    %swap3A_100 = arith.constant 0 : index
    %swap3A_101 = arith.constant 0 : index
    %swap3A_102 = arith.constant 0 : index
    %swap3A_103 = vector.load %arg15[%swap3A_100, %swap3A_101, %swap3A_102] : memref<1x1024x1xf32, #tpu.memory_space<vmem>>, vector<1x1024x1xf32>
    %swap3A_104 = vector.shape_cast %swap3A_103 : vector<1x1024x1xf32> to vector<1024x1xf32>
    %swap3A_105 = vector.shape_cast %mul3A_99 : vector<1024x1xf32> to vector<1x1024x1xf32>
    tpu.vector_store %arg15[%swap3A_100, %swap3A_101, %swap3A_102], %swap3A_105 {strides = array<i32>} : memref<1x1024x1xf32, #tpu.memory_space<vmem>>, vector<1x1024x1xf32>,
    %add3A_106 = arith.addf %get3A_3, %dot_general3A_95 : vector<512x512xf32>
    %add3A_107 = arith.addf %add3A_106, %max3A_29 : vector<512x512xf32>
    %max3A_108 = arith.constant 0.000000e+00 : f32
    %max3A_109 = vector.broadcast %max3A_108 : f32 to vector<512x512xf32>
    %max3A_110 = arith.maximumf %add3A_107, %max3A_109 : vector<512x512xf32>
    %get3A_111 = arith.constant 0 : index
    %get3A_112 = arith.constant 0 : index
    %get3A_113 = arith.constant 0 : index
    %get3A_114 = vector.load %arg7[%get3A_111, %get3A_112, %get3A_113] : memref<1x512x1xf32, #tpu.memory_space<vmem>>, vector<1x512x1xf32>
    %get3A_115 = vector.shape_cast %get3A_114 : vector<1x512x1xf32> to vector<512x1xf32>
    %mul3A_116 = vector.broadcast %get3A_115 : vector<512x1xf32> to vector<512x512xf32>
    %mul3A_117 = arith.mulf %max3A_110, %mul3A_116 : vector<512x512xf32>
    %reduce_sum3A_118 = arith.constant dense<0.000000e+00> : vector<512xf32>
    %reduce_sum3A_119 = vector.multi_reduction <add>, %mul3A_117, %reduce_sum3A_118 [1] : vector<512x512xf32> to vector<512xf32>
    %broadcast_in_dim3A_120 = vector.shape_cast %reduce_sum3A_119 : vector<512xf32> to vector<512x1xf32>
    %div3A = arith.constant 5.120000e+02 : f32
    %div3A_121 = vector.broadcast %div3A : f32 to vector<512x1xf32>
    %div3A_122 = arith.divf %broadcast_in_dim3A_120, %div3A_121 : vector<512x1xf32>
    %sub3A_123 = vector.broadcast %div3A_122 : vector<512x1xf32> to vector<512x512xf32>
    %sub3A_124 = arith.subf %mul3A_117, %sub3A_123 : vector<512x512xf32>
    %mul3A_125 = arith.mulf %sub3A_124, %sub3A_124 : vector<512x512xf32>
    %reduce_sum3A_126 = arith.constant dense<0.000000e+00> : vector<512xf32>
    %reduce_sum3A_127 = vector.multi_reduction <add>, %mul3A_125, %reduce_sum3A_126 [1] : vector<512x512xf32> to vector<512xf32>
    %broadcast_in_dim3A_128 = vector.shape_cast %reduce_sum3A_127 : vector<512xf32> to vector<512x1xf32>
    %div3A_129 = arith.constant 5.120000e+02 : f32
    %div3A_130 = vector.broadcast %div3A_129 : f32 to vector<512x1xf32>
    %div3A_131 = arith.divf %broadcast_in_dim3A_128, %div3A_130 : vector<512x1xf32>
    %add3A_132 = arith.constant 9.99999974E-6 : f32
    %add3A_133 = vector.broadcast %add3A_132 : f32 to vector<512x1xf32>
    %add3A_134 = arith.addf %div3A_131, %add3A_133 : vector<512x1xf32>
    %rsqrt3A = math.rsqrt %add3A_134 : vector<512x1xf32>
    %mul3A_135 = vector.broadcast %rsqrt3A : vector<512x1xf32> to vector<512x512xf32>
    %mul3A_136 = arith.mulf %sub3A_124, %mul3A_135 : vector<512x512xf32>
    %get3A_137 = arith.constant 0 : index
    %get3A_138 = arith.constant 0 : index
    %get3A_139 = vector.load %arg10[%get3A_137, %get3A_138] : memref<1x512xf32, #tpu.memory_space<vmem>>, vector<1x512xf32>
    %mul3A_140 = vector.broadcast %get3A_139 : vector<1x512xf32> to vector<512x512xf32>
    %mul3A_141 = arith.mulf %mul3A_136, %mul3A_140 : vector<512x512xf32>
    %get3A_142 = arith.constant 0 : index
    %get3A_143 = arith.constant 0 : index
    %get3A_144 = vector.load %arg11[%get3A_142, %get3A_143] : memref<1x512xf32, #tpu.memory_space<vmem>>, vector<1x512xf32>
    %add3A_145 = vector.broadcast %get3A_144 : vector<1x512xf32> to vector<512x512xf32>
    %add3A_146 = arith.addf %mul3A_141, %add3A_145 : vector<512x512xf32>
    %swap3A_147 = arith.constant 0 : index
    %swap3A_148 = arith.constant 0 : index
    %swap3A_149 = arith.constant 0 : index
    %swap3A_150 = vector.load %arg12[%swap3A_147, %swap3A_148, %swap3A_149] : memref<1x512x512xf32, #tpu.memory_space<vmem>>, vector<1x512x512xf32>
    %swap3A_151 = vector.shape_cast %swap3A_150 : vector<1x512x512xf32> to vector<512x512xf32>
    %swap3A_152 = vector.shape_cast %add3A_146 : vector<512x512xf32> to vector<1x512x512xf32>
    tpu.vector_store %arg12[%swap3A_147, %swap3A_148, %swap3A_149], %swap3A_152 {strides = array<i32>} : memref<1x512x512xf32, #tpu.memory_space<vmem>>, vector<1x512x512xf32>,
    return
  }
  func.func @transform_0(%arg0: i32) -> (i32, i32, i32) {
    %c0_i32 = arith.constant 0 : i32
    %c0_i32_0 = arith.constant 0 : i32
    %c0_i32_1 = arith.constant 0 : i32
    return %arg0, %c0_i32, %c0_i32_0 : i32, i32, i32
  }
  func.func @transform_1(%arg0: i32) -> (i32, i32, i32) {
    %c0_i32 = arith.constant 0 : i32
    %c0_i32_0 = arith.constant 0 : i32
    %c0_i32_1 = arith.constant 0 : i32
    return %arg0, %c0_i32, %c0_i32_0 : i32, i32, i32
  }
  func.func @transform_2(%arg0: i32) -> (i32, i32) {
    %c0_i32 = arith.constant 0 : i32
    %c0_i32_0 = arith.constant 0 : i32
    %c0_i32_1 = arith.constant 0 : i32
    return %c0_i32, %c0_i32_0 : i32, i32
  }
  func.func @transform_3(%arg0: i32) -> (i32, i32, i32) {
    %c0_i32 = arith.constant 0 : i32
    %c0_i32_0 = arith.constant 0 : i32
    %c0_i32_1 = arith.constant 0 : i32
    return %arg0, %c0_i32, %c0_i32_0 : i32, i32, i32
  }
  func.func @transform_4(%arg0: i32) -> (i32, i32, i32) {
    %c0_i32 = arith.constant 0 : i32
    %c0_i32_0 = arith.constant 0 : i32
    %c0_i32_1 = arith.constant 0 : i32
    return %arg0, %c0_i32, %c0_i32_0 : i32, i32, i32
  }
  func.func @transform_5(%arg0: i32) -> (i32, i32, i32) {
    %c0_i32 = arith.constant 0 : i32
    %c0_i32_0 = arith.constant 0 : i32
    %c0_i32_1 = arith.constant 0 : i32
    return %arg0, %c0_i32, %c0_i32_0 : i32, i32, i32
  }
  func.func @transform_6(%arg0: i32) -> (i32, i32, i32) {
    %c0_i32 = arith.constant 0 : i32
    %c0_i32_0 = arith.constant 0 : i32
    %c0_i32_1 = arith.constant 0 : i32
    return %arg0, %c0_i32, %c0_i32_0 : i32, i32, i32
  }
  func.func @transform_7(%arg0: i32) -> (i32, i32) {
    %c0_i32 = arith.constant 0 : i32
    %c0_i32_0 = arith.constant 0 : i32
    %c0_i32_1 = arith.constant 0 : i32
    return %c0_i32, %c0_i32_0 : i32, i32
  }
  func.func @transform_8(%arg0: i32) -> (i32, i32) {
    %c0_i32 = arith.constant 0 : i32
    %c0_i32_0 = arith.constant 0 : i32
    %c0_i32_1 = arith.constant 0 : i32
    return %c0_i32, %c0_i32_0 : i32, i32
  }
  func.func @transform_9(%arg0: i32) -> (i32, i32) {
    %c0_i32 = arith.constant 0 : i32
    %c0_i32_0 = arith.constant 0 : i32
    %c0_i32_1 = arith.constant 0 : i32
    return %c0_i32, %c0_i32_0 : i32, i32
  }
  func.func @transform_10(%arg0: i32) -> (i32, i32) {
    %c0_i32 = arith.constant 0 : i32
    %c0_i32_0 = arith.constant 0 : i32
    %c0_i32_1 = arith.constant 0 : i32
    return %c0_i32, %c0_i32_0 : i32, i32
  }
  func.func @transform_11(%arg0: i32) -> (i32, i32, i32) {
    %c0_i32 = arith.constant 0 : i32
    %c0_i32_0 = arith.constant 0 : i32
    %c0_i32_1 = arith.constant 0 : i32
    return %arg0, %c0_i32, %c0_i32_0 : i32, i32, i32
  }
  func.func @transform_12(%arg0: i32) -> (i32, i32, i32) {
    %c0_i32 = arith.constant 0 : i32
    %c0_i32_0 = arith.constant 0 : i32
    %c0_i32_1 = arith.constant 0 : i32
    return %arg0, %c0_i32, %c0_i32_0 : i32, i32, i32
  }
  func.func @transform_13(%arg0: i32) -> (i32, i32, i32) {
    %c0_i32 = arith.constant 0 : i32
    %c0_i32_0 = arith.constant 0 : i32
    %c0_i32_1 = arith.constant 0 : i32
    return %arg0, %c0_i32, %c0_i32_0 : i32, i32, i32
  }
  func.func @transform_14(%arg0: i32) -> (i32, i32, i32) {
    %c0_i32 = arith.constant 0 : i32
    %c0_i32_0 = arith.constant 0 : i32
    %c0_i32_1 = arith.constant 0 : i32
    return %arg0, %c0_i32, %c0_i32_0 : i32, i32, i32
  }
}

</mosaic_0001>

<sc_bundles>
// kernel: kernel.4.cloned.1.call-start
scs
__scs_entry_jumppad:
0x0: {  	(pc) =	sbr.rel $0x88, $3  }
0x1: {  	(tag) =	ssettag $0x0;
	lr =	simm.s32 $0x1  }
0x2: {  	[smem:$0x3F97] =	sst lr;
	_ =	strace $0xD0000000  }
0x3: {  	_ = 	snop  }
0x4: {  	_ = 	snop  }
0x5: {  	_ = 	snop  }
0x6: {  	_ = 	snop  }
0x7: {  	_ = 	snop  }
__scs_overlays_trampoline_lowered:
0x8: {  	[smem:$0x3FA6] =	sst s0  }
0x9: {  	[smem:$0x3FA7] =	sst s1  }
0xa: {  	[smem:$0x3FA8] =	sst s2  }
0xb: {  	[smem:$0x3FA9] =	sst s3  }
0xc: {  	[smem:$0x3FAA] =	sst s4  }
0xd: {  	[smem:$0x3FAB] =	sst s5  }
0xe: {  	[smem:$0x3FAC] =	sst s6  }
0xf: {  	[smem:$0x3FAD] =	sst s7  }
0x10: {  	[smem:$0x3FAE] =	sst s8  }
0x11: {  	[smem:$0x3FAF] =	sst s9;
	s0 =	simm.s32 @!p0 $0x0  }
0x12: {  	s1 =	sld [smem:$0x3F95];
	s0 =	simm.s32 @p0 $0x1  }
0x13: {  	[smem:$0x3FB0] =	sst s0;
	s0 =	simm.s32 @!p1 $0x0  }
0x14: {  	s2 =	sld [smem:$0x3F94];
	s0 =	simm.s32 @p1 $0x1  }
0x15: {  	[smem:$0x3FB1] =	sst s0;
	s0 =	simm.s32 @!p2 $0x0  }
0x16: {  	s3 =	sld [smem:$0x3FDB];
	s0 =	simm.s32 @p2 $0x1  }
0x17: {  	s4 =	simm.s32 $0x1BF5;
	[smem:$0x3FB3] =	sst s0  }
0x18: {  	s0 =	sld [smem:$0x3F96];
	_ =	swait.ge [sflag:s4], $0x0  }
0x19: {  	s7 =	sld [smem:$0x3F97]  }
0x1a: {  	s8 =	sadd.s32 $0xFFFFE003, lr  }
0x1b: {  	s9 =	sadd.s32 $0xFFFFFEF7, lr;
	s5 =	simm.s32 $0xFFFFFFFF;
	p2 =	slt.u32 s8, $0xFFFFF086  }
0x1c: {  	p1 =	slt.u32 s9, $0xF7A;
	s5 =	simm.s32 @!p2 $0x0  }
0x1d: {  	s5 =	simm.s32 @p1 $0x1;
	p0 =	seq.s32 s7, s2  }
0x1e: {  	s7 =	smul.u32 @!p0 $0xF7A, s2;
	p2 =	seq.s32 @!p0 s5, $0x0  }
0x1f: {  	s9 =	smul.u32 $0xF7A, s1;
	s8 =	simm.s32 @!p0 $0x1BF5;
	p2 =	por !p2, p0  }
0x20: {  	[sflag:s8] =	ssyncset.s32 @!p0 $0xFFFFF086;
	s6 =	sadd.s32 @!p0 s3, s7;
	s7 =	simm.s32 @!p0 $0x108  }
0x21: {  	s3 =	sadd.s32 s3, s9;
	s6 =	sadd.s32 @!p0 $0x88, s6;
	s7 =	simm.s32 @p2 $0x1082  }
0x22: {  	[simem:s7], [sflag:s8] =	dma.local @!p0 [hbm:s6], $0xF7A  }
0x23: {  	s9 =	sor.u32 $0xD0000000, s2;
	s6 =	simm.s32 $0x108;
	_ =	swait.ge @!p0 [sflag:s8], $0x0  }
0x24: {  	s3 =	sadd.s32 $0x88, s3;
	s6 =	simm.s32 @!p1 $0x1082;
	[sflag:s4] =	ssyncset.s32 $0xFFFFF086  }
0x25: {  	[simem:s6], [sflag:s4] =	dma.local [hbm:s3], $0xF7A  }
0x26: {  	[smem:$0x3F97] =	sst s1;
	(tag) =	ssettag s2;
	_ =	strace s9  }
0x27: {  	s1 =	sld [smem:$0x3FA7]  }
0x28: {  	s2 =	sld [smem:$0x3FA8]  }
0x29: {  	s4 =	sld [smem:$0x3FAA]  }
0x2a: {  	p0 =	seq.s32 s5, $0x0;
	s5 =	sld [smem:$0x3FAB]  }
0x2b: {  	s6 =	sld [smem:$0x3FAC]  }
0x2c: {  	s7 =	sld [smem:$0x3FAD]  }
0x2d: {  	s3 =	simm.s32 $0x108;
	s8 =	sld [smem:$0x3FAE]  }
0x2e: {  	s3 =	simm.s32 @!p0 $0x1082;
	s9 =	sld [smem:$0x3FAF]  }
0x2f: {  	lr =	sadd.s32 s0, s3;
	s0 =	sld [smem:$0x3FA6]  }
0x30: {  	s3 =	sld [smem:$0x3FA9]  }
0x31: {  	[smem:$0x3FB2] =	sst s10  }
0x32: {  	s10 =	sld [smem:$0x3FB0];
	_ =	sdelay $0x3  }
0x33: {  	p0 =	seq.s32 s10, $0x1;
	s10 =	sld [smem:$0x3FB2];
	_ =	sdelay $0x3  }
0x34: {  	[smem:$0x3FB2] =	sst s10  }
0x35: {  	s10 =	sld [smem:$0x3FB1];
	_ =	sdelay $0x3  }
0x36: {  	p1 =	seq.s32 s10, $0x1;
	s10 =	sld [smem:$0x3FB2];
	_ =	sdelay $0x3  }
0x37: {  	[smem:$0x3FB2] =	sst s10  }
0x38: {  	s10 =	sld [smem:$0x3FB3]  }
0x39: {  	_ = 	snop;
	(pc) =	sbr.ind lr, $3  }
0x3a: {  	_ = 	snop  }
0x3b: {  	_ = 	snop  }
0x3c: {  	p2 =	seq.s32 s10, $0x1;
	s10 =	sld [smem:$0x3FB2]  }
0x3d: {  	_ =	shalt  }
0x3e: {  	_ =	shalt  }
0x3f: {  	_ =	shalt  }
0x40: {  	_ =	shalt  }
0x41: {  	_ =	shalt  }
0x42: {  	_ =	shalt  }
0x43: {  	_ =	shalt  }
0x44: {  	_ =	shalt  }
0x45: {  	_ =	shalt  }
0x46: {  	_ =	shalt  }
0x47: {  	_ =	shalt  }
0x48: {  	_ =	shalt  }
0x49: {  	_ =	shalt  }
0x4a: {  	_ =	shalt  }
0x4b: {  	_ =	shalt  }
0x4c: {  	_ =	shalt  }
0x4d: {  	_ =	shalt  }
0x4e: {  	_ =	shalt  }
0x4f: {  	_ =	shalt  }
0x50: {  	_ =	shalt  }
0x51: {  	_ =	shalt  }
0x52: {  	_ =	shalt  }
0x53: {  	_ =	shalt  }
0x54: {  	_ =	shalt  }
0x55: {  	_ =	shalt  }
0x56: {  	_ =	shalt  }
0x57: {  	_ =	shalt  }
0x58: {  	_ =	shalt  }
0x59: {  	_ =	shalt  }
0x5a: {  	_ =	shalt  }
0x5b: {  	_ =	shalt  }
0x5c: {  	_ =	shalt  }
0x5d: {  	_ =	shalt  }
0x5e: {  	_ =	shalt  }
0x5f: {  	_ =	shalt  }
0x60: {  	_ =	shalt  }
0x61: {  	_ =	shalt  }
0x62: {  	_ =	shalt  }
0x63: {  	_ =	shalt  }
0x64: {  	_ =	shalt  }
0x65: {  	_ =	shalt  }
0x66: {  	_ =	shalt  }
0x67: {  	_ =	shalt  }
0x68: {  	_ =	shalt  }
0x69: {  	_ =	shalt  }
0x6a: {  	_ =	shalt  }
0x6b: {  	_ =	shalt  }
0x6c: {  	_ =	shalt  }
0x6d: {  	_ =	shalt  }
0x6e: {  	_ =	shalt  }
0x6f: {  	_ =	shalt  }
0x70: {  	_ =	shalt  }
0x71: {  	_ =	shalt  }
0x72: {  	_ =	shalt  }
0x73: {  	_ =	shalt  }
0x74: {  	_ =	shalt  }
0x75: {  	_ =	shalt  }
0x76: {  	_ =	shalt  }
0x77: {  	_ =	shalt  }
0x78: {  	_ =	shalt  }
0x79: {  	_ =	shalt  }
0x7a: {  	_ =	shalt  }
0x7b: {  	_ =	shalt  }
0x7c: {  	_ =	shalt  }
0x7d: {  	_ =	shalt  }
0x7e: {  	_ =	shalt  }
0x7f: {  	_ =	shalt  }
0x80: {  	_ =	shalt  }
0x81: {  	_ =	shalt  }
0x82: {  	_ =	shalt  }
0x83: {  	_ =	shalt  }
0x84: {  	_ =	shalt  }
0x85: {  	_ =	shalt  }
0x86: {  	_ =	shalt  }
0x87: {  	_ =	shalt  }
.Lfunc_end0:
.L_simem_size_0:
called_computation_lowered:
.L_overlay_start_0:
0x88: {  	s2 =	sld [smem:$0x3FD9]  }
0x89: {  	s3 =	sld [smem:$0x3FFE];
	_ =	sdelay $0x1  }
0x8a: {  	s1 =	srdreg.scid  }
0x8b: {  	s0 =	sand.u32 $0x1, s1  }
0x8c: {  	s15 =	sshll.u32 s0, $0xA;
	s2 =	sadd.s32 s3, s2  }
0x8d: {  	s2 =	sadd.s32 s2, s15  }
0x8e: {  	[smem:$0x3FBE] =	sst s2  }
0x8f: {  	_ = 	snop  }
0x90: {  	s2 =	sld [smem:$0x3FD0];
	_ =	sdelay $0x2  }
0x91: {  	s4 =	simm.s32 $0xA;
	s5 =	simm.s32 $0x10;
	s16 =	sld [smem:$0x3FC5]  }
0x92: {  	[smem:s5], [sflag:s4] =	dma.local [hbm:s2], $0x1  }
0x93: {  	_ =	swait.eq [sflag:s4], $0x1  }
0x94: {  	[sflag:s4] =	ssyncset.done $0x0  }
0x95: {  	s17 =	sld [smem:$0x12];
	[sflag:s4] =	ssyncadd.s32 $0xFFFFFFFF  }
0x96: {  	s18 =	sld [smem:$0x13];
	(tm) =	ssettm $0x1  }
0x97: {  	s19 =	sld [smem:$0x3FFB];
	_ =	sdelay $0x3  }
0x98: {  	_ =	strace s19  }
0x99: {  	s5 =	sld [smem:$0x3FFC];
	_ =	sdelay $0x3  }
0x9a: {  	_ =	strace s5  }
0x9b: {  	s5 =	sld [smem:$0x3FFD];
	_ =	sdelay $0x3  }
0x9c: {  	_ =	strace s5  }
0x9d: {  	_ =	strace $0x8FFFFFFF  }
0x9e: {  	s20 =	sld [smem:$0x3FDB];
	_ =	sdelay $0x1  }
0x9f: {  	s6 =	simm.s32 $_scs_section_size  }
0xa0: {  	s7 =	simm.s32 $_size__tile_overlayer_lowered;
	s8 =	simm.s32 $_tile_overlayer_lowered  }
0xa1: {  	s23 =	simm.s32 $0x1BFF;
	s22 =	sshll.u32 s8, $0x1;
	s5 =	sadd.s32 s6, s20  }
0xa2: {  	s9 =	simm.s32 $0x0;
	s21 =	sshll.u32 s7, $0x1;
	s7 =	sadd.s32 s22, s5  }
0xa3: {  	[timem:s9], [sflag:s23] =	dma.local [hbm:s7], s21  }
0xa4: {  	_ =	swait.ge [sflag:s23], s21  }
0xa5: {  	s6 =	ssub.s32 $0x0, s21;
	[sflag:s23] =	ssyncset.done $0x0  }
0xa6: {  	[sflag:s23] =	ssyncadd.s32 s6;
	_ =	sdelay $0x1  }
0xa7: {  	s24 =	simm.s32 $0x1B8B  }
0xa8: {  	_ =	swait.ge [sflag:s24], $0x1  }
0xa9: {  	[sflag:s24] =	ssyncset.done $0x0  }
0xaa: {  	s25 =	simm.s32 $0x1B8E;
	[sflag:s24] =	ssyncadd.s32 $0xFFFFFFFF  }
0xab: {  	s26 =	simm.s32 $execute0_lowered;
	[smem:$0x3FD2] =	sst s25  }
0xac: {  	s6 =	sshll.u32 s26, $0x1;
	_ =	strace $0x80000046;
	[dreg:$0x1] =	wrdreg $0xFFFFFFFF  }
0xad: {  	s28 =	simm.s32 $_size_execute0_lowered;
	s5 =	sadd.s32 s5, s6;
	[dreg:$0x0] =	wrdreg $0x0  }
0xae: {  	s6 =	sshll.u32 s28, $0x1;
	[dreg:$0x2] =	wrdreg s5  }
0xaf: {  	[dreg:$0x3] =	wrdreg s6  }
0xb0: {  	[dreg:$0x4] =	wrdreg $0xC0  }
0xb1: {  	_ =	task [dreg:s9], $0x5FFFF  }
0xb2: {  	[dreg:$0x1] =	wrdreg $0xFFFFFFFF  }
0xb3: {  	[dreg:$0x0] =	wrdreg $0x60  }
0xb4: {  	[dreg:$0x2] =	wrdreg s17  }
0xb5: {  	[dreg:$0x3] =	wrdreg s16  }
0xb6: {  	[dreg:$0x4] =	wrdreg s18  }
0xb7: {  	[dreg:$0x5] =	wrdreg $0x9  }
0xb8: {  	_ =	task.clear_ibuf [dreg:s9], $0x6FFFF;
	_ =	strace $0x90000046  }
0xb9: {  	s29 =	simm.s32 $0x9;
	_ =	strace $0x80000048  }
0xba: {  	_ =	swait.ge [sflag:s29], $0x1  }
0xbb: {  	[sflag:s29] =	ssyncadd.s32 $0xFFFFFFFF  }
0xbc: {  	_ =	strace $0x90000048  }
0xbd: {  	_ =	sfence  }
0xbe: {  	s30 =	sld [smem:$0x0];
	_ =	sdelay $0x2  }
0xbf: {  	s31 =	sshll.u32 s1, $0xD;
	s1 =	sshrl.u32 s1, $0x2  }
0xc0: {  	s3 =	sand.u32 $0x4000, s31;
	s1 =	sadd.s32 s1, s30  }
0xc1: {  	s0 =	sor.u32 s3, s0;
	s1 =	sshll.u32 s1, $0x11  }
0xc2: {  	s0 =	sor.u32 s1, s0  }
0xc3: {  	s0 =	sadd.s32 $0x8F2B, s0  }
0xc4: {  	[sflag:s0] =	ssyncadd.remote.s32 $0x1  }
0xc5: {  	_ =	sfence.sel $0xFFFF  }
0xc6: {  	[dreg:$0x0] =	wrdreg $0xFFFFFFFF;
	(pc) =	sbr.abs _section_cstart, $3  }
0xc7: {  	[dreg:$0x1] =	wrdreg $0xFFFFFFFF  }
0xc8: {  	_ =	task.clear_ibuf [dreg:s9], $0x2FFFF;
	_ =	strace $0x9FFFFFFF  }
0xc9: {  	(tm) =	ssettm $0x7FFFFFFF  }
tec
execute0_lowered:
.L_overlay_start_1:
0x0: {  	(tag) =	ssettag $0x1  }
0x1: {  	s1 =	srdreg.scid;
	s3 =	stileid.u32  }
0x2: {  	s0 =	rddreg [dreg:$0x0];
	s1 =	sand.u32 $0x1, s1;
	s5 =	sshll.u32 s3, $0x1  }
0x3: {  	s2 =	rddreg [dreg:$0x1];
	s5 =	sor.u32 s1, s5  }
0x4: {  	s4 =	rddreg [dreg:$0x2];
	s3 =	simm.s32 $0x0;
	s6 =	sshll.u32 s5, $0x8  }
0x5: {  	[smem:$0x7FF] =	sst s3;
	s5 =	sshll.u32 s5, $0x10;
	s0 =	sadd.s32 s0, s6  }
0x6: {  	_ =	strace $0x80000047;
	s14 =	sadd.s32 s4, s5;
	[dreg:$0x4] =	wrdreg s0  }
0x7: {  	s15 =	sadd.s32 $0x1000, s14;
	[dreg:$0x14] =	wrdreg s14  }
0x8: {  	s16 =	sadd.s32 $0x2000, s14;
	[dreg:$0x5] =	wrdreg s15  }
0x9: {  	s17 =	sadd.s32 $0x3000, s14;
	[dreg:$0x6] =	wrdreg s16  }
0xa: {  	s18 =	sadd.s32 $0x4000, s14;
	[dreg:$0x7] =	wrdreg s17  }
0xb: {  	s19 =	sadd.s32 $0x5000, s14;
	[dreg:$0x8] =	wrdreg s18  }
0xc: {  	s20 =	sadd.s32 $0x6000, s14;
	[dreg:$0x9] =	wrdreg s19  }
0xd: {  	s21 =	sadd.s32 $0x7000, s14;
	[dreg:$0xa] =	wrdreg s20  }
0xe: {  	s22 =	sadd.s32 $0x8000, s14;
	[dreg:$0xb] =	wrdreg s21  }
0xf: {  	s23 =	sadd.s32 $0x9000, s14;
	[dreg:$0xc] =	wrdreg s22  }
0x10: {  	s8 =	simm.s32 $0x800;
	s24 =	sadd.s32 $0xA000, s14;
	[dreg:$0xd] =	wrdreg s23  }
0x11: {  	s1 =	ssub.s32 $0x2, s1;
	s25 =	sadd.s32 $0xB000, s14;
	[dreg:$0xe] =	wrdreg s24  }
0x12: {  	s28 =	sshrl.u32 s1, $0x1;
	s26 =	sadd.s32 $0xC000, s14;
	[dreg:$0xf] =	wrdreg s25  }
0x13: {  	s1 =	ssub.s32 s1, s28;
	s29 =	sadd.s32 $0xD000, s14;
	[dreg:$0x10] =	wrdreg s26  }
0x14: {  	s5 =	sadd.s32 $0x100, s2;
	s30 =	sadd.s32 $0xE000, s14;
	[dreg:$0x11] =	wrdreg s29  }
0x15: {  	v2 =	vlaneseq.u32;
	s31 =	sadd.s32 $0xF000, s14;
	s0 =	smax.u32 s1, $0x1;
	[dreg:$0x12] =	wrdreg s30  }
0x16: {  	vm0 =	vmmov $0xffff;
	v1 =	vshrl.u32 v2, $0x3;
	s14 =	simm.s32 $0x1;
	[dreg:$0x13] =	wrdreg s31;
	s24 =	simm.s32 $0x8800  }
0x17: {  	v0 =	vand.u32 $0x7, v2;
	v2 =	vor.u32 $0x8, v2;
	v1 =	vmul.u32 $0x8, v1;
	s15 =	simm.s32 $0x3;
	s16 =	simm.s32 $0x2;
	s17 =	simm.s32 $0x4  }
.LBB2_1:
0x18: {  	[dreg:$0x15] =	wrdreg s0  }
0x19: {  	s18 =	rddreg [dreg:$0x4];
	s26 =	simm.s32 $0x5  }
0x1a: {  	[tilespmem:s3], [sflag:$0x5] =	stream.linear.gather [hbm4b:s18+s3], $0x800, $0x38;
	[tilespmem:$0x10800] =	vst v63  }
0x1b: {  	_ =	swait.ge [sflag:s26], $0x800  }
0x1c: {  	[sflag:s26] =	ssyncset.done $0x0  }
0x1d: {  	[sflag:s26] =	ssyncadd.s32 $0xFFFFF800  }
0x1e: {  	v3 =	vld [tilespmem:$0x0];
	_ =	sdelay $0x4  }
0x1f: {  	v4 =	vshll.u32 v3, $0x2  }
0x20: {  	v3 =	vand.u32 $0x7, v3;
	v4 =	vand.u32 $0xFFFFFFE0, v4  }
0x21: {  	v3 =	vor.u32 v3, v4  }
0x22: {  	v4 =	vperm.xlane v3, v0;
	_ =	sdelay $0x1  }
0x23: {  	v4 =	vadd.s32 v1, v4;
	_ =	sdelay $0x1  }
0x24: {  	v3 =	vperm.xlane v3, v2;
	_ =	sdelay $0x1  }
0x25: {  	v3 =	vadd.s32 v1, v3  }
0x26: {  	[tilespmem:s8], [sflag:$0x1] =	stream.indirect_vreg.gather [hbm4b:s2+s3], $0x80, v4, vm0, $0xb8;
	[tilespmem:$0x10800] =	vst v63  }
0x27: {  	s28 =	simm.s32 $0x1000  }
0x28: {  	[tilespmem:s28], [sflag:$0x1] =	stream.indirect_vreg.gather [hbm4b:s5+s3], $0x80, v4, vm0, $0xb8;
	[tilespmem:$0x10800] =	vst v63  }
0x29: {  	s29 =	simm.s32 $0x1800  }
0x2a: {  	[tilespmem:s29], [sflag:$0x1] =	stream.indirect_vreg.gather [hbm4b:s2+s3], $0x80, v3, vm0, $0xb8;
	[tilespmem:$0x10800] =	vst v63  }
0x2b: {  	s30 =	simm.s32 $0x2000  }
0x2c: {  	[tilespmem:s30], [sflag:$0x1] =	stream.indirect_vreg.gather [hbm4b:s5+s3], $0x80, v3, vm0, $0xb8;
	[tilespmem:$0x10800] =	vst v63  }
0x2d: {  	v3 =	vld [tilespmem:$0x10];
	_ =	sdelay $0x4  }
0x2e: {  	v57 =	vshll.u32 v3, $0x2  }
0x2f: {  	v3 =	vand.u32 $0x7, v3;
	v4 =	vand.u32 $0xFFFFFFE0, v57  }
0x30: {  	v3 =	vor.u32 v3, v4  }
0x31: {  	v4 =	vperm.xlane v3, v0;
	_ =	sdelay $0x1  }
0x32: {  	v4 =	vadd.s32 v1, v4;
	_ =	sdelay $0x1  }
0x33: {  	v3 =	vperm.xlane v3, v2;
	_ =	sdelay $0x1  }
0x34: {  	s31 =	simm.s32 $0x2800;
	v3 =	vadd.s32 v1, v3  }
0x35: {  	[tilespmem:s31], [sflag:$0x1] =	stream.indirect_vreg.gather [hbm4b:s2+s3], $0x80, v4, vm0, $0xb8;
	[tilespmem:$0x10800] =	vst v63  }
0x36: {  	s1 =	simm.s32 $0x3000  }
0x37: {  	[tilespmem:s1], [sflag:$0x1] =	stream.indirect_vreg.gather [hbm4b:s5+s3], $0x80, v4, vm0, $0xb8;
	[tilespmem:$0x10800] =	vst v63  }
0x38: {  	s4 =	simm.s32 $0x3800  }
0x39: {  	[tilespmem:s4], [sflag:$0x1] =	stream.indirect_vreg.gather [hbm4b:s2+s3], $0x80, v3, vm0, $0xb8;
	[tilespmem:$0x10800] =	vst v63  }
0x3a: {  	s6 =	simm.s32 $0x4000  }
0x3b: {  	[tilespmem:s6], [sflag:$0x1] =	stream.indirect_vreg.gather [hbm4b:s5+s3], $0x80, v3, vm0, $0xb8;
	[tilespmem:$0x10800] =	vst v63  }
0x3c: {  	v3 =	vld [tilespmem:$0x20];
	_ =	sdelay $0x4  }
0x3d: {  	v58 =	vshll.u32 v3, $0x2  }
0x3e: {  	v3 =	vand.u32 $0x7, v3;
	v4 =	vand.u32 $0xFFFFFFE0, v58  }
0x3f: {  	v3 =	vor.u32 v3, v4  }
0x40: {  	v4 =	vperm.xlane v3, v0;
	_ =	sdelay $0x1  }
0x41: {  	v4 =	vadd.s32 v1, v4;
	_ =	sdelay $0x1  }
0x42: {  	v3 =	vperm.xlane v3, v2;
	_ =	sdelay $0x1  }
0x43: {  	s7 =	simm.s32 $0x4800;
	v3 =	vadd.s32 v1, v3  }
0x44: {  	[tilespmem:s7], [sflag:$0x1] =	stream.indirect_vreg.gather [hbm4b:s2+s3], $0x80, v4, vm0, $0xb8;
	[tilespmem:$0x10800] =	vst v63  }
0x45: {  	s9 =	simm.s32 $0x5000  }
0x46: {  	[tilespmem:s9], [sflag:$0x1] =	stream.indirect_vreg.gather [hbm4b:s5+s3], $0x80, v4, vm0, $0xb8;
	[tilespmem:$0x10800] =	vst v63  }
0x47: {  	s10 =	simm.s32 $0x5800  }
0x48: {  	[tilespmem:s10], [sflag:$0x1] =	stream.indirect_vreg.gather [hbm4b:s2+s3], $0x80, v3, vm0, $0xb8;
	[tilespmem:$0x10800] =	vst v63  }
0x49: {  	s13 =	simm.s32 $0x6000  }
0x4a: {  	[tilespmem:s13], [sflag:$0x1] =	stream.indirect_vreg.gather [hbm4b:s5+s3], $0x80, v3, vm0, $0xb8;
	[tilespmem:$0x10800] =	vst v63  }
0x4b: {  	v3 =	vld [tilespmem:$0x30];
	_ =	sdelay $0x4  }
0x4c: {  	v59 =	vshll.u32 v3, $0x2  }
0x4d: {  	v3 =	vand.u32 $0x7, v3;
	v4 =	vand.u32 $0xFFFFFFE0, v59  }
0x4e: {  	v3 =	vor.u32 v3, v4  }
0x4f: {  	v4 =	vperm.xlane v3, v0;
	_ =	sdelay $0x1  }
0x50: {  	v4 =	vadd.s32 v1, v4;
	_ =	sdelay $0x1  }
0x51: {  	v3 =	vperm.xlane v3, v2;
	_ =	sdelay $0x1  }
0x52: {  	s18 =	simm.s32 $0x6800;
	v3 =	vadd.s32 v1, v3  }
0x53: {  	[tilespmem:s18], [sflag:$0x1] =	stream.indirect_vreg.gather [hbm4b:s2+s3], $0x80, v4, vm0, $0xb8;
	[tilespmem:$0x10800] =	vst v63  }
0x54: {  	s19 =	simm.s32 $0x7000  }
0x55: {  	[tilespmem:s19], [sflag:$0x1] =	stream.indirect_vreg.gather [hbm4b:s5+s3], $0x80, v4, vm0, $0xb8;
	[tilespmem:$0x10800] =	vst v63  }
0x56: {  	s20 =	simm.s32 $0x7800  }
0x57: {  	[tilespmem:s20], [sflag:$0x1] =	stream.indirect_vreg.gather [hbm4b:s2+s3], $0x80, v3, vm0, $0xb8;
	[tilespmem:$0x10800] =	vst v63  }
0x58: {  	s21 =	simm.s32 $0x8000  }
0x59: {  	[tilespmem:s21], [sflag:$0x1] =	stream.indirect_vreg.gather [hbm4b:s5+s3], $0x80, v3, vm0, $0xb8;
	[tilespmem:$0x10800] =	vst v63  }
0x5a: {  	v3 =	vld [tilespmem:$0x80];
	_ =	sdelay $0x4  }
0x5b: {  	v60 =	vshll.u32 v3, $0x2  }
0x5c: {  	v3 =	vand.u32 $0x7, v3;
	v4 =	vand.u32 $0xFFFFFFE0, v60  }
0x5d: {  	v3 =	vor.u32 v3, v4  }
0x5e: {  	v4 =	vperm.xlane v3, v0;
	_ =	sdelay $0x1  }
0x5f: {  	v4 =	vadd.s32 v1, v4;
	_ =	sdelay $0x1  }
0x60: {  	v3 =	vperm.xlane v3, v2;
	_ =	sdelay $0x1  }
0x61: {  	v3 =	vadd.s32 v1, v3  }
0x62: {  	[tilespmem:s24], [sflag:$0x2] =	stream.indirect_vreg.gather [hbm4b:s2+s3], $0x80, v4, vm0, $0xb8;
	[tilespmem:$0x10800] =	vst v63  }
0x63: {  	s22 =	simm.s32 $0x9000  }
0x64: {  	[tilespmem:s22], [sflag:$0x2] =	stream.indirect_vreg.gather [hbm4b:s5+s3], $0x80, v4, vm0, $0xb8;
	[tilespmem:$0x10800] =	vst v63  }
0x65: {  	s25 =	simm.s32 $0x9800  }
0x66: {  	[tilespmem:s25], [sflag:$0x2] =	stream.indirect_vreg.gather [hbm4b:s2+s3], $0x80, v3, vm0, $0xb8;
	[tilespmem:$0x10800] =	vst v63  }
0x67: {  	s1 =	simm.s32 $0xA000  }
0x68: {  	[tilespmem:s1], [sflag:$0x2] =	stream.indirect_vreg.gather [hbm4b:s5+s3], $0x80, v3, vm0, $0xb8;
	[tilespmem:$0x10800] =	vst v63  }
0x69: {  	v3 =	vld [tilespmem:$0x90];
	_ =	sdelay $0x4  }
0x6a: {  	v61 =	vshll.u32 v3, $0x2  }
0x6b: {  	v3 =	vand.u32 $0x7, v3;
	v4 =	vand.u32 $0xFFFFFFE0, v61  }
0x6c: {  	v3 =	vor.u32 v3, v4  }
0x6d: {  	v4 =	vperm.xlane v3, v0;
	_ =	sdelay $0x1  }
0x6e: {  	v4 =	vadd.s32 v1, v4;
	_ =	sdelay $0x1  }
0x6f: {  	v3 =	vperm.xlane v3, v2;
	_ =	sdelay $0x1  }
0x70: {  	s4 =	simm.s32 $0xA800;
	v3 =	vadd.s32 v1, v3  }
0x71: {  	[tilespmem:s4], [sflag:$0x2] =	stream.indirect_vreg.gather [hbm4b:s2+s3], $0x80, v4, vm0, $0xb8;
	[tilespmem:$0x10800] =	vst v63  }
0x72: {  	s6 =	simm.s32 $0xB000  }
0x73: {  	[tilespmem:s6], [sflag:$0x2] =	stream.indirect_vreg.gather [hbm4b:s5+s3], $0x80, v4, vm0, $0xb8;
	[tilespmem:$0x10800] =	vst v63  }
0x74: {  	s7 =	simm.s32 $0xB800  }
0x75: {  	[tilespmem:s7], [sflag:$0x2] =	stream.indirect_vreg.gather [hbm4b:s2+s3], $0x80, v3, vm0, $0xb8;
	[tilespmem:$0x10800] =	vst v63  }
0x76: {  	s9 =	simm.s32 $0xC000  }
0x77: {  	[tilespmem:s9], [sflag:$0x2] =	stream.indirect_vreg.gather [hbm4b:s5+s3], $0x80, v3, vm0, $0xb8;
	[tilespmem:$0x10800] =	vst v63  }
0x78: {  	v3 =	vld [tilespmem:$0xA0];
	_ =	sdelay $0x4  }
0x79: {  	v62 =	vshll.u32 v3, $0x2  }
0x7a: {  	v3 =	vand.u32 $0x7, v3;
	v4 =	vand.u32 $0xFFFFFFE0, v62  }
0x7b: {  	v3 =	vor.u32 v3, v4  }
0x7c: {  	v4 =	vperm.xlane v3, v0;
	_ =	sdelay $0x1  }
0x7d: {  	v4 =	vadd.s32 v1, v4;
	_ =	sdelay $0x1  }
0x7e: {  	v3 =	vperm.xlane v3, v2;
	_ =	sdelay $0x1  }
0x7f: {  	s10 =	simm.s32 $0xC800;
	v3 =	vadd.s32 v1, v3  }
0x80: {  	[tilespmem:s10], [sflag:$0x2] =	stream.indirect_vreg.gather [hbm4b:s2+s3], $0x80, v4, vm0, $0xb8;
	[tilespmem:$0x10800] =	vst v63  }
0x81: {  	s21 =	simm.s32 $0xD000  }
0x82: {  	[tilespmem:s21], [sflag:$0x2] =	stream.indirect_vreg.gather [hbm4b:s5+s3], $0x80, v4, vm0, $0xb8;
	[tilespmem:$0x10800] =	vst v63  }
0x83: {  	s22 =	simm.s32 $0xD800  }
0x84: {  	[tilespmem:s22], [sflag:$0x2] =	stream.indirect_vreg.gather [hbm4b:s2+s3], $0x80, v3, vm0, $0xb8;
	[tilespmem:$0x10800] =	vst v63  }
0x85: {  	s25 =	simm.s32 $0xE000  }
0x86: {  	[tilespmem:s25], [sflag:$0x2] =	stream.indirect_vreg.gather [hbm4b:s5+s3], $0x80, v3, vm0, $0xb8;
	[tilespmem:$0x10800] =	vst v63  }
0x87: {  	v3 =	vld [tilespmem:$0xB0];
	_ =	sdelay $0x4  }
0x88: {  	v63 =	vshll.u32 v3, $0x2  }
0x89: {  	v3 =	vand.u32 $0x7, v3;
	v4 =	vand.u32 $0xFFFFFFE0, v63  }
0x8a: {  	v3 =	vor.u32 v3, v4  }
0x8b: {  	v4 =	vperm.xlane v3, v0;
	_ =	sdelay $0x1  }
0x8c: {  	v4 =	vadd.s32 v1, v4;
	_ =	sdelay $0x1  }
0x8d: {  	v3 =	vperm.xlane v3, v2;
	_ =	sdelay $0x1  }
0x8e: {  	s7 =	simm.s32 $0xE800;
	v3 =	vadd.s32 v1, v3  }
0x8f: {  	[tilespmem:s7], [sflag:$0x2] =	stream.indirect_vreg.gather [hbm4b:s2+s3], $0x80, v4, vm0, $0xb8;
	[tilespmem:$0x10800] =	vst v63  }
0x90: {  	s9 =	simm.s32 $0xF000  }
0x91: {  	[tilespmem:s9], [sflag:$0x2] =	stream.indirect_vreg.gather [hbm4b:s5+s3], $0x80, v4, vm0, $0xb8;
	[tilespmem:$0x10800] =	vst v63  }
0x92: {  	s10 =	simm.s32 $0xF800  }
0x93: {  	[tilespmem:s10], [sflag:$0x2] =	stream.indirect_vreg.gather [hbm4b:s2+s3], $0x80, v3, vm0, $0xb8;
	[tilespmem:$0x10800] =	vst v63  }
0x94: {  	s22 =	simm.s32 $0x10000  }
0x95: {  	[tilespmem:s22], [sflag:$0x2] =	stream.indirect_vreg.gather [hbm4b:s5+s3], $0x80, v3, vm0, $0xb8;
	[tilespmem:$0x10800] =	vst v63  }
0x96: {  	_ =	swait.ge [sflag:s14], $0x8000  }
0x97: {  	[sflag:s14] =	ssyncset.done $0x0  }
0x98: {  	s25 =	rddreg [dreg:$0x14];
	[sflag:s14] =	ssyncadd.s32 $0xFFFF8000  }
0x99: {  	[hbm4b:s25+s3] =	stream.linear.scatter [tilespmem:s8], [sflag:$0x3], $0x8000, $0x38;
	[tilespmem:$0x10800] =	vst v63  }
0x9a: {  	_ =	swait.ge [sflag:s15], $0x8000  }
0x9b: {  	[sflag:s15] =	ssyncset.done $0x0  }
0x9c: {  	[sflag:s15] =	ssyncadd.s32 $0xFFFF8000  }
0x9d: {  	v3 =	vld [tilespmem:$0x100];
	_ =	sdelay $0x4  }
0x9e: {  	v8 =	vshll.u32 v3, $0x2  }
0x9f: {  	v3 =	vand.u32 $0x7, v3;
	v4 =	vand.u32 $0xFFFFFFE0, v8  }
0xa0: {  	v3 =	vor.u32 v3, v4  }
0xa1: {  	v4 =	vperm.xlane v3, v0;
	_ =	sdelay $0x1  }
0xa2: {  	v4 =	vadd.s32 v1, v4;
	_ =	sdelay $0x1  }
0xa3: {  	v3 =	vperm.xlane v3, v2;
	_ =	sdelay $0x1  }
0xa4: {  	v3 =	vadd.s32 v1, v3  }
0xa5: {  	[tilespmem:s8], [sflag:$0x1] =	stream.indirect_vreg.gather [hbm4b:s2+s3], $0x80, v4, vm0, $0xb8;
	[tilespmem:$0x10800] =	vst v63  }
0xa6: {  	s11 =	simm.s32 $0x1000  }
0xa7: {  	[tilespmem:s11], [sflag:$0x1] =	stream.indirect_vreg.gather [hbm4b:s5+s3], $0x80, v4, vm0, $0xb8;
	[tilespmem:$0x10800] =	vst v63  }
0xa8: {  	s12 =	simm.s32 $0x1800  }
0xa9: {  	[tilespmem:s12], [sflag:$0x1] =	stream.indirect_vreg.gather [hbm4b:s2+s3], $0x80, v3, vm0, $0xb8;
	[tilespmem:$0x10800] =	vst v63  }
0xaa: {  	s23 =	simm.s32 $0x2000  }
0xab: {  	[tilespmem:s23], [sflag:$0x1] =	stream.indirect_vreg.gather [hbm4b:s5+s3], $0x80, v3, vm0, $0xb8;
	[tilespmem:$0x10800] =	vst v63  }
0xac: {  	v3 =	vld [tilespmem:$0x110];
	_ =	sdelay $0x4  }
0xad: {  	v9 =	vshll.u32 v3, $0x2  }
0xae: {  	v3 =	vand.u32 $0x7, v3;
	v4 =	vand.u32 $0xFFFFFFE0, v9  }
0xaf: {  	v3 =	vor.u32 v3, v4  }
0xb0: {  	v4 =	vperm.xlane v3, v0;
	_ =	sdelay $0x1  }
0xb1: {  	v4 =	vadd.s32 v1, v4;
	_ =	sdelay $0x1  }
0xb2: {  	v3 =	vperm.xlane v3, v2;
	_ =	sdelay $0x1  }
0xb3: {  	s23 =	simm.s32 $0x2800;
	v3 =	vadd.s32 v1, v3  }
0xb4: {  	[tilespmem:s23], [sflag:$0x1] =	stream.indirect_vreg.gather [hbm4b:s2+s3], $0x80, v4, vm0, $0xb8;
	[tilespmem:$0x10800] =	vst v63  }
0xb5: {  	s25 =	simm.s32 $0x3000  }
0xb6: {  	[tilespmem:s25], [sflag:$0x1] =	stream.indirect_vreg.gather [hbm4b:s5+s3], $0x80, v4, vm0, $0xb8;
	[tilespmem:$0x10800] =	vst v63  }
0xb7: {  	s26 =	simm.s32 $0x3800  }
0xb8: {  	[tilespmem:s26], [sflag:$0x1] =	stream.indirect_vreg.gather [hbm4b:s2+s3], $0x80, v3, vm0, $0xb8;
	[tilespmem:$0x10800] =	vst v63  }
0xb9: {  	s30 =	simm.s32 $0x4000  }
0xba: {  	[tilespmem:s30], [sflag:$0x1] =	stream.indirect_vreg.gather [hbm4b:s5+s3], $0x80, v3, vm0, $0xb8;
	[tilespmem:$0x10800] =	vst v63  }
0xbb: {  	v3 =	vld [tilespmem:$0x120];
	_ =	sdelay $0x4  }
0xbc: {  	v10 =	vshll.u32 v3, $0x2  }
0xbd: {  	v3 =	vand.u32 $0x7, v3;
	v4 =	vand.u32 $0xFFFFFFE0, v10  }
0xbe: {  	v3 =	vor.u32 v3, v4  }
0xbf: {  	v4 =	vperm.xlane v3, v0;
	_ =	sdelay $0x1  }
0xc0: {  	v4 =	vadd.s32 v1, v4;
	_ =	sdelay $0x1  }
0xc1: {  	v3 =	vperm.xlane v3, v2;
	_ =	sdelay $0x1  }
0xc2: {  	s28 =	simm.s32 $0x4800;
	v3 =	vadd.s32 v1, v3  }
0xc3: {  	[tilespmem:s28], [sflag:$0x1] =	stream.indirect_vreg.gather [hbm4b:s2+s3], $0x80, v4, vm0, $0xb8;
	[tilespmem:$0x10800] =	vst v63  }
0xc4: {  	s29 =	simm.s32 $0x5000  }
0xc5: {  	[tilespmem:s29], [sflag:$0x1] =	stream.indirect_vreg.gather [hbm4b:s5+s3], $0x80, v4, vm0, $0xb8;
	[tilespmem:$0x10800] =	vst v63  }
0xc6: {  	s30 =	simm.s32 $0x5800  }
0xc7: {  	[tilespmem:s30], [sflag:$0x1] =	stream.indirect_vreg.gather [hbm4b:s2+s3], $0x80, v3, vm0, $0xb8;
	[tilespmem:$0x10800] =	vst v63  }
0xc8: {  	s31 =	simm.s32 $0x6000  }
0xc9: {  	[tilespmem:s31], [sflag:$0x1] =	stream.indirect_vreg.gather [hbm4b:s5+s3], $0x80, v3, vm0, $0xb8;
	[tilespmem:$0x10800] =	vst v63  }
0xca: {  	v3 =	vld [tilespmem:$0x130];
	_ =	sdelay $0x4  }
0xcb: {  	v11 =	vshll.u32 v3, $0x2  }
0xcc: {  	v3 =	vand.u32 $0x7, v3;
	v4 =	vand.u32 $0xFFFFFFE0, v11  }
0xcd: {  	v3 =	vor.u32 v3, v4  }
0xce: {  	v4 =	vperm.xlane v3, v0;
	_ =	sdelay $0x1  }
0xcf: {  	v4 =	vadd.s32 v1, v4;
	_ =	sdelay $0x1  }
0xd0: {  	v3 =	vperm.xlane v3, v2;
	_ =	sdelay $0x1  }
0xd1: {  	s26 =	simm.s32 $0x6800;
	v3 =	vadd.s32 v1, v3  }
0xd2: {  	[tilespmem:s26], [sflag:$0x1] =	stream.indirect_vreg.gather [hbm4b:s2+s3], $0x80, v4, vm0, $0xb8;
	[tilespmem:$0x10800] =	vst v63  }
0xd3: {  	s28 =	simm.s32 $0x7000  }
0xd4: {  	[tilespmem:s28], [sflag:$0x1] =	stream.indirect_vreg.gather [hbm4b:s5+s3], $0x80, v4, vm0, $0xb8;
	[tilespmem:$0x10800] =	vst v63  }
0xd5: {  	s29 =	simm.s32 $0x7800  }
0xd6: {  	[tilespmem:s29], [sflag:$0x1] =	stream.indirect_vreg.gather [hbm4b:s2+s3], $0x80, v3, vm0, $0xb8;
	[tilespmem:$0x10800] =	vst v63  }
0xd7: {  	s31 =	simm.s32 $0x8000  }
0xd8: {  	[tilespmem:s31], [sflag:$0x1] =	stream.indirect_vreg.gather [hbm4b:s5+s3], $0x80, v3, vm0, $0xb8;
	[tilespmem:$0x10800] =	vst v63  }
0xd9: {  	_ =	swait.ge [sflag:s16], $0x8000  }
0xda: {  	[sflag:s16] =	ssyncset.done $0x0  }
0xdb: {  	s12 =	rddreg [dreg:$0x5];
	[sflag:s16] =	ssyncadd.s32 $0xFFFF8000  }
0xdc: {  	[hbm4b:s12+s3] =	stream.linear.scatter [tilespmem:s24], [sflag:$0x4], $0x8000, $0x38;
	[tilespmem:$0x10800] =	vst v63  }
0xdd: {  	_ =	swait.ge [sflag:s17], $0x8000  }
0xde: {  	[sflag:s17] =	ssyncset.done $0x0  }
0xdf: {  	[sflag:s17] =	ssyncadd.s32 $0xFFFF8000  }
0xe0: {  	v3 =	vld [tilespmem:$0x180];
	_ =	sdelay $0x4  }
0xe1: {  	v12 =	vshll.u32 v3, $0x2  }
0xe2: {  	v3 =	vand.u32 $0x7, v3;
	v4 =	vand.u32 $0xFFFFFFE0, v12  }
0xe3: {  	v3 =	vor.u32 v3, v4  }
0xe4: {  	v4 =	vperm.xlane v3, v0;
	_ =	sdelay $0x1  }
0xe5: {  	v4 =	vadd.s32 v1, v4;
	_ =	sdelay $0x1  }
0xe6: {  	v3 =	vperm.xlane v3, v2;
	_ =	sdelay $0x1  }
0xe7: {  	v3 =	vadd.s32 v1, v3  }
0xe8: {  	[tilespmem:s24], [sflag:$0x2] =	stream.indirect_vreg.gather [hbm4b:s2+s3], $0x80, v4, vm0, $0xb8;
	[tilespmem:$0x10800] =	vst v63  }
0xe9: {  	s12 =	simm.s32 $0x9000  }
0xea: {  	[tilespmem:s12], [sflag:$0x2] =	stream.indirect_vreg.gather [hbm4b:s5+s3], $0x80, v4, vm0, $0xb8;
	[tilespmem:$0x10800] =	vst v63  }
0xeb: {  	s11 =	simm.s32 $0x9800  }
0xec: {  	[tilespmem:s11], [sflag:$0x2] =	stream.indirect_vreg.gather [hbm4b:s2+s3], $0x80, v3, vm0, $0xb8;
	[tilespmem:$0x10800] =	vst v63  }
0xed: {  	s13 =	simm.s32 $0xA000  }
0xee: {  	[tilespmem:s13], [sflag:$0x2] =	stream.indirect_vreg.gather [hbm4b:s5+s3], $0x80, v3, vm0, $0xb8;
	[tilespmem:$0x10800] =	vst v63  }
0xef: {  	v3 =	vld [tilespmem:$0x190];
	_ =	sdelay $0x4  }
0xf0: {  	v13 =	vshll.u32 v3, $0x2  }
0xf1: {  	v3 =	vand.u32 $0x7, v3;
	v4 =	vand.u32 $0xFFFFFFE0, v13  }
0xf2: {  	v3 =	vor.u32 v3, v4  }
0xf3: {  	v4 =	vperm.xlane v3, v0;
	_ =	sdelay $0x1  }
0xf4: {  	v4 =	vadd.s32 v1, v4;
	_ =	sdelay $0x1  }
0xf5: {  	v3 =	vperm.xlane v3, v2;
	_ =	sdelay $0x1  }
0xf6: {  	s13 =	simm.s32 $0xA800;
	v3 =	vadd.s32 v1, v3  }
0xf7: {  	[tilespmem:s13], [sflag:$0x2] =	stream.indirect_vreg.gather [hbm4b:s2+s3], $0x80, v4, vm0, $0xb8;
	[tilespmem:$0x10800] =	vst v63  }
0xf8: {  	s19 =	simm.s32 $0xB000  }
0xf9: {  	[tilespmem:s19], [sflag:$0x2] =	stream.indirect_vreg.gather [hbm4b:s5+s3], $0x80, v4, vm0, $0xb8;
	[tilespmem:$0x10800] =	vst v63  }
0xfa: {  	s0 =	simm.s32 $0xB800  }
0xfb: {  	[tilespmem:s0], [sflag:$0x2] =	stream.indirect_vreg.gather [hbm4b:s2+s3], $0x80, v3, vm0, $0xb8;
	[tilespmem:$0x10800] =	vst v63  }
0xfc: {  	s20 =	simm.s32 $0xC000  }
0xfd: {  	[tilespmem:s20], [sflag:$0x2] =	stream.indirect_vreg.gather [hbm4b:s5+s3], $0x80, v3, vm0, $0xb8;
	[tilespmem:$0x10800] =	vst v63  }
0xfe: {  	v3 =	vld [tilespmem:$0x1A0];
	_ =	sdelay $0x4  }
0xff: {  	v14 =	vshll.u32 v3, $0x2  }
0x100: {  	v3 =	vand.u32 $0x7, v3;
	v4 =	vand.u32 $0xFFFFFFE0, v14  }
0x101: {  	v3 =	vor.u32 v3, v4  }
0x102: {  	v4 =	vperm.xlane v3, v0;
	_ =	sdelay $0x1  }
0x103: {  	v4 =	vadd.s32 v1, v4;
	_ =	sdelay $0x1  }
0x104: {  	v3 =	vperm.xlane v3, v2;
	_ =	sdelay $0x1  }
0x105: {  	s1 =	simm.s32 $0xC800;
	v3 =	vadd.s32 v1, v3  }
0x106: {  	[tilespmem:s1], [sflag:$0x2] =	stream.indirect_vreg.gather [hbm4b:s2+s3], $0x80, v4, vm0, $0xb8;
	[tilespmem:$0x10800] =	vst v63  }
0x107: {  	s4 =	simm.s32 $0xD000  }
0x108: {  	[tilespmem:s4], [sflag:$0x2] =	stream.indirect_vreg.gather [hbm4b:s5+s3], $0x80, v4, vm0, $0xb8;
	[tilespmem:$0x10800] =	vst v63  }
0x109: {  	s6 =	simm.s32 $0xD800  }
0x10a: {  	[tilespmem:s6], [sflag:$0x2] =	stream.indirect_vreg.gather [hbm4b:s2+s3], $0x80, v3, vm0, $0xb8;
	[tilespmem:$0x10800] =	vst v63  }
0x10b: {  	s21 =	simm.s32 $0xE000  }
0x10c: {  	[tilespmem:s21], [sflag:$0x2] =	stream.indirect_vreg.gather [hbm4b:s5+s3], $0x80, v3, vm0, $0xb8;
	[tilespmem:$0x10800] =	vst v63  }
0x10d: {  	v3 =	vld [tilespmem:$0x1B0];
	_ =	sdelay $0x4  }
0x10e: {  	v15 =	vshll.u32 v3, $0x2  }
0x10f: {  	v3 =	vand.u32 $0x7, v3;
	v4 =	vand.u32 $0xFFFFFFE0, v15  }
0x110: {  	v3 =	vor.u32 v3, v4  }
0x111: {  	v4 =	vperm.xlane v3, v0;
	_ =	sdelay $0x1  }
0x112: {  	v4 =	vadd.s32 v1, v4;
	_ =	sdelay $0x1  }
0x113: {  	v3 =	vperm.xlane v3, v2;
	_ =	sdelay $0x1  }
0x114: {  	s7 =	simm.s32 $0xE800;
	v3 =	vadd.s32 v1, v3  }
0x115: {  	[tilespmem:s7], [sflag:$0x2] =	stream.indirect_vreg.gather [hbm4b:s2+s3], $0x80, v4, vm0, $0xb8;
	[tilespmem:$0x10800] =	vst v63  }
0x116: {  	s9 =	simm.s32 $0xF000  }
0x117: {  	[tilespmem:s9], [sflag:$0x2] =	stream.indirect_vreg.gather [hbm4b:s5+s3], $0x80, v4, vm0, $0xb8;
	[tilespmem:$0x10800] =	vst v63  }
0x118: {  	s10 =	simm.s32 $0xF800  }
0x119: {  	[tilespmem:s10], [sflag:$0x2] =	stream.indirect_vreg.gather [hbm4b:s2+s3], $0x80, v3, vm0, $0xb8;
	[tilespmem:$0x10800] =	vst v63  }
0x11a: {  	s22 =	simm.s32 $0x10000  }
0x11b: {  	[tilespmem:s22], [sflag:$0x2] =	stream.indirect_vreg.gather [hbm4b:s5+s3], $0x80, v3, vm0, $0xb8;
	[tilespmem:$0x10800] =	vst v63  }
0x11c: {  	_ =	swait.ge [sflag:s14], $0x8000  }
0x11d: {  	[sflag:s14] =	ssyncset.done $0x0  }
0x11e: {  	s18 =	rddreg [dreg:$0x6];
	[sflag:s14] =	ssyncadd.s32 $0xFFFF8000  }
0x11f: {  	[hbm4b:s18+s3] =	stream.linear.scatter [tilespmem:s8], [sflag:$0x3], $0x8000, $0x38;
	[tilespmem:$0x10800] =	vst v63  }
0x120: {  	_ =	swait.ge [sflag:s15], $0x8000  }
0x121: {  	[sflag:s15] =	ssyncset.done $0x0  }
0x122: {  	[sflag:s15] =	ssyncadd.s32 $0xFFFF8000  }
0x123: {  	v3 =	vld [tilespmem:$0x200];
	_ =	sdelay $0x4  }
0x124: {  	v16 =	vshll.u32 v3, $0x2  }
0x125: {  	v3 =	vand.u32 $0x7, v3;
	v4 =	vand.u32 $0xFFFFFFE0, v16  }
0x126: {  	v3 =	vor.u32 v3, v4  }
0x127: {  	v4 =	vperm.xlane v3, v0;
	_ =	sdelay $0x1  }
0x128: {  	v4 =	vadd.s32 v1, v4;
	_ =	sdelay $0x1  }
0x129: {  	v3 =	vperm.xlane v3, v2;
	_ =	sdelay $0x1  }
0x12a: {  	v3 =	vadd.s32 v1, v3  }
0x12b: {  	[tilespmem:s8], [sflag:$0x1] =	stream.indirect_vreg.gather [hbm4b:s2+s3], $0x80, v4, vm0, $0xb8;
	[tilespmem:$0x10800] =	vst v63  }
0x12c: {  	s18 =	simm.s32 $0x1000  }
0x12d: {  	[tilespmem:s18], [sflag:$0x1] =	stream.indirect_vreg.gather [hbm4b:s5+s3], $0x80, v4, vm0, $0xb8;
	[tilespmem:$0x10800] =	vst v63  }
0x12e: {  	s18 =	simm.s32 $0x1800  }
0x12f: {  	[tilespmem:s18], [sflag:$0x1] =	stream.indirect_vreg.gather [hbm4b:s2+s3], $0x80, v3, vm0, $0xb8;
	[tilespmem:$0x10800] =	vst v63  }
0x130: {  	s18 =	simm.s32 $0x2000  }
0x131: {  	[tilespmem:s18], [sflag:$0x1] =	stream.indirect_vreg.gather [hbm4b:s5+s3], $0x80, v3, vm0, $0xb8;
	[tilespmem:$0x10800] =	vst v63  }
0x132: {  	v3 =	vld [tilespmem:$0x210];
	_ =	sdelay $0x4  }
0x133: {  	v17 =	vshll.u32 v3, $0x2  }
0x134: {  	v3 =	vand.u32 $0x7, v3;
	v4 =	vand.u32 $0xFFFFFFE0, v17  }
0x135: {  	v3 =	vor.u32 v3, v4  }
0x136: {  	v4 =	vperm.xlane v3, v0;
	_ =	sdelay $0x1  }
0x137: {  	v4 =	vadd.s32 v1, v4;
	_ =	sdelay $0x1  }
0x138: {  	v3 =	vperm.xlane v3, v2;
	_ =	sdelay $0x1  }
0x139: {  	v3 =	vadd.s32 v1, v3  }
0x13a: {  	[tilespmem:s23], [sflag:$0x1] =	stream.indirect_vreg.gather [hbm4b:s2+s3], $0x80, v4, vm0, $0xb8;
	[tilespmem:$0x10800] =	vst v63  }
0x13b: {  	_ = 	snop  }
0x13c: {  	[tilespmem:s25], [sflag:$0x1] =	stream.indirect_vreg.gather [hbm4b:s5+s3], $0x80, v4, vm0, $0xb8;
	[tilespmem:$0x10800] =	vst v63  }
0x13d: {  	s18 =	simm.s32 $0x3800  }
0x13e: {  	[tilespmem:s18], [sflag:$0x1] =	stream.indirect_vreg.gather [hbm4b:s2+s3], $0x80, v3, vm0, $0xb8;
	[tilespmem:$0x10800] =	vst v63  }
0x13f: {  	s18 =	simm.s32 $0x4000  }
0x140: {  	[tilespmem:s18], [sflag:$0x1] =	stream.indirect_vreg.gather [hbm4b:s5+s3], $0x80, v3, vm0, $0xb8;
	[tilespmem:$0x10800] =	vst v63  }
0x141: {  	v3 =	vld [tilespmem:$0x220];
	_ =	sdelay $0x4  }
0x142: {  	v18 =	vshll.u32 v3, $0x2  }
0x143: {  	v3 =	vand.u32 $0x7, v3;
	v4 =	vand.u32 $0xFFFFFFE0, v18  }
0x144: {  	v3 =	vor.u32 v3, v4  }
0x145: {  	v4 =	vperm.xlane v3, v0;
	_ =	sdelay $0x1  }
0x146: {  	v4 =	vadd.s32 v1, v4;
	_ =	sdelay $0x1  }
0x147: {  	v3 =	vperm.xlane v3, v2;
	_ =	sdelay $0x1  }
0x148: {  	s18 =	simm.s32 $0x4800;
	v3 =	vadd.s32 v1, v3  }
0x149: {  	[tilespmem:s18], [sflag:$0x1] =	stream.indirect_vreg.gather [hbm4b:s2+s3], $0x80, v4, vm0, $0xb8;
	[tilespmem:$0x10800] =	vst v63  }
0x14a: {  	s18 =	simm.s32 $0x5000  }
0x14b: {  	[tilespmem:s18], [sflag:$0x1] =	stream.indirect_vreg.gather [hbm4b:s5+s3], $0x80, v4, vm0, $0xb8;
	[tilespmem:$0x10800] =	vst v63  }
0x14c: {  	_ = 	snop  }
0x14d: {  	[tilespmem:s30], [sflag:$0x1] =	stream.indirect_vreg.gather [hbm4b:s2+s3], $0x80, v3, vm0, $0xb8;
	[tilespmem:$0x10800] =	vst v63  }
0x14e: {  	s30 =	simm.s32 $0x6000  }
0x14f: {  	[tilespmem:s30], [sflag:$0x1] =	stream.indirect_vreg.gather [hbm4b:s5+s3], $0x80, v3, vm0, $0xb8;
	[tilespmem:$0x10800] =	vst v63  }
0x150: {  	v3 =	vld [tilespmem:$0x230];
	_ =	sdelay $0x4  }
0x151: {  	v19 =	vshll.u32 v3, $0x2  }
0x152: {  	v3 =	vand.u32 $0x7, v3;
	v4 =	vand.u32 $0xFFFFFFE0, v19  }
0x153: {  	v3 =	vor.u32 v3, v4  }
0x154: {  	v4 =	vperm.xlane v3, v0;
	_ =	sdelay $0x1  }
0x155: {  	v4 =	vadd.s32 v1, v4;
	_ =	sdelay $0x1  }
0x156: {  	v3 =	vperm.xlane v3, v2;
	_ =	sdelay $0x1  }
0x157: {  	v3 =	vadd.s32 v1, v3  }
0x158: {  	[tilespmem:s26], [sflag:$0x1] =	stream.indirect_vreg.gather [hbm4b:s2+s3], $0x80, v4, vm0, $0xb8;
	[tilespmem:$0x10800] =	vst v63  }
0x159: {  	_ = 	snop  }
0x15a: {  	[tilespmem:s28], [sflag:$0x1] =	stream.indirect_vreg.gather [hbm4b:s5+s3], $0x80, v4, vm0, $0xb8;
	[tilespmem:$0x10800] =	vst v63  }
0x15b: {  	_ = 	snop  }
0x15c: {  	[tilespmem:s29], [sflag:$0x1] =	stream.indirect_vreg.gather [hbm4b:s2+s3], $0x80, v3, vm0, $0xb8;
	[tilespmem:$0x10800] =	vst v63  }
0x15d: {  	_ = 	snop  }
0x15e: {  	[tilespmem:s31], [sflag:$0x1] =	stream.indirect_vreg.gather [hbm4b:s5+s3], $0x80, v3, vm0, $0xb8;
	[tilespmem:$0x10800] =	vst v63  }
0x15f: {  	_ =	swait.ge [sflag:s16], $0x8000  }
0x160: {  	[sflag:s16] =	ssyncset.done $0x0  }
0x161: {  	s31 =	rddreg [dreg:$0x7];
	[sflag:s16] =	ssyncadd.s32 $0xFFFF8000  }
0x162: {  	[hbm4b:s31+s3] =	stream.linear.scatter [tilespmem:s24], [sflag:$0x4], $0x8000, $0x38;
	[tilespmem:$0x10800] =	vst v63  }
0x163: {  	_ =	swait.ge [sflag:s17], $0x8000  }
0x164: {  	[sflag:s17] =	ssyncset.done $0x0  }
0x165: {  	[sflag:s17] =	ssyncadd.s32 $0xFFFF8000  }
0x166: {  	v3 =	vld [tilespmem:$0x280];
	_ =	sdelay $0x4  }
0x167: {  	v20 =	vshll.u32 v3, $0x2  }
0x168: {  	v3 =	vand.u32 $0x7, v3;
	v4 =	vand.u32 $0xFFFFFFE0, v20  }
0x169: {  	v3 =	vor.u32 v3, v4  }
0x16a: {  	v4 =	vperm.xlane v3, v0;
	_ =	sdelay $0x1  }
0x16b: {  	v4 =	vadd.s32 v1, v4;
	_ =	sdelay $0x1  }
0x16c: {  	v3 =	vperm.xlane v3, v2;
	_ =	sdelay $0x1  }
0x16d: {  	v3 =	vadd.s32 v1, v3  }
0x16e: {  	[tilespmem:s24], [sflag:$0x2] =	stream.indirect_vreg.gather [hbm4b:s2+s3], $0x80, v4, vm0, $0xb8;
	[tilespmem:$0x10800] =	vst v63  }
0x16f: {  	_ = 	snop  }
0x170: {  	[tilespmem:s12], [sflag:$0x2] =	stream.indirect_vreg.gather [hbm4b:s5+s3], $0x80, v4, vm0, $0xb8;
	[tilespmem:$0x10800] =	vst v63  }
0x171: {  	_ = 	snop  }
0x172: {  	[tilespmem:s11], [sflag:$0x2] =	stream.indirect_vreg.gather [hbm4b:s2+s3], $0x80, v3, vm0, $0xb8;
	[tilespmem:$0x10800] =	vst v63  }
0x173: {  	s31 =	simm.s32 $0xA000  }
0x174: {  	[tilespmem:s31], [sflag:$0x2] =	stream.indirect_vreg.gather [hbm4b:s5+s3], $0x80, v3, vm0, $0xb8;
	[tilespmem:$0x10800] =	vst v63  }
0x175: {  	v3 =	vld [tilespmem:$0x290];
	_ =	sdelay $0x4  }
0x176: {  	v21 =	vshll.u32 v3, $0x2  }
0x177: {  	v3 =	vand.u32 $0x7, v3;
	v4 =	vand.u32 $0xFFFFFFE0, v21  }
0x178: {  	v3 =	vor.u32 v3, v4  }
0x179: {  	v4 =	vperm.xlane v3, v0;
	_ =	sdelay $0x1  }
0x17a: {  	v4 =	vadd.s32 v1, v4;
	_ =	sdelay $0x1  }
0x17b: {  	v3 =	vperm.xlane v3, v2;
	_ =	sdelay $0x1  }
0x17c: {  	v3 =	vadd.s32 v1, v3  }
0x17d: {  	[tilespmem:s13], [sflag:$0x2] =	stream.indirect_vreg.gather [hbm4b:s2+s3], $0x80, v4, vm0, $0xb8;
	[tilespmem:$0x10800] =	vst v63  }
0x17e: {  	s19 =	simm.s32 $0xB000  }
0x17f: {  	[tilespmem:s19], [sflag:$0x2] =	stream.indirect_vreg.gather [hbm4b:s5+s3], $0x80, v4, vm0, $0xb8;
	[tilespmem:$0x10800] =	vst v63  }
0x180: {  	s0 =	simm.s32 $0xB800  }
0x181: {  	[tilespmem:s0], [sflag:$0x2] =	stream.indirect_vreg.gather [hbm4b:s2+s3], $0x80, v3, vm0, $0xb8;
	[tilespmem:$0x10800] =	vst v63  }
0x182: {  	s20 =	simm.s32 $0xC000  }
0x183: {  	[tilespmem:s20], [sflag:$0x2] =	stream.indirect_vreg.gather [hbm4b:s5+s3], $0x80, v3, vm0, $0xb8;
	[tilespmem:$0x10800] =	vst v63  }
0x184: {  	v3 =	vld [tilespmem:$0x2A0];
	_ =	sdelay $0x4  }
0x185: {  	v22 =	vshll.u32 v3, $0x2  }
0x186: {  	v3 =	vand.u32 $0x7, v3;
	v4 =	vand.u32 $0xFFFFFFE0, v22  }
0x187: {  	v3 =	vor.u32 v3, v4  }
0x188: {  	v4 =	vperm.xlane v3, v0;
	_ =	sdelay $0x1  }
0x189: {  	v4 =	vadd.s32 v1, v4;
	_ =	sdelay $0x1  }
0x18a: {  	v3 =	vperm.xlane v3, v2;
	_ =	sdelay $0x1  }
0x18b: {  	s1 =	simm.s32 $0xC800;
	v3 =	vadd.s32 v1, v3  }
0x18c: {  	[tilespmem:s1], [sflag:$0x2] =	stream.indirect_vreg.gather [hbm4b:s2+s3], $0x80, v4, vm0, $0xb8;
	[tilespmem:$0x10800] =	vst v63  }
0x18d: {  	s4 =	simm.s32 $0xD000  }
0x18e: {  	[tilespmem:s4], [sflag:$0x2] =	stream.indirect_vreg.gather [hbm4b:s5+s3], $0x80, v4, vm0, $0xb8;
	[tilespmem:$0x10800] =	vst v63  }
0x18f: {  	s6 =	simm.s32 $0xD800  }
0x190: {  	[tilespmem:s6], [sflag:$0x2] =	stream.indirect_vreg.gather [hbm4b:s2+s3], $0x80, v3, vm0, $0xb8;
	[tilespmem:$0x10800] =	vst v63  }
0x191: {  	s21 =	simm.s32 $0xE000  }
0x192: {  	[tilespmem:s21], [sflag:$0x2] =	stream.indirect_vreg.gather [hbm4b:s5+s3], $0x80, v3, vm0, $0xb8;
	[tilespmem:$0x10800] =	vst v63  }
0x193: {  	v3 =	vld [tilespmem:$0x2B0];
	_ =	sdelay $0x4  }
0x194: {  	v23 =	vshll.u32 v3, $0x2  }
0x195: {  	v3 =	vand.u32 $0x7, v3;
	v4 =	vand.u32 $0xFFFFFFE0, v23  }
0x196: {  	v3 =	vor.u32 v3, v4  }
0x197: {  	v4 =	vperm.xlane v3, v0;
	_ =	sdelay $0x1  }
0x198: {  	v4 =	vadd.s32 v1, v4;
	_ =	sdelay $0x1  }
0x199: {  	v3 =	vperm.xlane v3, v2;
	_ =	sdelay $0x1  }
0x19a: {  	s7 =	simm.s32 $0xE800;
	v3 =	vadd.s32 v1, v3  }
0x19b: {  	[tilespmem:s7], [sflag:$0x2] =	stream.indirect_vreg.gather [hbm4b:s2+s3], $0x80, v4, vm0, $0xb8;
	[tilespmem:$0x10800] =	vst v63  }
0x19c: {  	s9 =	simm.s32 $0xF000  }
0x19d: {  	[tilespmem:s9], [sflag:$0x2] =	stream.indirect_vreg.gather [hbm4b:s5+s3], $0x80, v4, vm0, $0xb8;
	[tilespmem:$0x10800] =	vst v63  }
0x19e: {  	s10 =	simm.s32 $0xF800  }
0x19f: {  	[tilespmem:s10], [sflag:$0x2] =	stream.indirect_vreg.gather [hbm4b:s2+s3], $0x80, v3, vm0, $0xb8;
	[tilespmem:$0x10800] =	vst v63  }
0x1a0: {  	s22 =	simm.s32 $0x10000  }
0x1a1: {  	[tilespmem:s22], [sflag:$0x2] =	stream.indirect_vreg.gather [hbm4b:s5+s3], $0x80, v3, vm0, $0xb8;
	[tilespmem:$0x10800] =	vst v63  }
0x1a2: {  	_ =	swait.ge [sflag:s14], $0x8000  }
0x1a3: {  	[sflag:s14] =	ssyncset.done $0x0  }
0x1a4: {  	s22 =	rddreg [dreg:$0x8];
	[sflag:s14] =	ssyncadd.s32 $0xFFFF8000  }
0x1a5: {  	[hbm4b:s22+s3] =	stream.linear.scatter [tilespmem:s8], [sflag:$0x3], $0x8000, $0x38;
	[tilespmem:$0x10800] =	vst v63  }
0x1a6: {  	_ =	swait.ge [sflag:s15], $0x8000  }
0x1a7: {  	[sflag:s15] =	ssyncset.done $0x0  }
0x1a8: {  	[sflag:s15] =	ssyncadd.s32 $0xFFFF8000  }
0x1a9: {  	v3 =	vld [tilespmem:$0x300];
	_ =	sdelay $0x4  }
0x1aa: {  	v24 =	vshll.u32 v3, $0x2  }
0x1ab: {  	v3 =	vand.u32 $0x7, v3;
	v4 =	vand.u32 $0xFFFFFFE0, v24  }
0x1ac: {  	v3 =	vor.u32 v3, v4  }
0x1ad: {  	v4 =	vperm.xlane v3, v0;
	_ =	sdelay $0x1  }
0x1ae: {  	v4 =	vadd.s32 v1, v4;
	_ =	sdelay $0x1  }
0x1af: {  	v3 =	vperm.xlane v3, v2;
	_ =	sdelay $0x1  }
0x1b0: {  	v3 =	vadd.s32 v1, v3  }
0x1b1: {  	[tilespmem:s8], [sflag:$0x1] =	stream.indirect_vreg.gather [hbm4b:s2+s3], $0x80, v4, vm0, $0xb8;
	[tilespmem:$0x10800] =	vst v63  }
0x1b2: {  	s22 =	simm.s32 $0x1000  }
0x1b3: {  	[tilespmem:s22], [sflag:$0x1] =	stream.indirect_vreg.gather [hbm4b:s5+s3], $0x80, v4, vm0, $0xb8;
	[tilespmem:$0x10800] =	vst v63  }
0x1b4: {  	s22 =	simm.s32 $0x1800  }
0x1b5: {  	[tilespmem:s22], [sflag:$0x1] =	stream.indirect_vreg.gather [hbm4b:s2+s3], $0x80, v3, vm0, $0xb8;
	[tilespmem:$0x10800] =	vst v63  }
0x1b6: {  	s22 =	simm.s32 $0x2000  }
0x1b7: {  	[tilespmem:s22], [sflag:$0x1] =	stream.indirect_vreg.gather [hbm4b:s5+s3], $0x80, v3, vm0, $0xb8;
	[tilespmem:$0x10800] =	vst v63  }
0x1b8: {  	v3 =	vld [tilespmem:$0x310];
	_ =	sdelay $0x4  }
0x1b9: {  	v25 =	vshll.u32 v3, $0x2  }
0x1ba: {  	v3 =	vand.u32 $0x7, v3;
	v4 =	vand.u32 $0xFFFFFFE0, v25  }
0x1bb: {  	v3 =	vor.u32 v3, v4  }
0x1bc: {  	v4 =	vperm.xlane v3, v0;
	_ =	sdelay $0x1  }
0x1bd: {  	v4 =	vadd.s32 v1, v4;
	_ =	sdelay $0x1  }
0x1be: {  	v3 =	vperm.xlane v3, v2;
	_ =	sdelay $0x1  }
0x1bf: {  	s23 =	simm.s32 $0x2800;
	v3 =	vadd.s32 v1, v3  }
0x1c0: {  	[tilespmem:s23], [sflag:$0x1] =	stream.indirect_vreg.gather [hbm4b:s2+s3], $0x80, v4, vm0, $0xb8;
	[tilespmem:$0x10800] =	vst v63  }
0x1c1: {  	s25 =	simm.s32 $0x3000  }
0x1c2: {  	[tilespmem:s25], [sflag:$0x1] =	stream.indirect_vreg.gather [hbm4b:s5+s3], $0x80, v4, vm0, $0xb8;
	[tilespmem:$0x10800] =	vst v63  }
0x1c3: {  	s25 =	simm.s32 $0x3800  }
0x1c4: {  	[tilespmem:s25], [sflag:$0x1] =	stream.indirect_vreg.gather [hbm4b:s2+s3], $0x80, v3, vm0, $0xb8;
	[tilespmem:$0x10800] =	vst v63  }
0x1c5: {  	s25 =	simm.s32 $0x4000  }
0x1c6: {  	[tilespmem:s25], [sflag:$0x1] =	stream.indirect_vreg.gather [hbm4b:s5+s3], $0x80, v3, vm0, $0xb8;
	[tilespmem:$0x10800] =	vst v63  }
0x1c7: {  	v3 =	vld [tilespmem:$0x320];
	_ =	sdelay $0x4  }
0x1c8: {  	v26 =	vshll.u32 v3, $0x2  }
0x1c9: {  	v3 =	vand.u32 $0x7, v3;
	v4 =	vand.u32 $0xFFFFFFE0, v26  }
0x1ca: {  	v3 =	vor.u32 v3, v4  }
0x1cb: {  	v4 =	vperm.xlane v3, v0;
	_ =	sdelay $0x1  }
0x1cc: {  	v4 =	vadd.s32 v1, v4;
	_ =	sdelay $0x1  }
0x1cd: {  	v3 =	vperm.xlane v3, v2;
	_ =	sdelay $0x1  }
0x1ce: {  	s25 =	simm.s32 $0x4800;
	v3 =	vadd.s32 v1, v3  }
0x1cf: {  	[tilespmem:s25], [sflag:$0x1] =	stream.indirect_vreg.gather [hbm4b:s2+s3], $0x80, v4, vm0, $0xb8;
	[tilespmem:$0x10800] =	vst v63  }
0x1d0: {  	s25 =	simm.s32 $0x5000  }
0x1d1: {  	[tilespmem:s25], [sflag:$0x1] =	stream.indirect_vreg.gather [hbm4b:s5+s3], $0x80, v4, vm0, $0xb8;
	[tilespmem:$0x10800] =	vst v63  }
0x1d2: {  	s25 =	simm.s32 $0x5800  }
0x1d3: {  	[tilespmem:s25], [sflag:$0x1] =	stream.indirect_vreg.gather [hbm4b:s2+s3], $0x80, v3, vm0, $0xb8;
	[tilespmem:$0x10800] =	vst v63  }
0x1d4: {  	s25 =	simm.s32 $0x6000  }
0x1d5: {  	[tilespmem:s25], [sflag:$0x1] =	stream.indirect_vreg.gather [hbm4b:s5+s3], $0x80, v3, vm0, $0xb8;
	[tilespmem:$0x10800] =	vst v63  }
0x1d6: {  	v3 =	vld [tilespmem:$0x330];
	_ =	sdelay $0x4  }
0x1d7: {  	v27 =	vshll.u32 v3, $0x2  }
0x1d8: {  	v3 =	vand.u32 $0x7, v3;
	v4 =	vand.u32 $0xFFFFFFE0, v27  }
0x1d9: {  	v3 =	vor.u32 v3, v4  }
0x1da: {  	v4 =	vperm.xlane v3, v0;
	_ =	sdelay $0x1  }
0x1db: {  	v4 =	vadd.s32 v1, v4;
	_ =	sdelay $0x1  }
0x1dc: {  	v3 =	vperm.xlane v3, v2;
	_ =	sdelay $0x1  }
0x1dd: {  	s26 =	simm.s32 $0x6800;
	v3 =	vadd.s32 v1, v3  }
0x1de: {  	[tilespmem:s26], [sflag:$0x1] =	stream.indirect_vreg.gather [hbm4b:s2+s3], $0x80, v4, vm0, $0xb8;
	[tilespmem:$0x10800] =	vst v63  }
0x1df: {  	s28 =	simm.s32 $0x7000  }
0x1e0: {  	[tilespmem:s28], [sflag:$0x1] =	stream.indirect_vreg.gather [hbm4b:s5+s3], $0x80, v4, vm0, $0xb8;
	[tilespmem:$0x10800] =	vst v63  }
0x1e1: {  	s29 =	simm.s32 $0x7800  }
0x1e2: {  	[tilespmem:s29], [sflag:$0x1] =	stream.indirect_vreg.gather [hbm4b:s2+s3], $0x80, v3, vm0, $0xb8;
	[tilespmem:$0x10800] =	vst v63  }
0x1e3: {  	s30 =	simm.s32 $0x8000  }
0x1e4: {  	[tilespmem:s30], [sflag:$0x1] =	stream.indirect_vreg.gather [hbm4b:s5+s3], $0x80, v3, vm0, $0xb8;
	[tilespmem:$0x10800] =	vst v63  }
0x1e5: {  	_ =	swait.ge [sflag:s16], $0x8000  }
0x1e6: {  	[sflag:s16] =	ssyncset.done $0x0  }
0x1e7: {  	s30 =	rddreg [dreg:$0x9];
	[sflag:s16] =	ssyncadd.s32 $0xFFFF8000  }
0x1e8: {  	[hbm4b:s30+s3] =	stream.linear.scatter [tilespmem:s24], [sflag:$0x4], $0x8000, $0x38;
	[tilespmem:$0x10800] =	vst v63  }
0x1e9: {  	_ =	swait.ge [sflag:s17], $0x8000  }
0x1ea: {  	[sflag:s17] =	ssyncset.done $0x0  }
0x1eb: {  	[sflag:s17] =	ssyncadd.s32 $0xFFFF8000  }
0x1ec: {  	v3 =	vld [tilespmem:$0x380];
	_ =	sdelay $0x4  }
0x1ed: {  	v28 =	vshll.u32 v3, $0x2  }
0x1ee: {  	v3 =	vand.u32 $0x7, v3;
	v4 =	vand.u32 $0xFFFFFFE0, v28  }
0x1ef: {  	v3 =	vor.u32 v3, v4  }
0x1f0: {  	v4 =	vperm.xlane v3, v0;
	_ =	sdelay $0x1  }
0x1f1: {  	v4 =	vadd.s32 v1, v4;
	_ =	sdelay $0x1  }
0x1f2: {  	v3 =	vperm.xlane v3, v2;
	_ =	sdelay $0x1  }
0x1f3: {  	v3 =	vadd.s32 v1, v3  }
0x1f4: {  	[tilespmem:s24], [sflag:$0x2] =	stream.indirect_vreg.gather [hbm4b:s2+s3], $0x80, v4, vm0, $0xb8;
	[tilespmem:$0x10800] =	vst v63  }
0x1f5: {  	s12 =	simm.s32 $0x9000  }
0x1f6: {  	[tilespmem:s12], [sflag:$0x2] =	stream.indirect_vreg.gather [hbm4b:s5+s3], $0x80, v4, vm0, $0xb8;
	[tilespmem:$0x10800] =	vst v63  }
0x1f7: {  	s11 =	simm.s32 $0x9800  }
0x1f8: {  	[tilespmem:s11], [sflag:$0x2] =	stream.indirect_vreg.gather [hbm4b:s2+s3], $0x80, v3, vm0, $0xb8;
	[tilespmem:$0x10800] =	vst v63  }
0x1f9: {  	s30 =	simm.s32 $0xA000  }
0x1fa: {  	[tilespmem:s30], [sflag:$0x2] =	stream.indirect_vreg.gather [hbm4b:s5+s3], $0x80, v3, vm0, $0xb8;
	[tilespmem:$0x10800] =	vst v63  }
0x1fb: {  	v3 =	vld [tilespmem:$0x390];
	_ =	sdelay $0x4  }
0x1fc: {  	v29 =	vshll.u32 v3, $0x2  }
0x1fd: {  	v3 =	vand.u32 $0x7, v3;
	v4 =	vand.u32 $0xFFFFFFE0, v29  }
0x1fe: {  	v3 =	vor.u32 v3, v4  }
0x1ff: {  	v4 =	vperm.xlane v3, v0;
	_ =	sdelay $0x1  }
0x200: {  	v4 =	vadd.s32 v1, v4;
	_ =	sdelay $0x1  }
0x201: {  	v3 =	vperm.xlane v3, v2;
	_ =	sdelay $0x1  }
0x202: {  	s13 =	simm.s32 $0xA800;
	v3 =	vadd.s32 v1, v3  }
0x203: {  	[tilespmem:s13], [sflag:$0x2] =	stream.indirect_vreg.gather [hbm4b:s2+s3], $0x80, v4, vm0, $0xb8;
	[tilespmem:$0x10800] =	vst v63  }
0x204: {  	s19 =	simm.s32 $0xB000  }
0x205: {  	[tilespmem:s19], [sflag:$0x2] =	stream.indirect_vreg.gather [hbm4b:s5+s3], $0x80, v4, vm0, $0xb8;
	[tilespmem:$0x10800] =	vst v63  }
0x206: {  	s0 =	simm.s32 $0xB800  }
0x207: {  	[tilespmem:s0], [sflag:$0x2] =	stream.indirect_vreg.gather [hbm4b:s2+s3], $0x80, v3, vm0, $0xb8;
	[tilespmem:$0x10800] =	vst v63  }
0x208: {  	s20 =	simm.s32 $0xC000  }
0x209: {  	[tilespmem:s20], [sflag:$0x2] =	stream.indirect_vreg.gather [hbm4b:s5+s3], $0x80, v3, vm0, $0xb8;
	[tilespmem:$0x10800] =	vst v63  }
0x20a: {  	v3 =	vld [tilespmem:$0x3A0];
	_ =	sdelay $0x4  }
0x20b: {  	v30 =	vshll.u32 v3, $0x2  }
0x20c: {  	v3 =	vand.u32 $0x7, v3;
	v4 =	vand.u32 $0xFFFFFFE0, v30  }
0x20d: {  	v3 =	vor.u32 v3, v4  }
0x20e: {  	v4 =	vperm.xlane v3, v0;
	_ =	sdelay $0x1  }
0x20f: {  	v4 =	vadd.s32 v1, v4;
	_ =	sdelay $0x1  }
0x210: {  	v3 =	vperm.xlane v3, v2;
	_ =	sdelay $0x1  }
0x211: {  	s31 =	simm.s32 $0xC800;
	v3 =	vadd.s32 v1, v3  }
0x212: {  	[tilespmem:s31], [sflag:$0x2] =	stream.indirect_vreg.gather [hbm4b:s2+s3], $0x80, v4, vm0, $0xb8;
	[tilespmem:$0x10800] =	vst v63  }
0x213: {  	s1 =	simm.s32 $0xD000  }
0x214: {  	[tilespmem:s1], [sflag:$0x2] =	stream.indirect_vreg.gather [hbm4b:s5+s3], $0x80, v4, vm0, $0xb8;
	[tilespmem:$0x10800] =	vst v63  }
0x215: {  	s4 =	simm.s32 $0xD800  }
0x216: {  	[tilespmem:s4], [sflag:$0x2] =	stream.indirect_vreg.gather [hbm4b:s2+s3], $0x80, v3, vm0, $0xb8;
	[tilespmem:$0x10800] =	vst v63  }
0x217: {  	s21 =	simm.s32 $0xE000  }
0x218: {  	[tilespmem:s21], [sflag:$0x2] =	stream.indirect_vreg.gather [hbm4b:s5+s3], $0x80, v3, vm0, $0xb8;
	[tilespmem:$0x10800] =	vst v63  }
0x219: {  	v3 =	vld [tilespmem:$0x3B0];
	_ =	sdelay $0x4  }
0x21a: {  	v31 =	vshll.u32 v3, $0x2  }
0x21b: {  	v3 =	vand.u32 $0x7, v3;
	v4 =	vand.u32 $0xFFFFFFE0, v31  }
0x21c: {  	v3 =	vor.u32 v3, v4  }
0x21d: {  	v4 =	vperm.xlane v3, v0;
	_ =	sdelay $0x1  }
0x21e: {  	v4 =	vadd.s32 v1, v4;
	_ =	sdelay $0x1  }
0x21f: {  	v3 =	vperm.xlane v3, v2;
	_ =	sdelay $0x1  }
0x220: {  	s6 =	simm.s32 $0xE800;
	v3 =	vadd.s32 v1, v3  }
0x221: {  	[tilespmem:s6], [sflag:$0x2] =	stream.indirect_vreg.gather [hbm4b:s2+s3], $0x80, v4, vm0, $0xb8;
	[tilespmem:$0x10800] =	vst v63  }
0x222: {  	s7 =	simm.s32 $0xF000  }
0x223: {  	[tilespmem:s7], [sflag:$0x2] =	stream.indirect_vreg.gather [hbm4b:s5+s3], $0x80, v4, vm0, $0xb8;
	[tilespmem:$0x10800] =	vst v63  }
0x224: {  	s9 =	simm.s32 $0xF800  }
0x225: {  	[tilespmem:s9], [sflag:$0x2] =	stream.indirect_vreg.gather [hbm4b:s2+s3], $0x80, v3, vm0, $0xb8;
	[tilespmem:$0x10800] =	vst v63  }
0x226: {  	s10 =	simm.s32 $0x10000  }
0x227: {  	[tilespmem:s10], [sflag:$0x2] =	stream.indirect_vreg.gather [hbm4b:s5+s3], $0x80, v3, vm0, $0xb8;
	[tilespmem:$0x10800] =	vst v63  }
0x228: {  	_ =	swait.ge [sflag:s14], $0x8000  }
0x229: {  	[sflag:s14] =	ssyncset.done $0x0  }
0x22a: {  	s31 =	rddreg [dreg:$0xa];
	[sflag:s14] =	ssyncadd.s32 $0xFFFF8000  }
0x22b: {  	[hbm4b:s31+s3] =	stream.linear.scatter [tilespmem:s8], [sflag:$0x3], $0x8000, $0x38;
	[tilespmem:$0x10800] =	vst v63  }
0x22c: {  	_ =	swait.ge [sflag:s15], $0x8000  }
0x22d: {  	[sflag:s15] =	ssyncset.done $0x0  }
0x22e: {  	[sflag:s15] =	ssyncadd.s32 $0xFFFF8000  }
0x22f: {  	v3 =	vld [tilespmem:$0x400];
	_ =	sdelay $0x4  }
0x230: {  	v32 =	vshll.u32 v3, $0x2  }
0x231: {  	v3 =	vand.u32 $0x7, v3;
	v4 =	vand.u32 $0xFFFFFFE0, v32  }
0x232: {  	v3 =	vor.u32 v3, v4  }
0x233: {  	v4 =	vperm.xlane v3, v0;
	_ =	sdelay $0x1  }
0x234: {  	v4 =	vadd.s32 v1, v4;
	_ =	sdelay $0x1  }
0x235: {  	v3 =	vperm.xlane v3, v2;
	_ =	sdelay $0x1  }
0x236: {  	v3 =	vadd.s32 v1, v3  }
0x237: {  	[tilespmem:s8], [sflag:$0x1] =	stream.indirect_vreg.gather [hbm4b:s2+s3], $0x80, v4, vm0, $0xb8;
	[tilespmem:$0x10800] =	vst v63  }
0x238: {  	s31 =	simm.s32 $0x1000  }
0x239: {  	[tilespmem:s31], [sflag:$0x1] =	stream.indirect_vreg.gather [hbm4b:s5+s3], $0x80, v4, vm0, $0xb8;
	[tilespmem:$0x10800] =	vst v63  }
0x23a: {  	s31 =	simm.s32 $0x1800  }
0x23b: {  	[tilespmem:s31], [sflag:$0x1] =	stream.indirect_vreg.gather [hbm4b:s2+s3], $0x80, v3, vm0, $0xb8;
	[tilespmem:$0x10800] =	vst v63  }
0x23c: {  	s31 =	simm.s32 $0x2000  }
0x23d: {  	[tilespmem:s31], [sflag:$0x1] =	stream.indirect_vreg.gather [hbm4b:s5+s3], $0x80, v3, vm0, $0xb8;
	[tilespmem:$0x10800] =	vst v63  }
0x23e: {  	v3 =	vld [tilespmem:$0x410];
	_ =	sdelay $0x4  }
0x23f: {  	v33 =	vshll.u32 v3, $0x2  }
0x240: {  	v3 =	vand.u32 $0x7, v3;
	v4 =	vand.u32 $0xFFFFFFE0, v33  }
0x241: {  	v3 =	vor.u32 v3, v4  }
0x242: {  	v4 =	vperm.xlane v3, v0;
	_ =	sdelay $0x1  }
0x243: {  	v4 =	vadd.s32 v1, v4;
	_ =	sdelay $0x1  }
0x244: {  	v3 =	vperm.xlane v3, v2;
	_ =	sdelay $0x1  }
0x245: {  	s22 =	simm.s32 $0x2800;
	v3 =	vadd.s32 v1, v3  }
0x246: {  	[tilespmem:s22], [sflag:$0x1] =	stream.indirect_vreg.gather [hbm4b:s2+s3], $0x80, v4, vm0, $0xb8;
	[tilespmem:$0x10800] =	vst v63  }
0x247: {  	s23 =	simm.s32 $0x3000  }
0x248: {  	[tilespmem:s23], [sflag:$0x1] =	stream.indirect_vreg.gather [hbm4b:s5+s3], $0x80, v4, vm0, $0xb8;
	[tilespmem:$0x10800] =	vst v63  }
0x249: {  	s31 =	simm.s32 $0x3800  }
0x24a: {  	[tilespmem:s31], [sflag:$0x1] =	stream.indirect_vreg.gather [hbm4b:s2+s3], $0x80, v3, vm0, $0xb8;
	[tilespmem:$0x10800] =	vst v63  }
0x24b: {  	s31 =	simm.s32 $0x4000  }
0x24c: {  	[tilespmem:s31], [sflag:$0x1] =	stream.indirect_vreg.gather [hbm4b:s5+s3], $0x80, v3, vm0, $0xb8;
	[tilespmem:$0x10800] =	vst v63  }
0x24d: {  	v3 =	vld [tilespmem:$0x420];
	_ =	sdelay $0x4  }
0x24e: {  	v34 =	vshll.u32 v3, $0x2  }
0x24f: {  	v3 =	vand.u32 $0x7, v3;
	v4 =	vand.u32 $0xFFFFFFE0, v34  }
0x250: {  	v3 =	vor.u32 v3, v4  }
0x251: {  	v4 =	vperm.xlane v3, v0;
	_ =	sdelay $0x1  }
0x252: {  	v4 =	vadd.s32 v1, v4;
	_ =	sdelay $0x1  }
0x253: {  	v3 =	vperm.xlane v3, v2;
	_ =	sdelay $0x1  }
0x254: {  	s31 =	simm.s32 $0x4800;
	v3 =	vadd.s32 v1, v3  }
0x255: {  	[tilespmem:s31], [sflag:$0x1] =	stream.indirect_vreg.gather [hbm4b:s2+s3], $0x80, v4, vm0, $0xb8;
	[tilespmem:$0x10800] =	vst v63  }
0x256: {  	s31 =	simm.s32 $0x5000  }
0x257: {  	[tilespmem:s31], [sflag:$0x1] =	stream.indirect_vreg.gather [hbm4b:s5+s3], $0x80, v4, vm0, $0xb8;
	[tilespmem:$0x10800] =	vst v63  }
0x258: {  	s31 =	simm.s32 $0x5800  }
0x259: {  	[tilespmem:s31], [sflag:$0x1] =	stream.indirect_vreg.gather [hbm4b:s2+s3], $0x80, v3, vm0, $0xb8;
	[tilespmem:$0x10800] =	vst v63  }
0x25a: {  	s18 =	simm.s32 $0x6000  }
0x25b: {  	[tilespmem:s18], [sflag:$0x1] =	stream.indirect_vreg.gather [hbm4b:s5+s3], $0x80, v3, vm0, $0xb8;
	[tilespmem:$0x10800] =	vst v63  }
0x25c: {  	v3 =	vld [tilespmem:$0x430];
	_ =	sdelay $0x4  }
0x25d: {  	v35 =	vshll.u32 v3, $0x2  }
0x25e: {  	v3 =	vand.u32 $0x7, v3;
	v4 =	vand.u32 $0xFFFFFFE0, v35  }
0x25f: {  	v3 =	vor.u32 v3, v4  }
0x260: {  	v4 =	vperm.xlane v3, v0;
	_ =	sdelay $0x1  }
0x261: {  	v4 =	vadd.s32 v1, v4;
	_ =	sdelay $0x1  }
0x262: {  	v3 =	vperm.xlane v3, v2;
	_ =	sdelay $0x1  }
0x263: {  	s25 =	simm.s32 $0x6800;
	v3 =	vadd.s32 v1, v3  }
0x264: {  	[tilespmem:s25], [sflag:$0x1] =	stream.indirect_vreg.gather [hbm4b:s2+s3], $0x80, v4, vm0, $0xb8;
	[tilespmem:$0x10800] =	vst v63  }
0x265: {  	s26 =	simm.s32 $0x7000  }
0x266: {  	[tilespmem:s26], [sflag:$0x1] =	stream.indirect_vreg.gather [hbm4b:s5+s3], $0x80, v4, vm0, $0xb8;
	[tilespmem:$0x10800] =	vst v63  }
0x267: {  	s28 =	simm.s32 $0x7800  }
0x268: {  	[tilespmem:s28], [sflag:$0x1] =	stream.indirect_vreg.gather [hbm4b:s2+s3], $0x80, v3, vm0, $0xb8;
	[tilespmem:$0x10800] =	vst v63  }
0x269: {  	s29 =	simm.s32 $0x8000  }
0x26a: {  	[tilespmem:s29], [sflag:$0x1] =	stream.indirect_vreg.gather [hbm4b:s5+s3], $0x80, v3, vm0, $0xb8;
	[tilespmem:$0x10800] =	vst v63  }
0x26b: {  	_ =	swait.ge [sflag:s16], $0x8000  }
0x26c: {  	[sflag:s16] =	ssyncset.done $0x0  }
0x26d: {  	s18 =	rddreg [dreg:$0xb];
	[sflag:s16] =	ssyncadd.s32 $0xFFFF8000  }
0x26e: {  	[hbm4b:s18+s3] =	stream.linear.scatter [tilespmem:s24], [sflag:$0x4], $0x8000, $0x38;
	[tilespmem:$0x10800] =	vst v63  }
0x26f: {  	_ =	swait.ge [sflag:s17], $0x8000  }
0x270: {  	[sflag:s17] =	ssyncset.done $0x0  }
0x271: {  	[sflag:s17] =	ssyncadd.s32 $0xFFFF8000  }
0x272: {  	v3 =	vld [tilespmem:$0x480];
	_ =	sdelay $0x4  }
0x273: {  	v36 =	vshll.u32 v3, $0x2  }
0x274: {  	v3 =	vand.u32 $0x7, v3;
	v4 =	vand.u32 $0xFFFFFFE0, v36  }
0x275: {  	v3 =	vor.u32 v3, v4  }
0x276: {  	v4 =	vperm.xlane v3, v0;
	_ =	sdelay $0x1  }
0x277: {  	v4 =	vadd.s32 v1, v4;
	_ =	sdelay $0x1  }
0x278: {  	v3 =	vperm.xlane v3, v2;
	_ =	sdelay $0x1  }
0x279: {  	v3 =	vadd.s32 v1, v3  }
0x27a: {  	[tilespmem:s24], [sflag:$0x2] =	stream.indirect_vreg.gather [hbm4b:s2+s3], $0x80, v4, vm0, $0xb8;
	[tilespmem:$0x10800] =	vst v63  }
0x27b: {  	s12 =	simm.s32 $0x9000  }
0x27c: {  	[tilespmem:s12], [sflag:$0x2] =	stream.indirect_vreg.gather [hbm4b:s5+s3], $0x80, v4, vm0, $0xb8;
	[tilespmem:$0x10800] =	vst v63  }
0x27d: {  	s11 =	simm.s32 $0x9800  }
0x27e: {  	[tilespmem:s11], [sflag:$0x2] =	stream.indirect_vreg.gather [hbm4b:s2+s3], $0x80, v3, vm0, $0xb8;
	[tilespmem:$0x10800] =	vst v63  }
0x27f: {  	s18 =	simm.s32 $0xA000  }
0x280: {  	[tilespmem:s18], [sflag:$0x2] =	stream.indirect_vreg.gather [hbm4b:s5+s3], $0x80, v3, vm0, $0xb8;
	[tilespmem:$0x10800] =	vst v63  }
0x281: {  	v3 =	vld [tilespmem:$0x490];
	_ =	sdelay $0x4  }
0x282: {  	v37 =	vshll.u32 v3, $0x2  }
0x283: {  	v3 =	vand.u32 $0x7, v3;
	v4 =	vand.u32 $0xFFFFFFE0, v37  }
0x284: {  	v3 =	vor.u32 v3, v4  }
0x285: {  	v4 =	vperm.xlane v3, v0;
	_ =	sdelay $0x1  }
0x286: {  	v4 =	vadd.s32 v1, v4;
	_ =	sdelay $0x1  }
0x287: {  	v3 =	vperm.xlane v3, v2;
	_ =	sdelay $0x1  }
0x288: {  	s13 =	simm.s32 $0xA800;
	v3 =	vadd.s32 v1, v3  }
0x289: {  	[tilespmem:s13], [sflag:$0x2] =	stream.indirect_vreg.gather [hbm4b:s2+s3], $0x80, v4, vm0, $0xb8;
	[tilespmem:$0x10800] =	vst v63  }
0x28a: {  	s30 =	simm.s32 $0xB000  }
0x28b: {  	[tilespmem:s30], [sflag:$0x2] =	stream.indirect_vreg.gather [hbm4b:s5+s3], $0x80, v4, vm0, $0xb8;
	[tilespmem:$0x10800] =	vst v63  }
0x28c: {  	s0 =	simm.s32 $0xB800  }
0x28d: {  	[tilespmem:s0], [sflag:$0x2] =	stream.indirect_vreg.gather [hbm4b:s2+s3], $0x80, v3, vm0, $0xb8;
	[tilespmem:$0x10800] =	vst v63  }
0x28e: {  	s19 =	simm.s32 $0xC000  }
0x28f: {  	[tilespmem:s19], [sflag:$0x2] =	stream.indirect_vreg.gather [hbm4b:s5+s3], $0x80, v3, vm0, $0xb8;
	[tilespmem:$0x10800] =	vst v63  }
0x290: {  	v3 =	vld [tilespmem:$0x4A0];
	_ =	sdelay $0x4  }
0x291: {  	v38 =	vshll.u32 v3, $0x2  }
0x292: {  	v3 =	vand.u32 $0x7, v3;
	v4 =	vand.u32 $0xFFFFFFE0, v38  }
0x293: {  	v3 =	vor.u32 v3, v4  }
0x294: {  	v4 =	vperm.xlane v3, v0;
	_ =	sdelay $0x1  }
0x295: {  	v4 =	vadd.s32 v1, v4;
	_ =	sdelay $0x1  }
0x296: {  	v3 =	vperm.xlane v3, v2;
	_ =	sdelay $0x1  }
0x297: {  	s20 =	simm.s32 $0xC800;
	v3 =	vadd.s32 v1, v3  }
0x298: {  	[tilespmem:s20], [sflag:$0x2] =	stream.indirect_vreg.gather [hbm4b:s2+s3], $0x80, v4, vm0, $0xb8;
	[tilespmem:$0x10800] =	vst v63  }
0x299: {  	s1 =	simm.s32 $0xD000  }
0x29a: {  	[tilespmem:s1], [sflag:$0x2] =	stream.indirect_vreg.gather [hbm4b:s5+s3], $0x80, v4, vm0, $0xb8;
	[tilespmem:$0x10800] =	vst v63  }
0x29b: {  	s4 =	simm.s32 $0xD800  }
0x29c: {  	[tilespmem:s4], [sflag:$0x2] =	stream.indirect_vreg.gather [hbm4b:s2+s3], $0x80, v3, vm0, $0xb8;
	[tilespmem:$0x10800] =	vst v63  }
0x29d: {  	s21 =	simm.s32 $0xE000  }
0x29e: {  	[tilespmem:s21], [sflag:$0x2] =	stream.indirect_vreg.gather [hbm4b:s5+s3], $0x80, v3, vm0, $0xb8;
	[tilespmem:$0x10800] =	vst v63  }
0x29f: {  	v3 =	vld [tilespmem:$0x4B0];
	_ =	sdelay $0x4  }
0x2a0: {  	v39 =	vshll.u32 v3, $0x2  }
0x2a1: {  	v3 =	vand.u32 $0x7, v3;
	v4 =	vand.u32 $0xFFFFFFE0, v39  }
0x2a2: {  	v3 =	vor.u32 v3, v4  }
0x2a3: {  	v4 =	vperm.xlane v3, v0;
	_ =	sdelay $0x1  }
0x2a4: {  	v4 =	vadd.s32 v1, v4;
	_ =	sdelay $0x1  }
0x2a5: {  	v3 =	vperm.xlane v3, v2;
	_ =	sdelay $0x1  }
0x2a6: {  	s6 =	simm.s32 $0xE800;
	v3 =	vadd.s32 v1, v3  }
0x2a7: {  	[tilespmem:s6], [sflag:$0x2] =	stream.indirect_vreg.gather [hbm4b:s2+s3], $0x80, v4, vm0, $0xb8;
	[tilespmem:$0x10800] =	vst v63  }
0x2a8: {  	s7 =	simm.s32 $0xF000  }
0x2a9: {  	[tilespmem:s7], [sflag:$0x2] =	stream.indirect_vreg.gather [hbm4b:s5+s3], $0x80, v4, vm0, $0xb8;
	[tilespmem:$0x10800] =	vst v63  }
0x2aa: {  	s9 =	simm.s32 $0xF800  }
0x2ab: {  	[tilespmem:s9], [sflag:$0x2] =	stream.indirect_vreg.gather [hbm4b:s2+s3], $0x80, v3, vm0, $0xb8;
	[tilespmem:$0x10800] =	vst v63  }
0x2ac: {  	s10 =	simm.s32 $0x10000  }
0x2ad: {  	[tilespmem:s10], [sflag:$0x2] =	stream.indirect_vreg.gather [hbm4b:s5+s3], $0x80, v3, vm0, $0xb8;
	[tilespmem:$0x10800] =	vst v63  }
0x2ae: {  	_ =	swait.ge [sflag:s14], $0x8000  }
0x2af: {  	[sflag:s14] =	ssyncset.done $0x0  }
0x2b0: {  	s10 =	rddreg [dreg:$0xc];
	[sflag:s14] =	ssyncadd.s32 $0xFFFF8000  }
0x2b1: {  	[hbm4b:s10+s3] =	stream.linear.scatter [tilespmem:s8], [sflag:$0x3], $0x8000, $0x38;
	[tilespmem:$0x10800] =	vst v63  }
0x2b2: {  	_ =	swait.ge [sflag:s15], $0x8000  }
0x2b3: {  	[sflag:s15] =	ssyncset.done $0x0  }
0x2b4: {  	[sflag:s15] =	ssyncadd.s32 $0xFFFF8000  }
0x2b5: {  	v3 =	vld [tilespmem:$0x500];
	_ =	sdelay $0x4  }
0x2b6: {  	v40 =	vshll.u32 v3, $0x2  }
0x2b7: {  	v3 =	vand.u32 $0x7, v3;
	v4 =	vand.u32 $0xFFFFFFE0, v40  }
0x2b8: {  	v3 =	vor.u32 v3, v4  }
0x2b9: {  	v4 =	vperm.xlane v3, v0;
	_ =	sdelay $0x1  }
0x2ba: {  	v4 =	vadd.s32 v1, v4;
	_ =	sdelay $0x1  }
0x2bb: {  	v3 =	vperm.xlane v3, v2;
	_ =	sdelay $0x1  }
0x2bc: {  	v3 =	vadd.s32 v1, v3  }
0x2bd: {  	[tilespmem:s8], [sflag:$0x1] =	stream.indirect_vreg.gather [hbm4b:s2+s3], $0x80, v4, vm0, $0xb8;
	[tilespmem:$0x10800] =	vst v63  }
0x2be: {  	s18 =	simm.s32 $0x1000  }
0x2bf: {  	[tilespmem:s18], [sflag:$0x1] =	stream.indirect_vreg.gather [hbm4b:s5+s3], $0x80, v4, vm0, $0xb8;
	[tilespmem:$0x10800] =	vst v63  }
0x2c0: {  	s18 =	simm.s32 $0x1800  }
0x2c1: {  	[tilespmem:s18], [sflag:$0x1] =	stream.indirect_vreg.gather [hbm4b:s2+s3], $0x80, v3, vm0, $0xb8;
	[tilespmem:$0x10800] =	vst v63  }
0x2c2: {  	s18 =	simm.s32 $0x2000  }
0x2c3: {  	[tilespmem:s18], [sflag:$0x1] =	stream.indirect_vreg.gather [hbm4b:s5+s3], $0x80, v3, vm0, $0xb8;
	[tilespmem:$0x10800] =	vst v63  }
0x2c4: {  	v3 =	vld [tilespmem:$0x510];
	_ =	sdelay $0x4  }
0x2c5: {  	v41 =	vshll.u32 v3, $0x2  }
0x2c6: {  	v3 =	vand.u32 $0x7, v3;
	v4 =	vand.u32 $0xFFFFFFE0, v41  }
0x2c7: {  	v3 =	vor.u32 v3, v4  }
0x2c8: {  	v4 =	vperm.xlane v3, v0;
	_ =	sdelay $0x1  }
0x2c9: {  	v4 =	vadd.s32 v1, v4;
	_ =	sdelay $0x1  }
0x2ca: {  	v3 =	vperm.xlane v3, v2;
	_ =	sdelay $0x1  }
0x2cb: {  	s22 =	simm.s32 $0x2800;
	v3 =	vadd.s32 v1, v3  }
0x2cc: {  	[tilespmem:s22], [sflag:$0x1] =	stream.indirect_vreg.gather [hbm4b:s2+s3], $0x80, v4, vm0, $0xb8;
	[tilespmem:$0x10800] =	vst v63  }
0x2cd: {  	s23 =	simm.s32 $0x3000  }
0x2ce: {  	[tilespmem:s23], [sflag:$0x1] =	stream.indirect_vreg.gather [hbm4b:s5+s3], $0x80, v4, vm0, $0xb8;
	[tilespmem:$0x10800] =	vst v63  }
0x2cf: {  	s23 =	simm.s32 $0x3800  }
0x2d0: {  	[tilespmem:s23], [sflag:$0x1] =	stream.indirect_vreg.gather [hbm4b:s2+s3], $0x80, v3, vm0, $0xb8;
	[tilespmem:$0x10800] =	vst v63  }
0x2d1: {  	s23 =	simm.s32 $0x4000  }
0x2d2: {  	[tilespmem:s23], [sflag:$0x1] =	stream.indirect_vreg.gather [hbm4b:s5+s3], $0x80, v3, vm0, $0xb8;
	[tilespmem:$0x10800] =	vst v63  }
0x2d3: {  	v3 =	vld [tilespmem:$0x520];
	_ =	sdelay $0x4  }
0x2d4: {  	v42 =	vshll.u32 v3, $0x2  }
0x2d5: {  	v3 =	vand.u32 $0x7, v3;
	v4 =	vand.u32 $0xFFFFFFE0, v42  }
0x2d6: {  	v3 =	vor.u32 v3, v4  }
0x2d7: {  	v4 =	vperm.xlane v3, v0;
	_ =	sdelay $0x1  }
0x2d8: {  	v4 =	vadd.s32 v1, v4;
	_ =	sdelay $0x1  }
0x2d9: {  	v3 =	vperm.xlane v3, v2;
	_ =	sdelay $0x1  }
0x2da: {  	s23 =	simm.s32 $0x4800;
	v3 =	vadd.s32 v1, v3  }
0x2db: {  	[tilespmem:s23], [sflag:$0x1] =	stream.indirect_vreg.gather [hbm4b:s2+s3], $0x80, v4, vm0, $0xb8;
	[tilespmem:$0x10800] =	vst v63  }
0x2dc: {  	s23 =	simm.s32 $0x5000  }
0x2dd: {  	[tilespmem:s23], [sflag:$0x1] =	stream.indirect_vreg.gather [hbm4b:s5+s3], $0x80, v4, vm0, $0xb8;
	[tilespmem:$0x10800] =	vst v63  }
0x2de: {  	s31 =	simm.s32 $0x5800  }
0x2df: {  	[tilespmem:s31], [sflag:$0x1] =	stream.indirect_vreg.gather [hbm4b:s2+s3], $0x80, v3, vm0, $0xb8;
	[tilespmem:$0x10800] =	vst v63  }
0x2e0: {  	s23 =	simm.s32 $0x6000  }
0x2e1: {  	[tilespmem:s23], [sflag:$0x1] =	stream.indirect_vreg.gather [hbm4b:s5+s3], $0x80, v3, vm0, $0xb8;
	[tilespmem:$0x10800] =	vst v63  }
0x2e2: {  	v3 =	vld [tilespmem:$0x530];
	_ =	sdelay $0x4  }
0x2e3: {  	v43 =	vshll.u32 v3, $0x2  }
0x2e4: {  	v3 =	vand.u32 $0x7, v3;
	v4 =	vand.u32 $0xFFFFFFE0, v43  }
0x2e5: {  	v3 =	vor.u32 v3, v4  }
0x2e6: {  	v4 =	vperm.xlane v3, v0;
	_ =	sdelay $0x1  }
0x2e7: {  	v4 =	vadd.s32 v1, v4;
	_ =	sdelay $0x1  }
0x2e8: {  	v3 =	vperm.xlane v3, v2;
	_ =	sdelay $0x1  }
0x2e9: {  	s25 =	simm.s32 $0x6800;
	v3 =	vadd.s32 v1, v3  }
0x2ea: {  	[tilespmem:s25], [sflag:$0x1] =	stream.indirect_vreg.gather [hbm4b:s2+s3], $0x80, v4, vm0, $0xb8;
	[tilespmem:$0x10800] =	vst v63  }
0x2eb: {  	s26 =	simm.s32 $0x7000  }
0x2ec: {  	[tilespmem:s26], [sflag:$0x1] =	stream.indirect_vreg.gather [hbm4b:s5+s3], $0x80, v4, vm0, $0xb8;
	[tilespmem:$0x10800] =	vst v63  }
0x2ed: {  	s28 =	simm.s32 $0x7800  }
0x2ee: {  	[tilespmem:s28], [sflag:$0x1] =	stream.indirect_vreg.gather [hbm4b:s2+s3], $0x80, v3, vm0, $0xb8;
	[tilespmem:$0x10800] =	vst v63  }
0x2ef: {  	s29 =	simm.s32 $0x8000  }
0x2f0: {  	[tilespmem:s29], [sflag:$0x1] =	stream.indirect_vreg.gather [hbm4b:s5+s3], $0x80, v3, vm0, $0xb8;
	[tilespmem:$0x10800] =	vst v63  }
0x2f1: {  	_ =	swait.ge [sflag:s16], $0x8000  }
0x2f2: {  	[sflag:s16] =	ssyncset.done $0x0  }
0x2f3: {  	s31 =	rddreg [dreg:$0xd];
	[sflag:s16] =	ssyncadd.s32 $0xFFFF8000  }
0x2f4: {  	[hbm4b:s31+s3] =	stream.linear.scatter [tilespmem:s24], [sflag:$0x4], $0x8000, $0x38;
	[tilespmem:$0x10800] =	vst v63  }
0x2f5: {  	_ =	swait.ge [sflag:s17], $0x8000  }
0x2f6: {  	[sflag:s17] =	ssyncset.done $0x0  }
0x2f7: {  	[sflag:s17] =	ssyncadd.s32 $0xFFFF8000  }
0x2f8: {  	v3 =	vld [tilespmem:$0x580];
	_ =	sdelay $0x4  }
0x2f9: {  	v44 =	vshll.u32 v3, $0x2  }
0x2fa: {  	v3 =	vand.u32 $0x7, v3;
	v4 =	vand.u32 $0xFFFFFFE0, v44  }
0x2fb: {  	v3 =	vor.u32 v3, v4  }
0x2fc: {  	v4 =	vperm.xlane v3, v0;
	_ =	sdelay $0x1  }
0x2fd: {  	v4 =	vadd.s32 v1, v4;
	_ =	sdelay $0x1  }
0x2fe: {  	v3 =	vperm.xlane v3, v2;
	_ =	sdelay $0x1  }
0x2ff: {  	v3 =	vadd.s32 v1, v3  }
0x300: {  	[tilespmem:s24], [sflag:$0x2] =	stream.indirect_vreg.gather [hbm4b:s2+s3], $0x80, v4, vm0, $0xb8;
	[tilespmem:$0x10800] =	vst v63  }
0x301: {  	s12 =	simm.s32 $0x9000  }
0x302: {  	[tilespmem:s12], [sflag:$0x2] =	stream.indirect_vreg.gather [hbm4b:s5+s3], $0x80, v4, vm0, $0xb8;
	[tilespmem:$0x10800] =	vst v63  }
0x303: {  	s11 =	simm.s32 $0x9800  }
0x304: {  	[tilespmem:s11], [sflag:$0x2] =	stream.indirect_vreg.gather [hbm4b:s2+s3], $0x80, v3, vm0, $0xb8;
	[tilespmem:$0x10800] =	vst v63  }
0x305: {  	s29 =	simm.s32 $0xA000  }
0x306: {  	[tilespmem:s29], [sflag:$0x2] =	stream.indirect_vreg.gather [hbm4b:s5+s3], $0x80, v3, vm0, $0xb8;
	[tilespmem:$0x10800] =	vst v63  }
0x307: {  	v3 =	vld [tilespmem:$0x590];
	_ =	sdelay $0x4  }
0x308: {  	v45 =	vshll.u32 v3, $0x2  }
0x309: {  	v3 =	vand.u32 $0x7, v3;
	v4 =	vand.u32 $0xFFFFFFE0, v45  }
0x30a: {  	v3 =	vor.u32 v3, v4  }
0x30b: {  	v4 =	vperm.xlane v3, v0;
	_ =	sdelay $0x1  }
0x30c: {  	v4 =	vadd.s32 v1, v4;
	_ =	sdelay $0x1  }
0x30d: {  	v3 =	vperm.xlane v3, v2;
	_ =	sdelay $0x1  }
0x30e: {  	s13 =	simm.s32 $0xA800;
	v3 =	vadd.s32 v1, v3  }
0x30f: {  	[tilespmem:s13], [sflag:$0x2] =	stream.indirect_vreg.gather [hbm4b:s2+s3], $0x80, v4, vm0, $0xb8;
	[tilespmem:$0x10800] =	vst v63  }
0x310: {  	s30 =	simm.s32 $0xB000  }
0x311: {  	[tilespmem:s30], [sflag:$0x2] =	stream.indirect_vreg.gather [hbm4b:s5+s3], $0x80, v4, vm0, $0xb8;
	[tilespmem:$0x10800] =	vst v63  }
0x312: {  	s31 =	simm.s32 $0xB800  }
0x313: {  	[tilespmem:s31], [sflag:$0x2] =	stream.indirect_vreg.gather [hbm4b:s2+s3], $0x80, v3, vm0, $0xb8;
	[tilespmem:$0x10800] =	vst v63  }
0x314: {  	s19 =	simm.s32 $0xC000  }
0x315: {  	[tilespmem:s19], [sflag:$0x2] =	stream.indirect_vreg.gather [hbm4b:s5+s3], $0x80, v3, vm0, $0xb8;
	[tilespmem:$0x10800] =	vst v63  }
0x316: {  	v3 =	vld [tilespmem:$0x5A0];
	_ =	sdelay $0x4  }
0x317: {  	v46 =	vshll.u32 v3, $0x2  }
0x318: {  	v3 =	vand.u32 $0x7, v3;
	v4 =	vand.u32 $0xFFFFFFE0, v46  }
0x319: {  	v3 =	vor.u32 v3, v4  }
0x31a: {  	v4 =	vperm.xlane v3, v0;
	_ =	sdelay $0x1  }
0x31b: {  	v4 =	vadd.s32 v1, v4;
	_ =	sdelay $0x1  }
0x31c: {  	v3 =	vperm.xlane v3, v2;
	_ =	sdelay $0x1  }
0x31d: {  	s20 =	simm.s32 $0xC800;
	v3 =	vadd.s32 v1, v3  }
0x31e: {  	[tilespmem:s20], [sflag:$0x2] =	stream.indirect_vreg.gather [hbm4b:s2+s3], $0x80, v4, vm0, $0xb8;
	[tilespmem:$0x10800] =	vst v63  }
0x31f: {  	s0 =	simm.s32 $0xD000  }
0x320: {  	[tilespmem:s0], [sflag:$0x2] =	stream.indirect_vreg.gather [hbm4b:s5+s3], $0x80, v4, vm0, $0xb8;
	[tilespmem:$0x10800] =	vst v63  }
0x321: {  	s1 =	simm.s32 $0xD800  }
0x322: {  	[tilespmem:s1], [sflag:$0x2] =	stream.indirect_vreg.gather [hbm4b:s2+s3], $0x80, v3, vm0, $0xb8;
	[tilespmem:$0x10800] =	vst v63  }
0x323: {  	s21 =	simm.s32 $0xE000  }
0x324: {  	[tilespmem:s21], [sflag:$0x2] =	stream.indirect_vreg.gather [hbm4b:s5+s3], $0x80, v3, vm0, $0xb8;
	[tilespmem:$0x10800] =	vst v63  }
0x325: {  	v3 =	vld [tilespmem:$0x5B0];
	_ =	sdelay $0x4  }
0x326: {  	v47 =	vshll.u32 v3, $0x2  }
0x327: {  	v3 =	vand.u32 $0x7, v3;
	v4 =	vand.u32 $0xFFFFFFE0, v47  }
0x328: {  	v3 =	vor.u32 v3, v4  }
0x329: {  	v4 =	vperm.xlane v3, v0;
	_ =	sdelay $0x1  }
0x32a: {  	v4 =	vadd.s32 v1, v4;
	_ =	sdelay $0x1  }
0x32b: {  	v3 =	vperm.xlane v3, v2;
	_ =	sdelay $0x1  }
0x32c: {  	s4 =	simm.s32 $0xE800;
	v3 =	vadd.s32 v1, v3  }
0x32d: {  	[tilespmem:s4], [sflag:$0x2] =	stream.indirect_vreg.gather [hbm4b:s2+s3], $0x80, v4, vm0, $0xb8;
	[tilespmem:$0x10800] =	vst v63  }
0x32e: {  	s6 =	simm.s32 $0xF000  }
0x32f: {  	[tilespmem:s6], [sflag:$0x2] =	stream.indirect_vreg.gather [hbm4b:s5+s3], $0x80, v4, vm0, $0xb8;
	[tilespmem:$0x10800] =	vst v63  }
0x330: {  	s7 =	simm.s32 $0xF800  }
0x331: {  	[tilespmem:s7], [sflag:$0x2] =	stream.indirect_vreg.gather [hbm4b:s2+s3], $0x80, v3, vm0, $0xb8;
	[tilespmem:$0x10800] =	vst v63  }
0x332: {  	s9 =	simm.s32 $0x10000  }
0x333: {  	[tilespmem:s9], [sflag:$0x2] =	stream.indirect_vreg.gather [hbm4b:s5+s3], $0x80, v3, vm0, $0xb8;
	[tilespmem:$0x10800] =	vst v63  }
0x334: {  	_ =	swait.ge [sflag:s14], $0x8000  }
0x335: {  	[sflag:s14] =	ssyncset.done $0x0  }
0x336: {  	s9 =	rddreg [dreg:$0xe];
	[sflag:s14] =	ssyncadd.s32 $0xFFFF8000  }
0x337: {  	[hbm4b:s9+s3] =	stream.linear.scatter [tilespmem:s8], [sflag:$0x3], $0x8000, $0x38;
	[tilespmem:$0x10800] =	vst v63  }
0x338: {  	_ =	swait.ge [sflag:s15], $0x8000  }
0x339: {  	[sflag:s15] =	ssyncset.done $0x0  }
0x33a: {  	[sflag:s15] =	ssyncadd.s32 $0xFFFF8000  }
0x33b: {  	v3 =	vld [tilespmem:$0x600];
	_ =	sdelay $0x4  }
0x33c: {  	v48 =	vshll.u32 v3, $0x2  }
0x33d: {  	v3 =	vand.u32 $0x7, v3;
	v4 =	vand.u32 $0xFFFFFFE0, v48  }
0x33e: {  	v3 =	vor.u32 v3, v4  }
0x33f: {  	v4 =	vperm.xlane v3, v0;
	_ =	sdelay $0x1  }
0x340: {  	v4 =	vadd.s32 v1, v4;
	_ =	sdelay $0x1  }
0x341: {  	v3 =	vperm.xlane v3, v2;
	_ =	sdelay $0x1  }
0x342: {  	v3 =	vadd.s32 v1, v3  }
0x343: {  	[tilespmem:s8], [sflag:$0x1] =	stream.indirect_vreg.gather [hbm4b:s2+s3], $0x80, v4, vm0, $0xb8;
	[tilespmem:$0x10800] =	vst v63  }
0x344: {  	s20 =	simm.s32 $0x1000  }
0x345: {  	[tilespmem:s20], [sflag:$0x1] =	stream.indirect_vreg.gather [hbm4b:s5+s3], $0x80, v4, vm0, $0xb8;
	[tilespmem:$0x10800] =	vst v63  }
0x346: {  	s21 =	simm.s32 $0x1800  }
0x347: {  	[tilespmem:s21], [sflag:$0x1] =	stream.indirect_vreg.gather [hbm4b:s2+s3], $0x80, v3, vm0, $0xb8;
	[tilespmem:$0x10800] =	vst v63  }
0x348: {  	s9 =	simm.s32 $0x2000  }
0x349: {  	[tilespmem:s9], [sflag:$0x1] =	stream.indirect_vreg.gather [hbm4b:s5+s3], $0x80, v3, vm0, $0xb8;
	[tilespmem:$0x10800] =	vst v63  }
0x34a: {  	v3 =	vld [tilespmem:$0x610];
	_ =	sdelay $0x4  }
0x34b: {  	v49 =	vshll.u32 v3, $0x2  }
0x34c: {  	v3 =	vand.u32 $0x7, v3;
	v4 =	vand.u32 $0xFFFFFFE0, v49  }
0x34d: {  	v3 =	vor.u32 v3, v4  }
0x34e: {  	v4 =	vperm.xlane v3, v0;
	_ =	sdelay $0x1  }
0x34f: {  	v4 =	vadd.s32 v1, v4;
	_ =	sdelay $0x1  }
0x350: {  	v3 =	vperm.xlane v3, v2;
	_ =	sdelay $0x1  }
0x351: {  	s10 =	simm.s32 $0x2800;
	v3 =	vadd.s32 v1, v3  }
0x352: {  	[tilespmem:s10], [sflag:$0x1] =	stream.indirect_vreg.gather [hbm4b:s2+s3], $0x80, v4, vm0, $0xb8;
	[tilespmem:$0x10800] =	vst v63  }
0x353: {  	s22 =	simm.s32 $0x3000  }
0x354: {  	[tilespmem:s22], [sflag:$0x1] =	stream.indirect_vreg.gather [hbm4b:s5+s3], $0x80, v4, vm0, $0xb8;
	[tilespmem:$0x10800] =	vst v63  }
0x355: {  	s10 =	simm.s32 $0x3800  }
0x356: {  	[tilespmem:s10], [sflag:$0x1] =	stream.indirect_vreg.gather [hbm4b:s2+s3], $0x80, v3, vm0, $0xb8;
	[tilespmem:$0x10800] =	vst v63  }
0x357: {  	s18 =	simm.s32 $0x4000  }
0x358: {  	[tilespmem:s18], [sflag:$0x1] =	stream.indirect_vreg.gather [hbm4b:s5+s3], $0x80, v3, vm0, $0xb8;
	[tilespmem:$0x10800] =	vst v63  }
0x359: {  	v3 =	vld [tilespmem:$0x620];
	_ =	sdelay $0x4  }
0x35a: {  	v50 =	vshll.u32 v3, $0x2  }
0x35b: {  	v3 =	vand.u32 $0x7, v3;
	v4 =	vand.u32 $0xFFFFFFE0, v50  }
0x35c: {  	v3 =	vor.u32 v3, v4  }
0x35d: {  	v4 =	vperm.xlane v3, v0;
	_ =	sdelay $0x1  }
0x35e: {  	v4 =	vadd.s32 v1, v4;
	_ =	sdelay $0x1  }
0x35f: {  	v3 =	vperm.xlane v3, v2;
	_ =	sdelay $0x1  }
0x360: {  	s20 =	simm.s32 $0x4800;
	v3 =	vadd.s32 v1, v3  }
0x361: {  	[tilespmem:s20], [sflag:$0x1] =	stream.indirect_vreg.gather [hbm4b:s2+s3], $0x80, v4, vm0, $0xb8;
	[tilespmem:$0x10800] =	vst v63  }
0x362: {  	s22 =	simm.s32 $0x5000  }
0x363: {  	[tilespmem:s22], [sflag:$0x1] =	stream.indirect_vreg.gather [hbm4b:s5+s3], $0x80, v4, vm0, $0xb8;
	[tilespmem:$0x10800] =	vst v63  }
0x364: {  	s10 =	simm.s32 $0x5800  }
0x365: {  	[tilespmem:s10], [sflag:$0x1] =	stream.indirect_vreg.gather [hbm4b:s2+s3], $0x80, v3, vm0, $0xb8;
	[tilespmem:$0x10800] =	vst v63  }
0x366: {  	s18 =	simm.s32 $0x6000  }
0x367: {  	[tilespmem:s18], [sflag:$0x1] =	stream.indirect_vreg.gather [hbm4b:s5+s3], $0x80, v3, vm0, $0xb8;
	[tilespmem:$0x10800] =	vst v63  }
0x368: {  	v3 =	vld [tilespmem:$0x630];
	_ =	sdelay $0x4  }
0x369: {  	v51 =	vshll.u32 v3, $0x2  }
0x36a: {  	v3 =	vand.u32 $0x7, v3;
	v4 =	vand.u32 $0xFFFFFFE0, v51  }
0x36b: {  	v3 =	vor.u32 v3, v4  }
0x36c: {  	v4 =	vperm.xlane v3, v0;
	_ =	sdelay $0x1  }
0x36d: {  	v4 =	vadd.s32 v1, v4;
	_ =	sdelay $0x1  }
0x36e: {  	v3 =	vperm.xlane v3, v2;
	_ =	sdelay $0x1  }
0x36f: {  	s23 =	simm.s32 $0x6800;
	v3 =	vadd.s32 v1, v3  }
0x370: {  	[tilespmem:s23], [sflag:$0x1] =	stream.indirect_vreg.gather [hbm4b:s2+s3], $0x80, v4, vm0, $0xb8;
	[tilespmem:$0x10800] =	vst v63  }
0x371: {  	s25 =	simm.s32 $0x7000  }
0x372: {  	[tilespmem:s25], [sflag:$0x1] =	stream.indirect_vreg.gather [hbm4b:s5+s3], $0x80, v4, vm0, $0xb8;
	[tilespmem:$0x10800] =	vst v63  }
0x373: {  	s26 =	simm.s32 $0x7800  }
0x374: {  	[tilespmem:s26], [sflag:$0x1] =	stream.indirect_vreg.gather [hbm4b:s2+s3], $0x80, v3, vm0, $0xb8;
	[tilespmem:$0x10800] =	vst v63  }
0x375: {  	s28 =	simm.s32 $0x8000  }
0x376: {  	[tilespmem:s28], [sflag:$0x1] =	stream.indirect_vreg.gather [hbm4b:s5+s3], $0x80, v3, vm0, $0xb8;
	[tilespmem:$0x10800] =	vst v63  }
0x377: {  	_ =	swait.ge [sflag:s16], $0x8000  }
0x378: {  	[sflag:s16] =	ssyncset.done $0x0  }
0x379: {  	s20 =	rddreg [dreg:$0xf];
	[sflag:s16] =	ssyncadd.s32 $0xFFFF8000  }
0x37a: {  	[hbm4b:s20+s3] =	stream.linear.scatter [tilespmem:s24], [sflag:$0x4], $0x8000, $0x38;
	[tilespmem:$0x10800] =	vst v63  }
0x37b: {  	_ =	swait.ge [sflag:s17], $0x8000  }
0x37c: {  	[sflag:s17] =	ssyncset.done $0x0  }
0x37d: {  	[sflag:s17] =	ssyncadd.s32 $0xFFFF8000  }
0x37e: {  	v3 =	vld [tilespmem:$0x680];
	_ =	sdelay $0x4  }
0x37f: {  	v52 =	vshll.u32 v3, $0x2  }
0x380: {  	v3 =	vand.u32 $0x7, v3;
	v4 =	vand.u32 $0xFFFFFFE0, v52  }
0x381: {  	v3 =	vor.u32 v3, v4  }
0x382: {  	v4 =	vperm.xlane v3, v0;
	_ =	sdelay $0x1  }
0x383: {  	v4 =	vadd.s32 v1, v4;
	_ =	sdelay $0x1  }
0x384: {  	v3 =	vperm.xlane v3, v2;
	_ =	sdelay $0x1  }
0x385: {  	v3 =	vadd.s32 v1, v3  }
0x386: {  	[tilespmem:s24], [sflag:$0x2] =	stream.indirect_vreg.gather [hbm4b:s2+s3], $0x80, v4, vm0, $0xb8;
	[tilespmem:$0x10800] =	vst v63  }
0x387: {  	s12 =	simm.s32 $0x9000  }
0x388: {  	[tilespmem:s12], [sflag:$0x2] =	stream.indirect_vreg.gather [hbm4b:s5+s3], $0x80, v4, vm0, $0xb8;
	[tilespmem:$0x10800] =	vst v63  }
0x389: {  	s11 =	simm.s32 $0x9800  }
0x38a: {  	[tilespmem:s11], [sflag:$0x2] =	stream.indirect_vreg.gather [hbm4b:s2+s3], $0x80, v3, vm0, $0xb8;
	[tilespmem:$0x10800] =	vst v63  }
0x38b: {  	s28 =	simm.s32 $0xA000  }
0x38c: {  	[tilespmem:s28], [sflag:$0x2] =	stream.indirect_vreg.gather [hbm4b:s5+s3], $0x80, v3, vm0, $0xb8;
	[tilespmem:$0x10800] =	vst v63  }
0x38d: {  	v3 =	vld [tilespmem:$0x690];
	_ =	sdelay $0x4  }
0x38e: {  	v53 =	vshll.u32 v3, $0x2  }
0x38f: {  	v3 =	vand.u32 $0x7, v3;
	v4 =	vand.u32 $0xFFFFFFE0, v53  }
0x390: {  	v3 =	vor.u32 v3, v4  }
0x391: {  	v4 =	vperm.xlane v3, v0;
	_ =	sdelay $0x1  }
0x392: {  	v4 =	vadd.s32 v1, v4;
	_ =	sdelay $0x1  }
0x393: {  	v3 =	vperm.xlane v3, v2;
	_ =	sdelay $0x1  }
0x394: {  	s13 =	simm.s32 $0xA800;
	v3 =	vadd.s32 v1, v3  }
0x395: {  	[tilespmem:s13], [sflag:$0x2] =	stream.indirect_vreg.gather [hbm4b:s2+s3], $0x80, v4, vm0, $0xb8;
	[tilespmem:$0x10800] =	vst v63  }
0x396: {  	s29 =	simm.s32 $0xB000  }
0x397: {  	[tilespmem:s29], [sflag:$0x2] =	stream.indirect_vreg.gather [hbm4b:s5+s3], $0x80, v4, vm0, $0xb8;
	[tilespmem:$0x10800] =	vst v63  }
0x398: {  	s31 =	simm.s32 $0xB800  }
0x399: {  	[tilespmem:s31], [sflag:$0x2] =	stream.indirect_vreg.gather [hbm4b:s2+s3], $0x80, v3, vm0, $0xb8;
	[tilespmem:$0x10800] =	vst v63  }
0x39a: {  	s30 =	simm.s32 $0xC000  }
0x39b: {  	[tilespmem:s30], [sflag:$0x2] =	stream.indirect_vreg.gather [hbm4b:s5+s3], $0x80, v3, vm0, $0xb8;
	[tilespmem:$0x10800] =	vst v63  }
0x39c: {  	v3 =	vld [tilespmem:$0x6A0];
	_ =	sdelay $0x4  }
0x39d: {  	v54 =	vshll.u32 v3, $0x2  }
0x39e: {  	v3 =	vand.u32 $0x7, v3;
	v4 =	vand.u32 $0xFFFFFFE0, v54  }
0x39f: {  	v3 =	vor.u32 v3, v4  }
0x3a0: {  	v4 =	vperm.xlane v3, v0;
	_ =	sdelay $0x1  }
0x3a1: {  	v4 =	vadd.s32 v1, v4;
	_ =	sdelay $0x1  }
0x3a2: {  	v3 =	vperm.xlane v3, v2;
	_ =	sdelay $0x1  }
0x3a3: {  	s30 =	simm.s32 $0xC800;
	v3 =	vadd.s32 v1, v3  }
0x3a4: {  	[tilespmem:s30], [sflag:$0x2] =	stream.indirect_vreg.gather [hbm4b:s2+s3], $0x80, v4, vm0, $0xb8;
	[tilespmem:$0x10800] =	vst v63  }
0x3a5: {  	s19 =	simm.s32 $0xD000  }
0x3a6: {  	[tilespmem:s19], [sflag:$0x2] =	stream.indirect_vreg.gather [hbm4b:s5+s3], $0x80, v4, vm0, $0xb8;
	[tilespmem:$0x10800] =	vst v63  }
0x3a7: {  	s1 =	simm.s32 $0xD800  }
0x3a8: {  	[tilespmem:s1], [sflag:$0x2] =	stream.indirect_vreg.gather [hbm4b:s2+s3], $0x80, v3, vm0, $0xb8;
	[tilespmem:$0x10800] =	vst v63  }
0x3a9: {  	s31 =	simm.s32 $0xE000  }
0x3aa: {  	[tilespmem:s31], [sflag:$0x2] =	stream.indirect_vreg.gather [hbm4b:s5+s3], $0x80, v3, vm0, $0xb8;
	[tilespmem:$0x10800] =	vst v63  }
0x3ab: {  	v3 =	vld [tilespmem:$0x6B0];
	_ =	sdelay $0x4  }
0x3ac: {  	v55 =	vshll.u32 v3, $0x2  }
0x3ad: {  	v3 =	vand.u32 $0x7, v3;
	v4 =	vand.u32 $0xFFFFFFE0, v55  }
0x3ae: {  	v3 =	vor.u32 v3, v4  }
0x3af: {  	v4 =	vperm.xlane v3, v0;
	_ =	sdelay $0x1  }
0x3b0: {  	v4 =	vadd.s32 v1, v4;
	_ =	sdelay $0x1  }
0x3b1: {  	v3 =	vperm.xlane v3, v2;
	_ =	sdelay $0x1  }
0x3b2: {  	s4 =	simm.s32 $0xE800;
	v3 =	vadd.s32 v1, v3  }
0x3b3: {  	[tilespmem:s4], [sflag:$0x2] =	stream.indirect_vreg.gather [hbm4b:s2+s3], $0x80, v4, vm0, $0xb8;
	[tilespmem:$0x10800] =	vst v63  }
0x3b4: {  	s6 =	simm.s32 $0xF000  }
0x3b5: {  	[tilespmem:s6], [sflag:$0x2] =	stream.indirect_vreg.gather [hbm4b:s5+s3], $0x80, v4, vm0, $0xb8;
	[tilespmem:$0x10800] =	vst v63  }
0x3b6: {  	s7 =	simm.s32 $0xF800  }
0x3b7: {  	[tilespmem:s7], [sflag:$0x2] =	stream.indirect_vreg.gather [hbm4b:s2+s3], $0x80, v3, vm0, $0xb8;
	[tilespmem:$0x10800] =	vst v63  }
0x3b8: {  	s18 =	simm.s32 $0x10000  }
0x3b9: {  	[tilespmem:s18], [sflag:$0x2] =	stream.indirect_vreg.gather [hbm4b:s5+s3], $0x80, v3, vm0, $0xb8;
	[tilespmem:$0x10800] =	vst v63  }
0x3ba: {  	_ =	swait.ge [sflag:s14], $0x8000  }
0x3bb: {  	[sflag:s14] =	ssyncset.done $0x0  }
0x3bc: {  	s31 =	rddreg [dreg:$0x10];
	[sflag:s14] =	ssyncadd.s32 $0xFFFF8000  }
0x3bd: {  	[hbm4b:s31+s3] =	stream.linear.scatter [tilespmem:s8], [sflag:$0x3], $0x8000, $0x38;
	[tilespmem:$0x10800] =	vst v63  }
0x3be: {  	_ =	swait.ge [sflag:s15], $0x8000  }
0x3bf: {  	[sflag:s15] =	ssyncset.done $0x0  }
0x3c0: {  	[sflag:s15] =	ssyncadd.s32 $0xFFFF8000  }
0x3c1: {  	v3 =	vld [tilespmem:$0x700];
	_ =	sdelay $0x4  }
0x3c2: {  	v56 =	vshll.u32 v3, $0x2  }
0x3c3: {  	v3 =	vand.u32 $0x7, v3;
	v4 =	vand.u32 $0xFFFFFFE0, v56  }
0x3c4: {  	v3 =	vor.u32 v3, v4  }
0x3c5: {  	v4 =	vperm.xlane v3, v0;
	_ =	sdelay $0x1  }
0x3c6: {  	v4 =	vadd.s32 v1, v4;
	_ =	sdelay $0x1  }
0x3c7: {  	v3 =	vperm.xlane v3, v2;
	_ =	sdelay $0x1  }
0x3c8: {  	v3 =	vadd.s32 v1, v3  }
0x3c9: {  	[tilespmem:s8], [sflag:$0x1] =	stream.indirect_vreg.gather [hbm4b:s2+s3], $0x80, v4, vm0, $0xb8;
	[tilespmem:$0x10800] =	vst v63  }
0x3ca: {  	s31 =	simm.s32 $0x1000  }
0x3cb: {  	[tilespmem:s31], [sflag:$0x1] =	stream.indirect_vreg.gather [hbm4b:s5+s3], $0x80, v4, vm0, $0xb8;
	[tilespmem:$0x10800] =	vst v63  }
0x3cc: {  	s31 =	simm.s32 $0x1800  }
0x3cd: {  	[tilespmem:s31], [sflag:$0x1] =	stream.indirect_vreg.gather [hbm4b:s2+s3], $0x80, v3, vm0, $0xb8;
	[tilespmem:$0x10800] =	vst v63  }
0x3ce: {  	s31 =	simm.s32 $0x2000  }
0x3cf: {  	[tilespmem:s31], [sflag:$0x1] =	stream.indirect_vreg.gather [hbm4b:s5+s3], $0x80, v3, vm0, $0xb8;
	[tilespmem:$0x10800] =	vst v63  }
0x3d0: {  	v3 =	vld [tilespmem:$0x710];
	_ =	sdelay $0x4  }
0x3d1: {  	v57 =	vshll.u32 v3, $0x2  }
0x3d2: {  	v3 =	vand.u32 $0x7, v3;
	v4 =	vand.u32 $0xFFFFFFE0, v57  }
0x3d3: {  	v3 =	vor.u32 v3, v4  }
0x3d4: {  	v4 =	vperm.xlane v3, v0;
	_ =	sdelay $0x1  }
0x3d5: {  	v4 =	vadd.s32 v1, v4;
	_ =	sdelay $0x1  }
0x3d6: {  	v3 =	vperm.xlane v3, v2;
	_ =	sdelay $0x1  }
0x3d7: {  	s0 =	simm.s32 $0x2800;
	v3 =	vadd.s32 v1, v3  }
0x3d8: {  	[tilespmem:s0], [sflag:$0x1] =	stream.indirect_vreg.gather [hbm4b:s2+s3], $0x80, v4, vm0, $0xb8;
	[tilespmem:$0x10800] =	vst v63  }
0x3d9: {  	s21 =	simm.s32 $0x3000  }
0x3da: {  	[tilespmem:s21], [sflag:$0x1] =	stream.indirect_vreg.gather [hbm4b:s5+s3], $0x80, v4, vm0, $0xb8;
	[tilespmem:$0x10800] =	vst v63  }
0x3db: {  	s31 =	simm.s32 $0x3800  }
0x3dc: {  	[tilespmem:s31], [sflag:$0x1] =	stream.indirect_vreg.gather [hbm4b:s2+s3], $0x80, v3, vm0, $0xb8;
	[tilespmem:$0x10800] =	vst v63  }
0x3dd: {  	s18 =	simm.s32 $0x4000  }
0x3de: {  	[tilespmem:s18], [sflag:$0x1] =	stream.indirect_vreg.gather [hbm4b:s5+s3], $0x80, v3, vm0, $0xb8;
	[tilespmem:$0x10800] =	vst v63  }
0x3df: {  	v3 =	vld [tilespmem:$0x720];
	_ =	sdelay $0x4  }
0x3e0: {  	v58 =	vshll.u32 v3, $0x2  }
0x3e1: {  	v3 =	vand.u32 $0x7, v3;
	v4 =	vand.u32 $0xFFFFFFE0, v58  }
0x3e2: {  	v3 =	vor.u32 v3, v4  }
0x3e3: {  	v4 =	vperm.xlane v3, v0;
	_ =	sdelay $0x1  }
0x3e4: {  	v4 =	vadd.s32 v1, v4;
	_ =	sdelay $0x1  }
0x3e5: {  	v3 =	vperm.xlane v3, v2;
	_ =	sdelay $0x1  }
0x3e6: {  	s21 =	simm.s32 $0x4800;
	v3 =	vadd.s32 v1, v3  }
0x3e7: {  	[tilespmem:s21], [sflag:$0x1] =	stream.indirect_vreg.gather [hbm4b:s2+s3], $0x80, v4, vm0, $0xb8;
	[tilespmem:$0x10800] =	vst v63  }
0x3e8: {  	s31 =	simm.s32 $0x5000  }
0x3e9: {  	[tilespmem:s31], [sflag:$0x1] =	stream.indirect_vreg.gather [hbm4b:s5+s3], $0x80, v4, vm0, $0xb8;
	[tilespmem:$0x10800] =	vst v63  }
0x3ea: {  	s18 =	simm.s32 $0x5800  }
0x3eb: {  	[tilespmem:s18], [sflag:$0x1] =	stream.indirect_vreg.gather [hbm4b:s2+s3], $0x80, v3, vm0, $0xb8;
	[tilespmem:$0x10800] =	vst v63  }
0x3ec: {  	s21 =	simm.s32 $0x6000  }
0x3ed: {  	[tilespmem:s21], [sflag:$0x1] =	stream.indirect_vreg.gather [hbm4b:s5+s3], $0x80, v3, vm0, $0xb8;
	[tilespmem:$0x10800] =	vst v63  }
0x3ee: {  	v3 =	vld [tilespmem:$0x730];
	_ =	sdelay $0x4  }
0x3ef: {  	v59 =	vshll.u32 v3, $0x2  }
0x3f0: {  	v3 =	vand.u32 $0x7, v3;
	v4 =	vand.u32 $0xFFFFFFE0, v59  }
0x3f1: {  	v3 =	vor.u32 v3, v4  }
0x3f2: {  	v4 =	vperm.xlane v3, v0;
	_ =	sdelay $0x1  }
0x3f3: {  	v4 =	vadd.s32 v1, v4;
	_ =	sdelay $0x1  }
0x3f4: {  	v3 =	vperm.xlane v3, v2;
	_ =	sdelay $0x1  }
0x3f5: {  	s22 =	simm.s32 $0x6800;
	v3 =	vadd.s32 v1, v3  }
0x3f6: {  	[tilespmem:s22], [sflag:$0x1] =	stream.indirect_vreg.gather [hbm4b:s2+s3], $0x80, v4, vm0, $0xb8;
	[tilespmem:$0x10800] =	vst v63  }
0x3f7: {  	s23 =	simm.s32 $0x7000  }
0x3f8: {  	[tilespmem:s23], [sflag:$0x1] =	stream.indirect_vreg.gather [hbm4b:s5+s3], $0x80, v4, vm0, $0xb8;
	[tilespmem:$0x10800] =	vst v63  }
0x3f9: {  	s25 =	simm.s32 $0x7800  }
0x3fa: {  	[tilespmem:s25], [sflag:$0x1] =	stream.indirect_vreg.gather [hbm4b:s2+s3], $0x80, v3, vm0, $0xb8;
	[tilespmem:$0x10800] =	vst v63  }
0x3fb: {  	s26 =	simm.s32 $0x8000  }
0x3fc: {  	[tilespmem:s26], [sflag:$0x1] =	stream.indirect_vreg.gather [hbm4b:s5+s3], $0x80, v3, vm0, $0xb8;
	[tilespmem:$0x10800] =	vst v63  }
0x3fd: {  	s0 =	rddreg [dreg:$0x15];
	_ =	swait.ge [sflag:s16], $0x8000  }
0x3fe: {  	[sflag:s16] =	ssyncset.done $0x0  }
0x3ff: {  	s25 =	rddreg [dreg:$0x11];
	[sflag:s16] =	ssyncadd.s32 $0xFFFF8000  }
0x400: {  	[hbm4b:s25+s3] =	stream.linear.scatter [tilespmem:s24], [sflag:$0x4], $0x8000, $0x38;
	[tilespmem:$0x10800] =	vst v63  }
0x401: {  	_ =	swait.ge [sflag:s17], $0x8000  }
0x402: {  	[sflag:s17] =	ssyncset.done $0x0  }
0x403: {  	[sflag:s17] =	ssyncadd.s32 $0xFFFF8000  }
0x404: {  	v3 =	vld [tilespmem:$0x780];
	_ =	sdelay $0x4  }
0x405: {  	v60 =	vshll.u32 v3, $0x2  }
0x406: {  	v3 =	vand.u32 $0x7, v3;
	v4 =	vand.u32 $0xFFFFFFE0, v60  }
0x407: {  	v3 =	vor.u32 v3, v4  }
0x408: {  	v4 =	vperm.xlane v3, v0;
	_ =	sdelay $0x1  }
0x409: {  	v4 =	vadd.s32 v1, v4;
	_ =	sdelay $0x1  }
0x40a: {  	v3 =	vperm.xlane v3, v2;
	_ =	sdelay $0x1  }
0x40b: {  	v3 =	vadd.s32 v1, v3  }
0x40c: {  	[tilespmem:s24], [sflag:$0x2] =	stream.indirect_vreg.gather [hbm4b:s2+s3], $0x80, v4, vm0, $0xb8;
	[tilespmem:$0x10800] =	vst v63  }
0x40d: {  	s9 =	simm.s32 $0x9000  }
0x40e: {  	[tilespmem:s9], [sflag:$0x2] =	stream.indirect_vreg.gather [hbm4b:s5+s3], $0x80, v4, vm0, $0xb8;
	[tilespmem:$0x10800] =	vst v63  }
0x40f: {  	s10 =	simm.s32 $0x9800  }
0x410: {  	[tilespmem:s10], [sflag:$0x2] =	stream.indirect_vreg.gather [hbm4b:s2+s3], $0x80, v3, vm0, $0xb8;
	[tilespmem:$0x10800] =	vst v63  }
0x411: {  	s26 =	simm.s32 $0xA000  }
0x412: {  	[tilespmem:s26], [sflag:$0x2] =	stream.indirect_vreg.gather [hbm4b:s5+s3], $0x80, v3, vm0, $0xb8;
	[tilespmem:$0x10800] =	vst v63  }
0x413: {  	v3 =	vld [tilespmem:$0x790];
	_ =	sdelay $0x4  }
0x414: {  	v61 =	vshll.u32 v3, $0x2  }
0x415: {  	v3 =	vand.u32 $0x7, v3;
	v4 =	vand.u32 $0xFFFFFFE0, v61  }
0x416: {  	v3 =	vor.u32 v3, v4  }
0x417: {  	v4 =	vperm.xlane v3, v0;
	_ =	sdelay $0x1  }
0x418: {  	v4 =	vadd.s32 v1, v4;
	_ =	sdelay $0x1  }
0x419: {  	v3 =	vperm.xlane v3, v2;
	_ =	sdelay $0x1  }
0x41a: {  	s11 =	simm.s32 $0xA800;
	v3 =	vadd.s32 v1, v3  }
0x41b: {  	[tilespmem:s11], [sflag:$0x2] =	stream.indirect_vreg.gather [hbm4b:s2+s3], $0x80, v4, vm0, $0xb8;
	[tilespmem:$0x10800] =	vst v63  }
0x41c: {  	s28 =	simm.s32 $0xB000  }
0x41d: {  	[tilespmem:s28], [sflag:$0x2] =	stream.indirect_vreg.gather [hbm4b:s5+s3], $0x80, v4, vm0, $0xb8;
	[tilespmem:$0x10800] =	vst v63  }
0x41e: {  	s20 =	simm.s32 $0xB800  }
0x41f: {  	[tilespmem:s20], [sflag:$0x2] =	stream.indirect_vreg.gather [hbm4b:s2+s3], $0x80, v3, vm0, $0xb8;
	[tilespmem:$0x10800] =	vst v63  }
0x420: {  	s29 =	simm.s32 $0xC000  }
0x421: {  	[tilespmem:s29], [sflag:$0x2] =	stream.indirect_vreg.gather [hbm4b:s5+s3], $0x80, v3, vm0, $0xb8;
	[tilespmem:$0x10800] =	vst v63  }
0x422: {  	v3 =	vld [tilespmem:$0x7A0];
	_ =	sdelay $0x4  }
0x423: {  	v62 =	vshll.u32 v3, $0x2  }
0x424: {  	v3 =	vand.u32 $0x7, v3;
	v4 =	vand.u32 $0xFFFFFFE0, v62  }
0x425: {  	v3 =	vor.u32 v3, v4  }
0x426: {  	v4 =	vperm.xlane v3, v0;
	_ =	sdelay $0x1  }
0x427: {  	v4 =	vadd.s32 v1, v4;
	_ =	sdelay $0x1  }
0x428: {  	v3 =	vperm.xlane v3, v2;
	_ =	sdelay $0x1  }
0x429: {  	s30 =	simm.s32 $0xC800;
	v3 =	vadd.s32 v1, v3  }
0x42a: {  	[tilespmem:s30], [sflag:$0x2] =	stream.indirect_vreg.gather [hbm4b:s2+s3], $0x80, v4, vm0, $0xb8;
	[tilespmem:$0x10800] =	vst v63  }
0x42b: {  	s12 =	simm.s32 $0xD000  }
0x42c: {  	[tilespmem:s12], [sflag:$0x2] =	stream.indirect_vreg.gather [hbm4b:s5+s3], $0x80, v4, vm0, $0xb8;
	[tilespmem:$0x10800] =	vst v63  }
0x42d: {  	s13 =	simm.s32 $0xD800  }
0x42e: {  	[tilespmem:s13], [sflag:$0x2] =	stream.indirect_vreg.gather [hbm4b:s2+s3], $0x80, v3, vm0, $0xb8;
	[tilespmem:$0x10800] =	vst v63  }
0x42f: {  	s19 =	simm.s32 $0xE000  }
0x430: {  	[tilespmem:s19], [sflag:$0x2] =	stream.indirect_vreg.gather [hbm4b:s5+s3], $0x80, v3, vm0, $0xb8;
	[tilespmem:$0x10800] =	vst v63  }
0x431: {  	v3 =	vld [tilespmem:$0x7B0];
	_ =	sdelay $0x4  }
0x432: {  	v63 =	vshll.u32 v3, $0x2  }
0x433: {  	v3 =	vand.u32 $0x7, v3;
	v4 =	vand.u32 $0xFFFFFFE0, v63  }
0x434: {  	v3 =	vor.u32 v3, v4  }
0x435: {  	v4 =	vperm.xlane v3, v0;
	_ =	sdelay $0x1  }
0x436: {  	v4 =	vadd.s32 v1, v4;
	_ =	sdelay $0x1  }
0x437: {  	v3 =	vperm.xlane v3, v2;
	_ =	sdelay $0x1  }
0x438: {  	s1 =	simm.s32 $0xE800;
	v3 =	vadd.s32 v1, v3  }
0x439: {  	[tilespmem:s1], [sflag:$0x2] =	stream.indirect_vreg.gather [hbm4b:s2+s3], $0x80, v4, vm0, $0xb8;
	[tilespmem:$0x10800] =	vst v63  }
0x43a: {  	s4 =	simm.s32 $0xF000  }
0x43b: {  	[tilespmem:s4], [sflag:$0x2] =	stream.indirect_vreg.gather [hbm4b:s5+s3], $0x80, v4, vm0, $0xb8;
	[tilespmem:$0x10800] =	vst v63  }
0x43c: {  	s6 =	simm.s32 $0xF800  }
0x43d: {  	[tilespmem:s6], [sflag:$0x2] =	stream.indirect_vreg.gather [hbm4b:s2+s3], $0x80, v3, vm0, $0xb8;
	[tilespmem:$0x10800] =	vst v63  }
0x43e: {  	s7 =	simm.s32 $0x10000  }
0x43f: {  	[tilespmem:s7], [sflag:$0x2] =	stream.indirect_vreg.gather [hbm4b:s5+s3], $0x80, v3, vm0, $0xb8;
	[tilespmem:$0x10800] =	vst v63  }
0x440: {  	_ =	swait.ge [sflag:s14], $0x8000  }
0x441: {  	[sflag:s14] =	ssyncset.done $0x0  }
0x442: {  	s30 =	rddreg [dreg:$0x12];
	[sflag:s14] =	ssyncadd.s32 $0xFFFF8000  }
0x443: {  	[hbm4b:s30+s3] =	stream.linear.scatter [tilespmem:s8], [sflag:$0x3], $0x8000, $0x38;
	[tilespmem:$0x10800] =	vst v63  }
0x444: {  	_ =	swait.ge [sflag:s16], $0x8000  }
0x445: {  	[sflag:s16] =	ssyncset.done $0x0  }
0x446: {  	s31 =	rddreg [dreg:$0x13];
	[sflag:s16] =	ssyncadd.s32 $0xFFFF8000  }
0x447: {  	[hbm4b:s31+s3] =	stream.linear.scatter [tilespmem:s24], [sflag:$0x4], $0x8000, $0x38;
	[tilespmem:$0x10800] =	vst v63  }
0x448: {  	p0 =	sne.s32 s0, $0x1;
	_ =	swait.ge [sflag:s15], $0x8000  }
.Ltmp0:
0x449: {  	[sflag:s15] =	ssyncset.done $0x0;
	(pc) =	sbr.rel @p0 .LBB2_1-.Ltmp0, $4  }
0x44a: {  	[sflag:s15] =	ssyncadd.s32 $0xFFFF8000  }
0x44b: {  	_ =	swait.ge [sflag:s17], $0x8000  }
0x44c: {  	[sflag:s17] =	ssyncset.done $0x0  }
0x44d: {  	s0 =	sadd.s32 $0xFFFFFFFF, s0;
	[sflag:s17] =	ssyncadd.s32 $0xFFFF8000  }
0x44e: {  	_ =	sfence.sel $0x180000  }
0x44f: {  	[bflag:$0x0] =	sbarrier.arrive $0xFFFF  }
0x450: {  	_ =	strace $0x90000047  }
0x451: {  	s0 =	stileid.u32;
	[bflag:$0x2] =	sbarrier.arrive $0xFFFF  }
0x452: {  	p0 =	sne.s32 s0, $0x0;
	s0 =	rddreg [dreg:$0x3]  }
0x453: {  	s0 =	sadd.s32 @!p0 $0x100000, s0  }
0x454: {  	[sflag:s0] =	ssyncadd.tile.s32 @!p0 $0x1;
	_ =	shalt  }
.Lfunc_end2:
_tile_overlayer_lowered:
.L_overlay_start_2:
0x455: {  	(tag) =	ssettag $0x2  }
0x456: {  	s0 =	rddreg [dreg:$0x0];
	s2 =	stileid.u32  }
0x457: {  	s1 =	rddreg [dreg:$0x1];
	p0 =	sne.s32 s2, $0x0  }
0x458: {  	s3 =	rddreg [dreg:$0x2];
	[bflag:$0x3] =	sbarrier.arrive $0xFFFF;
	s2 =	simm.s32 @!p0 $0x1C05  }
0x459: {  	[timem:s3], [sflag:s2] =	dma.local @!p0 [hbm:s0], s1  }
0x45a: {  	s0 =	simm.s32 @!p0 $0x5  }
0x45b: {  	_ =	swait.ge @!p0 [sflag:s0], s1  }
0x45c: {  	s1 =	ssub.s32 @!p0 $0x0, s1;
	[sflag:s0] =	ssyncset.done @!p0 $0x0  }
0x45d: {  	[sflag:s0] =	ssyncadd.s32 @!p0 s1  }
0x45e: {  	[bflag:$0x3] =	sbarrier.arrive $0xFFFF  }
0x45f: {  	_ =	shalt  }

</sc_bundles>
